<compile_context>
chip_gen: v7x
topology: tpu7x:2x2x1
jax: 0.10.2.dev20260603
libtpu: 0.0.44.dev20260713+nightly
codegen_flags: <defaults>
</compile_context>

<pallas_src>
import jax
import jax.numpy as jnp
from jax import lax
from jax.experimental import pallas as pl
from jax.experimental.pallas import tpu as pltpu
from jax.experimental.pallas import tpu_sc as plsc

BATCH = 16384
FEAT = 129
NFEAT = FEAT - 1
EMBED_DIM = 64
OUT_DIM = NFEAT + EMBED_DIM
TPAD = 128
TROWS = 1024

NC = 2
NS = 16
L = 16
NW = NC * NS

ROWS_PER_W = BATCH // NW
CHUNK = 64
NCHUNK = ROWS_PER_W // CHUNK
NBUF = 4


def _sc_body(inputs_hbm, idx_hbm, table_hbm, out_hbm,
             idx_v, emb_v, out_v, tstage_v, spt, sem_f, sem_g, sem_o,
             sem_s, sem_i):
    sid = lax.axis_index("s")
    wid = sid * NC + lax.axis_index("c")
    base = wid * ROWS_PER_W

    def feat_issue(ch, b):
        rb = base + ch * CHUNK
        return pltpu.async_copy(
            inputs_hbm.at[pl.ds(rb, CHUNK), pl.ds(0, NFEAT)],
            out_v.at[b, :, pl.ds(0, NFEAT)], sem_f)

    def g_issue(ch, b):
        return pltpu.async_copy(
            spt.at[idx_v.at[pl.ds(ch * CHUNK, CHUNK)]],
            emb_v.at[b], sem_g)

    feat_ds = [feat_issue(0, 0), feat_issue(1, 1), feat_issue(2, 2), None]
    idx_d = pltpu.async_copy(idx_hbm.at[pl.ds(base, ROWS_PER_W)], idx_v,
                             sem_i)
    trows = TROWS // NS
    half = trows // 2
    h0 = pltpu.async_copy(
        table_hbm.at[pl.ds(sid * trows, half), :],
        tstage_v.at[pl.ds(0, half), :], sem_s)
    h1 = pltpu.async_copy(
        table_hbm.at[pl.ds(sid * trows + half, half), :],
        tstage_v.at[pl.ds(half, half), :], sem_s)
    h0.wait()
    s0 = pltpu.async_copy(
        tstage_v.at[pl.ds(0, half), :],
        spt.at[pl.ds(sid * trows, half), :], sem_i)
    h1.wait()
    s1 = pltpu.async_copy(
        tstage_v.at[pl.ds(half, half), :],
        spt.at[pl.ds(sid * trows + half, half), :], sem_i)
    s0.wait()
    s1.wait()
    idx_d.wait()
    plsc.subcore_barrier()
    g_ds = [g_issue(0, 0), g_issue(1, 1), g_issue(2, 2), None]
    out_ds = [None, None, None, None]
    for ch in range(NCHUNK):
        b = ch % NBUF
        g_ds[b].wait()
        feat_ds[b].wait()

        @plsc.parallel_loop(0, CHUNK, 1, unroll=4)
        def fold(r):
            for c in range(EMBED_DIM // L):
                out_v[b, r, pl.ds(NFEAT + c * L, L)] = \
                    emb_v[b, r, pl.ds(c * L, L)]
        out_ds[b] = pltpu.async_copy(
            out_v.at[b], out_hbm.at[pl.ds(base + ch * CHUNK, CHUNK), :],
            sem_o)
        nch = ch + 3
        if nch < NCHUNK:
            nb = nch % NBUF
            if out_ds[nb] is not None:
                out_ds[nb].wait()
            feat_ds[nb] = feat_issue(nch, nb)
            g_ds[nb] = g_issue(nch, nb)
    for b in range(NBUF):
        if out_ds[b] is not None:
            out_ds[b].wait()


@jax.jit
def _personalized_input(inputs, table):
    mesh = plsc.VectorSubcoreMesh(
        core_axis_name="c", subcore_axis_name="s",
        num_cores=NC, num_subcores=NS)
    call = pl.kernel(
        _sc_body,
        out_type=jax.ShapeDtypeStruct((BATCH, OUT_DIM), jnp.float32),
        mesh=mesh,
        compiler_params=pltpu.CompilerParams(use_tc_tiling_on_sc=True),
        scratch_types=[
            pltpu.VMEM((ROWS_PER_W,), jnp.int32),
            pltpu.VMEM((NBUF, CHUNK, TPAD), jnp.float32),
            pltpu.VMEM((NBUF, CHUNK, OUT_DIM), jnp.float32),
            pltpu.VMEM((TROWS // NS, TPAD), jnp.float32),
            pltpu.VMEM_SHARED((TROWS, TPAD), jnp.float32),
            pltpu.SemaphoreType.DMA,
            pltpu.SemaphoreType.DMA,
            pltpu.SemaphoreType.DMA,
            pltpu.SemaphoreType.DMA,
            pltpu.SemaphoreType.DMA,
        ],
    )
    table_pad = jnp.pad(
        table, ((0, TROWS - table.shape[0]), (0, TPAD - EMBED_DIM)))
    return call(inputs, inputs[:, -1].astype(jnp.int32), table_pad)


def kernel(inputs, table):
    return _personalized_input(inputs, table)

# --- scband reference (transcript-rebuilt; emitter-appended) ---
"""Pipeline reference for scband-personalized-input-62130996904626 (READ-ONLY COPY).

The authoritative reference and input builder live on the scoring server;
editing this copy changes nothing except your own understanding.
"""

import jax, jax.numpy as jnp
import numpy as np

NUM_USERS = 1000
EMBED_DIM = 64
BATCH = 16384
FEAT = 129

def setup_inputs(seed: int = 0) -> dict:
    key = jax.random.key(seed)
    k1, k2 = jax.random.split(key)
    # inputs: float tensor whose last column holds integer user ids in [0, NUM_USERS)
    inputs = jax.random.randint(k1, (BATCH, FEAT), 0, NUM_USERS).astype(jnp.float32)
    # embedding table, as built by keras.layers.Embedding (uniform init)
    table = jax.random.uniform(k2, (NUM_USERS, EMBED_DIM), dtype=jnp.float32, minval=-0.05, maxval=0.05)
    return {"inputs": inputs, "table": table}

def reference(inputs, table):
    # PersonalizedInput.call: embedding lookup on last column, concat with remaining features
    idx = inputs[:, -1].astype(jnp.int32)
    embedding = jnp.take(table, idx, axis=0)  # [B, EMBED_DIM]
    new_inputs = jnp.concatenate([inputs[:, :-1], embedding], axis=-1)  # [B, FEAT-1+EMBED_DIM]
    return new_inputs

if __name__ == "__main__":
    import jax
    _d = setup_inputs()
    print(jax.jit(kernel)(*tuple(_d.values())))

</pallas_src>

<mosaic_0001>
#map = affine_map<(d0, d1) -> (0, 0)>
#map1 = affine_map<(d0, d1) -> (0)>
module attributes {stable_mosaic.version = 14 : i64} {
  func.func @_sc_body(%arg0: i32, %arg1: i32, %arg2: memref<16384x129xf32, #tpu.memory_space<hbm>>, %arg3: memref<16384xi32, #tpu.memory_space<hbm>>, %arg4: memref<1024x128xf32, #tpu.memory_space<hbm>>, %arg5: memref<16384x192xf32, #tpu.memory_space<hbm>>, %arg6: memref<512xi32, #tpu.memory_space<vmem>>, %arg7: memref<4x64x128xf32, #tpu.memory_space<vmem>>, %arg8: memref<4x64x192xf32, #tpu.memory_space<vmem>>, %arg9: memref<64x128xf32, #tpu.memory_space<vmem>>, %arg10: memref<1024x128xf32, #tpu.memory_space<vmem_shared>>, %arg11: memref<!tpu.dma_semaphore, #tpu.memory_space<semaphore_mem>>, %arg12: memref<!tpu.dma_semaphore, #tpu.memory_space<semaphore_mem>>, %arg13: memref<!tpu.dma_semaphore, #tpu.memory_space<semaphore_mem>>, %arg14: memref<!tpu.dma_semaphore, #tpu.memory_space<semaphore_mem>>, %arg15: memref<!tpu.dma_semaphore, #tpu.memory_space<semaphore_mem>>) attributes {dimension_semantics = [#tpu.dimension_semantics<core_parallel>, #tpu.dimension_semantics<subcore_parallel>], iteration_bounds = array<i64: 2, 16>, scalar_prefetch = 0 : i64, scratch_operands = 10 : i64, tpu.core_type = #tpu.core_type<sc_vector_subcore>, window_params = [{transform_indices = #map}, {transform_indices = #map1}, {transform_indices = #map}, {transform_indices = #map}]} {
    %mul3A = arith.constant 2 : i32
    %mul3A_0 = arith.muli %arg1, %mul3A : i32
    %add3A = arith.addi %mul3A_0, %arg0 : i32
    %mul3A_1 = arith.constant 512 : i32
    %mul3A_2 = arith.muli %add3A, %mul3A_1 : i32
    %add3A_3 = arith.constant 0 : i32
    %add3A_4 = arith.addi %mul3A_2, %add3A_3 : i32
    %dma_start3A = arith.constant 0 : i32
    %dma_start3A_5 = arith.constant 0 : i32
    %dma_start3A_6 = arith.constant 0 : i32
    %dma_start3A_7 = tpu.memref_slice %arg8[%dma_start3A, %dma_start3A_5, %dma_start3A_6] : memref<4x64x192xf32, #tpu.memory_space<vmem>> -> memref<1x64x128xf32, #tpu.memory_space<vmem>>
    %dma_start3A_8 = tpu.memref_squeeze %dma_start3A_7 : memref<1x64x128xf32, #tpu.memory_space<vmem>> -> memref<64x128xf32, #tpu.memory_space<vmem>>
    %dma_start3A_9 = arith.constant 0 : i32
    %dma_start3A_10 = tpu.memref_slice %arg2[%add3A_4, %dma_start3A_9] : memref<16384x129xf32, #tpu.memory_space<hbm>> -> memref<64x128xf32, #tpu.memory_space<hbm>>
    %dma_start3A_11 = arith.constant 0 : i32
    %dma_start3A_12 = arith.constant 0 : i32
    %dma_start3A_13 = tpu.memref_slice %arg8[%dma_start3A, %dma_start3A_11, %dma_start3A_12] : memref<4x64x192xf32, #tpu.memory_space<vmem>> -> memref<1x64x128xf32, #tpu.memory_space<vmem>>
    %dma_start3A_14 = tpu.memref_squeeze %dma_start3A_13 : memref<1x64x128xf32, #tpu.memory_space<vmem>> -> memref<64x128xf32, #tpu.memory_space<vmem>>
    %dma_start3A_15 = arith.constant 0 : i32
    %dma_start3A_16 = tpu.memref_slice %arg2[%add3A_4, %dma_start3A_15] : memref<16384x129xf32, #tpu.memory_space<hbm>> -> memref<64x128xf32, #tpu.memory_space<hbm>>
    tpu.enqueue_dma source(%dma_start3A_16 : memref<64x128xf32, #tpu.memory_space<hbm>>) target(%dma_start3A_14 : memref<64x128xf32, #tpu.memory_space<vmem>>) target_semaphore(%arg11 : memref<!tpu.dma_semaphore, #tpu.memory_space<semaphore_mem>>)
    %add3A_17 = arith.constant 64 : i32
    %add3A_18 = arith.addi %mul3A_2, %add3A_17 : i32
    %dma_start3A_19 = arith.constant 1 : i32
    %dma_start3A_20 = arith.constant 0 : i32
    %dma_start3A_21 = arith.constant 0 : i32
    %dma_start3A_22 = tpu.memref_slice %arg8[%dma_start3A_19, %dma_start3A_20, %dma_start3A_21] : memref<4x64x192xf32, #tpu.memory_space<vmem>> -> memref<1x64x128xf32, #tpu.memory_space<vmem>>
    %dma_start3A_23 = tpu.memref_squeeze %dma_start3A_22 : memref<1x64x128xf32, #tpu.memory_space<vmem>> -> memref<64x128xf32, #tpu.memory_space<vmem>>
    %dma_start3A_24 = arith.constant 0 : i32
    %dma_start3A_25 = tpu.memref_slice %arg2[%add3A_18, %dma_start3A_24] : memref<16384x129xf32, #tpu.memory_space<hbm>> -> memref<64x128xf32, #tpu.memory_space<hbm>>
    %dma_start3A_26 = arith.constant 0 : i32
    %dma_start3A_27 = arith.constant 0 : i32
    %dma_start3A_28 = tpu.memref_slice %arg8[%dma_start3A_19, %dma_start3A_26, %dma_start3A_27] : memref<4x64x192xf32, #tpu.memory_space<vmem>> -> memref<1x64x128xf32, #tpu.memory_space<vmem>>
    %dma_start3A_29 = tpu.memref_squeeze %dma_start3A_28 : memref<1x64x128xf32, #tpu.memory_space<vmem>> -> memref<64x128xf32, #tpu.memory_space<vmem>>
    %dma_start3A_30 = arith.constant 0 : i32
    %dma_start3A_31 = tpu.memref_slice %arg2[%add3A_18, %dma_start3A_30] : memref<16384x129xf32, #tpu.memory_space<hbm>> -> memref<64x128xf32, #tpu.memory_space<hbm>>
    tpu.enqueue_dma source(%dma_start3A_31 : memref<64x128xf32, #tpu.memory_space<hbm>>) target(%dma_start3A_29 : memref<64x128xf32, #tpu.memory_space<vmem>>) target_semaphore(%arg11 : memref<!tpu.dma_semaphore, #tpu.memory_space<semaphore_mem>>)
    %add3A_32 = arith.constant 128 : i32
    %add3A_33 = arith.addi %mul3A_2, %add3A_32 : i32
    %dma_start3A_34 = arith.constant 2 : i32
    %dma_start3A_35 = arith.constant 0 : i32
    %dma_start3A_36 = arith.constant 0 : i32
    %dma_start3A_37 = tpu.memref_slice %arg8[%dma_start3A_34, %dma_start3A_35, %dma_start3A_36] : memref<4x64x192xf32, #tpu.memory_space<vmem>> -> memref<1x64x128xf32, #tpu.memory_space<vmem>>
    %dma_start3A_38 = tpu.memref_squeeze %dma_start3A_37 : memref<1x64x128xf32, #tpu.memory_space<vmem>> -> memref<64x128xf32, #tpu.memory_space<vmem>>
    %dma_start3A_39 = arith.constant 0 : i32
    %dma_start3A_40 = tpu.memref_slice %arg2[%add3A_33, %dma_start3A_39] : memref<16384x129xf32, #tpu.memory_space<hbm>> -> memref<64x128xf32, #tpu.memory_space<hbm>>
    %dma_start3A_41 = arith.constant 0 : i32
    %dma_start3A_42 = arith.constant 0 : i32
    %dma_start3A_43 = tpu.memref_slice %arg8[%dma_start3A_34, %dma_start3A_41, %dma_start3A_42] : memref<4x64x192xf32, #tpu.memory_space<vmem>> -> memref<1x64x128xf32, #tpu.memory_space<vmem>>
    %dma_start3A_44 = tpu.memref_squeeze %dma_start3A_43 : memref<1x64x128xf32, #tpu.memory_space<vmem>> -> memref<64x128xf32, #tpu.memory_space<vmem>>
    %dma_start3A_45 = arith.constant 0 : i32
    %dma_start3A_46 = tpu.memref_slice %arg2[%add3A_33, %dma_start3A_45] : memref<16384x129xf32, #tpu.memory_space<hbm>> -> memref<64x128xf32, #tpu.memory_space<hbm>>
    tpu.enqueue_dma source(%dma_start3A_46 : memref<64x128xf32, #tpu.memory_space<hbm>>) target(%dma_start3A_44 : memref<64x128xf32, #tpu.memory_space<vmem>>) target_semaphore(%arg11 : memref<!tpu.dma_semaphore, #tpu.memory_space<semaphore_mem>>)
    %dma_start3A_47 = tpu.memref_slice %arg3[%mul3A_2] : memref<16384xi32, #tpu.memory_space<hbm>> -> memref<512xi32, #tpu.memory_space<hbm>>
    %dma_start3A_48 = tpu.memref_slice %arg3[%mul3A_2] : memref<16384xi32, #tpu.memory_space<hbm>> -> memref<512xi32, #tpu.memory_space<hbm>>
    tpu.enqueue_dma source(%dma_start3A_48 : memref<512xi32, #tpu.memory_space<hbm>>) target(%arg6 : memref<512xi32, #tpu.memory_space<vmem>>) target_semaphore(%arg15 : memref<!tpu.dma_semaphore, #tpu.memory_space<semaphore_mem>>)
    %mul3A_49 = arith.constant 64 : i32
    %mul3A_50 = arith.muli %arg1, %mul3A_49 : i32
    %dma_start3A_51 = arith.constant 0 : i32
    %dma_start3A_52 = arith.constant 0 : i32
    %dma_start3A_53 = tpu.memref_slice %arg9[%dma_start3A_51, %dma_start3A_52] : memref<64x128xf32, #tpu.memory_space<vmem>> -> memref<32x128xf32, #tpu.memory_space<vmem>>
    %dma_start3A_54 = arith.constant 0 : i32
    %dma_start3A_55 = tpu.memref_slice %arg4[%mul3A_50, %dma_start3A_54] : memref<1024x128xf32, #tpu.memory_space<hbm>> -> memref<32x128xf32, #tpu.memory_space<hbm>>
    %dma_start3A_56 = arith.constant 0 : i32
    %dma_start3A_57 = arith.constant 0 : i32
    %dma_start3A_58 = tpu.memref_slice %arg9[%dma_start3A_56, %dma_start3A_57] : memref<64x128xf32, #tpu.memory_space<vmem>> -> memref<32x128xf32, #tpu.memory_space<vmem>>
    %dma_start3A_59 = arith.constant 0 : i32
    %dma_start3A_60 = tpu.memref_slice %arg4[%mul3A_50, %dma_start3A_59] : memref<1024x128xf32, #tpu.memory_space<hbm>> -> memref<32x128xf32, #tpu.memory_space<hbm>>
    tpu.enqueue_dma source(%dma_start3A_60 : memref<32x128xf32, #tpu.memory_space<hbm>>) target(%dma_start3A_58 : memref<32x128xf32, #tpu.memory_space<vmem>>) target_semaphore(%arg14 : memref<!tpu.dma_semaphore, #tpu.memory_space<semaphore_mem>>)
    %mul3A_61 = arith.constant 64 : i32
    %mul3A_62 = arith.muli %arg1, %mul3A_61 : i32
    %add3A_63 = arith.constant 32 : i32
    %add3A_64 = arith.addi %mul3A_62, %add3A_63 : i32
    %dma_start3A_65 = arith.constant 32 : i32
    %dma_start3A_66 = arith.constant 0 : i32
    %dma_start3A_67 = tpu.memref_slice %arg9[%dma_start3A_65, %dma_start3A_66] : memref<64x128xf32, #tpu.memory_space<vmem>> -> memref<32x128xf32, #tpu.memory_space<vmem>>
    %dma_start3A_68 = arith.constant 0 : i32
    %dma_start3A_69 = tpu.memref_slice %arg4[%add3A_64, %dma_start3A_68] : memref<1024x128xf32, #tpu.memory_space<hbm>> -> memref<32x128xf32, #tpu.memory_space<hbm>>
    %dma_start3A_70 = arith.constant 32 : i32
    %dma_start3A_71 = arith.constant 0 : i32
    %dma_start3A_72 = tpu.memref_slice %arg9[%dma_start3A_70, %dma_start3A_71] : memref<64x128xf32, #tpu.memory_space<vmem>> -> memref<32x128xf32, #tpu.memory_space<vmem>>
    %dma_start3A_73 = arith.constant 0 : i32
    %dma_start3A_74 = tpu.memref_slice %arg4[%add3A_64, %dma_start3A_73] : memref<1024x128xf32, #tpu.memory_space<hbm>> -> memref<32x128xf32, #tpu.memory_space<hbm>>
    tpu.enqueue_dma source(%dma_start3A_74 : memref<32x128xf32, #tpu.memory_space<hbm>>) target(%dma_start3A_72 : memref<32x128xf32, #tpu.memory_space<vmem>>) target_semaphore(%arg14 : memref<!tpu.dma_semaphore, #tpu.memory_space<semaphore_mem>>)
    %dma_wait3A = arith.constant 0 : i32
    %dma_wait3A_75 = arith.constant 0 : i32
    %dma_wait3A_76 = tpu.memref_slice %arg9[%dma_wait3A, %dma_wait3A_75] : memref<64x128xf32, #tpu.memory_space<vmem>> -> memref<32x128xf32, #tpu.memory_space<vmem>>
    %dma_wait3A_77 = arith.constant 0 : i32
    %dma_wait3A_78 = tpu.memref_slice %arg4[%mul3A_50, %dma_wait3A_77] : memref<1024x128xf32, #tpu.memory_space<hbm>> -> memref<32x128xf32, #tpu.memory_space<hbm>>
    %dma_wait3A_79 = arith.constant 0 : i32
    %dma_wait3A_80 = arith.constant 0 : i32
    %dma_wait3A_81 = tpu.memref_slice %arg9[%dma_wait3A_79, %dma_wait3A_80] : memref<64x128xf32, #tpu.memory_space<vmem>> -> memref<32x128xf32, #tpu.memory_space<vmem>>
    %dma_wait3A_82 = arith.constant 0 : i32
    %dma_wait3A_83 = tpu.memref_slice %arg4[%mul3A_50, %dma_wait3A_82] : memref<1024x128xf32, #tpu.memory_space<hbm>> -> memref<32x128xf32, #tpu.memory_space<hbm>>
    tpu.wait_dma2 semaphore(%arg14 : memref<!tpu.dma_semaphore, #tpu.memory_space<semaphore_mem>>) src(%dma_wait3A_83 : memref<32x128xf32, #tpu.memory_space<hbm>>) dst(%dma_wait3A_81 : memref<32x128xf32, #tpu.memory_space<vmem>>)
    %mul3A_84 = arith.constant 64 : i32
    %mul3A_85 = arith.muli %arg1, %mul3A_84 : i32
    %dma_start3A_86 = arith.constant 0 : i32
    %dma_start3A_87 = arith.constant 0 : i32
    %dma_start3A_88 = tpu.memref_slice %arg9[%dma_start3A_86, %dma_start3A_87] : memref<64x128xf32, #tpu.memory_space<vmem>> -> memref<32x128xf32, #tpu.memory_space<vmem>>
    %dma_start3A_89 = arith.constant 0 : i32
    %dma_start3A_90 = tpu.memref_slice %arg10[%mul3A_85, %dma_start3A_89] : memref<1024x128xf32, #tpu.memory_space<vmem_shared>> -> memref<32x128xf32, #tpu.memory_space<vmem_shared>>
    %dma_start3A_91 = arith.constant 0 : i32
    %dma_start3A_92 = tpu.memref_slice %arg10[%mul3A_85, %dma_start3A_91] : memref<1024x128xf32, #tpu.memory_space<vmem_shared>> -> memref<32x128xf32, #tpu.memory_space<vmem_shared>>
    %dma_start3A_93 = arith.constant 0 : i32
    %dma_start3A_94 = arith.constant 0 : i32
    %dma_start3A_95 = tpu.memref_slice %arg9[%dma_start3A_93, %dma_start3A_94] : memref<64x128xf32, #tpu.memory_space<vmem>> -> memref<32x128xf32, #tpu.memory_space<vmem>>
    tpu.enqueue_dma source(%dma_start3A_95 : memref<32x128xf32, #tpu.memory_space<vmem>>) target(%dma_start3A_92 : memref<32x128xf32, #tpu.memory_space<vmem_shared>>) target_semaphore(%arg15 : memref<!tpu.dma_semaphore, #tpu.memory_space<semaphore_mem>>)
    %dma_wait3A_96 = arith.constant 32 : i32
    %dma_wait3A_97 = arith.constant 0 : i32
    %dma_wait3A_98 = tpu.memref_slice %arg9[%dma_wait3A_96, %dma_wait3A_97] : memref<64x128xf32, #tpu.memory_space<vmem>> -> memref<32x128xf32, #tpu.memory_space<vmem>>
    %dma_wait3A_99 = arith.constant 0 : i32
    %dma_wait3A_100 = tpu.memref_slice %arg4[%add3A_64, %dma_wait3A_99] : memref<1024x128xf32, #tpu.memory_space<hbm>> -> memref<32x128xf32, #tpu.memory_space<hbm>>
    %dma_wait3A_101 = arith.constant 32 : i32
    %dma_wait3A_102 = arith.constant 0 : i32
    %dma_wait3A_103 = tpu.memref_slice %arg9[%dma_wait3A_101, %dma_wait3A_102] : memref<64x128xf32, #tpu.memory_space<vmem>> -> memref<32x128xf32, #tpu.memory_space<vmem>>
    %dma_wait3A_104 = arith.constant 0 : i32
    %dma_wait3A_105 = tpu.memref_slice %arg4[%add3A_64, %dma_wait3A_104] : memref<1024x128xf32, #tpu.memory_space<hbm>> -> memref<32x128xf32, #tpu.memory_space<hbm>>
    tpu.wait_dma2 semaphore(%arg14 : memref<!tpu.dma_semaphore, #tpu.memory_space<semaphore_mem>>) src(%dma_wait3A_105 : memref<32x128xf32, #tpu.memory_space<hbm>>) dst(%dma_wait3A_103 : memref<32x128xf32, #tpu.memory_space<vmem>>)
    %mul3A_106 = arith.constant 64 : i32
    %mul3A_107 = arith.muli %arg1, %mul3A_106 : i32
    %add3A_108 = arith.constant 32 : i32
    %add3A_109 = arith.addi %mul3A_107, %add3A_108 : i32
    %dma_start3A_110 = arith.constant 32 : i32
    %dma_start3A_111 = arith.constant 0 : i32
    %dma_start3A_112 = tpu.memref_slice %arg9[%dma_start3A_110, %dma_start3A_111] : memref<64x128xf32, #tpu.memory_space<vmem>> -> memref<32x128xf32, #tpu.memory_space<vmem>>
    %dma_start3A_113 = arith.constant 0 : i32
    %dma_start3A_114 = tpu.memref_slice %arg10[%add3A_109, %dma_start3A_113] : memref<1024x128xf32, #tpu.memory_space<vmem_shared>> -> memref<32x128xf32, #tpu.memory_space<vmem_shared>>
    %dma_start3A_115 = arith.constant 0 : i32
    %dma_start3A_116 = tpu.memref_slice %arg10[%add3A_109, %dma_start3A_115] : memref<1024x128xf32, #tpu.memory_space<vmem_shared>> -> memref<32x128xf32, #tpu.memory_space<vmem_shared>>
    %dma_start3A_117 = arith.constant 32 : i32
    %dma_start3A_118 = arith.constant 0 : i32
    %dma_start3A_119 = tpu.memref_slice %arg9[%dma_start3A_117, %dma_start3A_118] : memref<64x128xf32, #tpu.memory_space<vmem>> -> memref<32x128xf32, #tpu.memory_space<vmem>>
    tpu.enqueue_dma source(%dma_start3A_119 : memref<32x128xf32, #tpu.memory_space<vmem>>) target(%dma_start3A_116 : memref<32x128xf32, #tpu.memory_space<vmem_shared>>) target_semaphore(%arg15 : memref<!tpu.dma_semaphore, #tpu.memory_space<semaphore_mem>>)
    %dma_wait3A_120 = arith.constant 0 : i32
    %dma_wait3A_121 = arith.constant 0 : i32
    %dma_wait3A_122 = tpu.memref_slice %arg9[%dma_wait3A_120, %dma_wait3A_121] : memref<64x128xf32, #tpu.memory_space<vmem>> -> memref<32x128xf32, #tpu.memory_space<vmem>>
    %dma_wait3A_123 = arith.constant 0 : i32
    %dma_wait3A_124 = tpu.memref_slice %arg10[%mul3A_85, %dma_wait3A_123] : memref<1024x128xf32, #tpu.memory_space<vmem_shared>> -> memref<32x128xf32, #tpu.memory_space<vmem_shared>>
    %dma_wait3A_125 = arith.constant 0 : i32
    %dma_wait3A_126 = tpu.memref_slice %arg10[%mul3A_85, %dma_wait3A_125] : memref<1024x128xf32, #tpu.memory_space<vmem_shared>> -> memref<32x128xf32, #tpu.memory_space<vmem_shared>>
    %dma_wait3A_127 = arith.constant 0 : i32
    %dma_wait3A_128 = arith.constant 0 : i32
    %dma_wait3A_129 = tpu.memref_slice %arg9[%dma_wait3A_127, %dma_wait3A_128] : memref<64x128xf32, #tpu.memory_space<vmem>> -> memref<32x128xf32, #tpu.memory_space<vmem>>
    tpu.wait_dma2 semaphore(%arg15 : memref<!tpu.dma_semaphore, #tpu.memory_space<semaphore_mem>>) src(%dma_wait3A_129 : memref<32x128xf32, #tpu.memory_space<vmem>>) dst(%dma_wait3A_126 : memref<32x128xf32, #tpu.memory_space<vmem_shared>>)
    %dma_wait3A_130 = arith.constant 32 : i32
    %dma_wait3A_131 = arith.constant 0 : i32
    %dma_wait3A_132 = tpu.memref_slice %arg9[%dma_wait3A_130, %dma_wait3A_131] : memref<64x128xf32, #tpu.memory_space<vmem>> -> memref<32x128xf32, #tpu.memory_space<vmem>>
    %dma_wait3A_133 = arith.constant 0 : i32
    %dma_wait3A_134 = tpu.memref_slice %arg10[%add3A_109, %dma_wait3A_133] : memref<1024x128xf32, #tpu.memory_space<vmem_shared>> -> memref<32x128xf32, #tpu.memory_space<vmem_shared>>
    %dma_wait3A_135 = arith.constant 0 : i32
    %dma_wait3A_136 = tpu.memref_slice %arg10[%add3A_109, %dma_wait3A_135] : memref<1024x128xf32, #tpu.memory_space<vmem_shared>> -> memref<32x128xf32, #tpu.memory_space<vmem_shared>>
    %dma_wait3A_137 = arith.constant 32 : i32
    %dma_wait3A_138 = arith.constant 0 : i32
    %dma_wait3A_139 = tpu.memref_slice %arg9[%dma_wait3A_137, %dma_wait3A_138] : memref<64x128xf32, #tpu.memory_space<vmem>> -> memref<32x128xf32, #tpu.memory_space<vmem>>
    tpu.wait_dma2 semaphore(%arg15 : memref<!tpu.dma_semaphore, #tpu.memory_space<semaphore_mem>>) src(%dma_wait3A_139 : memref<32x128xf32, #tpu.memory_space<vmem>>) dst(%dma_wait3A_136 : memref<32x128xf32, #tpu.memory_space<vmem_shared>>)
    %dma_wait3A_140 = tpu.memref_slice %arg3[%mul3A_2] : memref<16384xi32, #tpu.memory_space<hbm>> -> memref<512xi32, #tpu.memory_space<hbm>>
    %dma_wait3A_141 = tpu.memref_slice %arg3[%mul3A_2] : memref<16384xi32, #tpu.memory_space<hbm>> -> memref<512xi32, #tpu.memory_space<hbm>>
    tpu.wait_dma2 semaphore(%arg15 : memref<!tpu.dma_semaphore, #tpu.memory_space<semaphore_mem>>) src(%dma_wait3A_141 : memref<512xi32, #tpu.memory_space<hbm>>) dst(%arg6 : memref<512xi32, #tpu.memory_space<vmem>>)
    %barrier3A = arith.constant 0 : index
    tpu.barrier barrier_id(%barrier3A)
    %dma_start3A_142 = arith.constant 0 : i32
    %dma_start3A_143 = arith.constant 0 : i32
    %dma_start3A_144 = arith.constant 0 : i32
    %dma_start3A_145 = tpu.memref_slice %arg7[%dma_start3A_142, %dma_start3A_143, %dma_start3A_144] : memref<4x64x128xf32, #tpu.memory_space<vmem>> -> memref<1x64x128xf32, #tpu.memory_space<vmem>>
    %dma_start3A_146 = tpu.memref_squeeze %dma_start3A_145 : memref<1x64x128xf32, #tpu.memory_space<vmem>> -> memref<64x128xf32, #tpu.memory_space<vmem>>
    %dma_start3A_147 = arith.constant 0 : i32
    %dma_start3A_148 = tpu.memref_slice %arg6[%dma_start3A_147] : memref<512xi32, #tpu.memory_space<vmem>> -> memref<64xi32, #tpu.memory_space<vmem>>
    %dma_start3A_149 = arith.constant 0 : i32
    %dma_start3A_150 = arith.constant 0 : i32
    %dma_start3A_151 = tpu.memref_slice %arg10[%dma_start3A_149, %dma_start3A_150] : memref<1024x128xf32, #tpu.memory_space<vmem_shared>> -> memref<1024x128xf32, #tpu.memory_space<vmem_shared>>
    tpu.enqueue_indirect_dma source(%dma_start3A_151 : memref<1024x128xf32, #tpu.memory_space<vmem_shared>>) target(%dma_start3A_146 : memref<64x128xf32, #tpu.memory_space<vmem>>) offsets(%dma_start3A_148 : memref<64xi32, #tpu.memory_space<vmem>>) semaphore(%arg12 : memref<!tpu.dma_semaphore, #tpu.memory_space<semaphore_mem>>)
    %dma_start3A_152 = arith.constant 1 : i32
    %dma_start3A_153 = arith.constant 0 : i32
    %dma_start3A_154 = arith.constant 0 : i32
    %dma_start3A_155 = tpu.memref_slice %arg7[%dma_start3A_152, %dma_start3A_153, %dma_start3A_154] : memref<4x64x128xf32, #tpu.memory_space<vmem>> -> memref<1x64x128xf32, #tpu.memory_space<vmem>>
    %dma_start3A_156 = tpu.memref_squeeze %dma_start3A_155 : memref<1x64x128xf32, #tpu.memory_space<vmem>> -> memref<64x128xf32, #tpu.memory_space<vmem>>
    %dma_start3A_157 = arith.constant 64 : i32
    %dma_start3A_158 = tpu.memref_slice %arg6[%dma_start3A_157] : memref<512xi32, #tpu.memory_space<vmem>> -> memref<64xi32, #tpu.memory_space<vmem>>
    %dma_start3A_159 = arith.constant 0 : i32
    %dma_start3A_160 = arith.constant 0 : i32
    %dma_start3A_161 = tpu.memref_slice %arg10[%dma_start3A_159, %dma_start3A_160] : memref<1024x128xf32, #tpu.memory_space<vmem_shared>> -> memref<1024x128xf32, #tpu.memory_space<vmem_shared>>
    tpu.enqueue_indirect_dma source(%dma_start3A_161 : memref<1024x128xf32, #tpu.memory_space<vmem_shared>>) target(%dma_start3A_156 : memref<64x128xf32, #tpu.memory_space<vmem>>) offsets(%dma_start3A_158 : memref<64xi32, #tpu.memory_space<vmem>>) semaphore(%arg12 : memref<!tpu.dma_semaphore, #tpu.memory_space<semaphore_mem>>)
    %dma_start3A_162 = arith.constant 2 : i32
    %dma_start3A_163 = arith.constant 0 : i32
    %dma_start3A_164 = arith.constant 0 : i32
    %dma_start3A_165 = tpu.memref_slice %arg7[%dma_start3A_162, %dma_start3A_163, %dma_start3A_164] : memref<4x64x128xf32, #tpu.memory_space<vmem>> -> memref<1x64x128xf32, #tpu.memory_space<vmem>>
    %dma_start3A_166 = tpu.memref_squeeze %dma_start3A_165 : memref<1x64x128xf32, #tpu.memory_space<vmem>> -> memref<64x128xf32, #tpu.memory_space<vmem>>
    %dma_start3A_167 = arith.constant 128 : i32
    %dma_start3A_168 = tpu.memref_slice %arg6[%dma_start3A_167] : memref<512xi32, #tpu.memory_space<vmem>> -> memref<64xi32, #tpu.memory_space<vmem>>
    %dma_start3A_169 = arith.constant 0 : i32
    %dma_start3A_170 = arith.constant 0 : i32
    %dma_start3A_171 = tpu.memref_slice %arg10[%dma_start3A_169, %dma_start3A_170] : memref<1024x128xf32, #tpu.memory_space<vmem_shared>> -> memref<1024x128xf32, #tpu.memory_space<vmem_shared>>
    tpu.enqueue_indirect_dma source(%dma_start3A_171 : memref<1024x128xf32, #tpu.memory_space<vmem_shared>>) target(%dma_start3A_166 : memref<64x128xf32, #tpu.memory_space<vmem>>) offsets(%dma_start3A_168 : memref<64xi32, #tpu.memory_space<vmem>>) semaphore(%arg12 : memref<!tpu.dma_semaphore, #tpu.memory_space<semaphore_mem>>)
    %dma_wait3A_172 = arith.constant 0 : i32
    %dma_wait3A_173 = arith.constant 0 : i32
    %dma_wait3A_174 = arith.constant 0 : i32
    %dma_wait3A_175 = tpu.memref_slice %arg7[%dma_wait3A_172, %dma_wait3A_173, %dma_wait3A_174] : memref<4x64x128xf32, #tpu.memory_space<vmem>> -> memref<1x64x128xf32, #tpu.memory_space<vmem>>
    %dma_wait3A_176 = tpu.memref_squeeze %dma_wait3A_175 : memref<1x64x128xf32, #tpu.memory_space<vmem>> -> memref<64x128xf32, #tpu.memory_space<vmem>>
    %dma_wait3A_177 = arith.constant 0 : i32
    %dma_wait3A_178 = tpu.memref_slice %arg6[%dma_wait3A_177] : memref<512xi32, #tpu.memory_space<vmem>> -> memref<64xi32, #tpu.memory_space<vmem>>
    %dma_wait3A_179 = arith.constant 0 : i32
    %dma_wait3A_180 = arith.constant 0 : i32
    %dma_wait3A_181 = tpu.memref_slice %arg10[%dma_wait3A_179, %dma_wait3A_180] : memref<1024x128xf32, #tpu.memory_space<vmem_shared>> -> memref<1024x128xf32, #tpu.memory_space<vmem_shared>>
    tpu.wait_indirect_dma semaphore(%arg12 : memref<!tpu.dma_semaphore, #tpu.memory_space<semaphore_mem>>) src(%dma_wait3A_181 : memref<1024x128xf32, #tpu.memory_space<vmem_shared>>) dst(%dma_wait3A_176 : memref<64x128xf32, #tpu.memory_space<vmem>>)
    %dma_wait3A_182 = arith.constant 0 : i32
    %dma_wait3A_183 = arith.constant 0 : i32
    %dma_wait3A_184 = arith.constant 0 : i32
    %dma_wait3A_185 = tpu.memref_slice %arg8[%dma_wait3A_182, %dma_wait3A_183, %dma_wait3A_184] : memref<4x64x192xf32, #tpu.memory_space<vmem>> -> memref<1x64x128xf32, #tpu.memory_space<vmem>>
    %dma_wait3A_186 = tpu.memref_squeeze %dma_wait3A_185 : memref<1x64x128xf32, #tpu.memory_space<vmem>> -> memref<64x128xf32, #tpu.memory_space<vmem>>
    %dma_wait3A_187 = arith.constant 0 : i32
    %dma_wait3A_188 = tpu.memref_slice %arg2[%add3A_4, %dma_wait3A_187] : memref<16384x129xf32, #tpu.memory_space<hbm>> -> memref<64x128xf32, #tpu.memory_space<hbm>>
    %dma_wait3A_189 = arith.constant 0 : i32
    %dma_wait3A_190 = arith.constant 0 : i32
    %dma_wait3A_191 = tpu.memref_slice %arg8[%dma_wait3A_182, %dma_wait3A_189, %dma_wait3A_190] : memref<4x64x192xf32, #tpu.memory_space<vmem>> -> memref<1x64x128xf32, #tpu.memory_space<vmem>>
    %dma_wait3A_192 = tpu.memref_squeeze %dma_wait3A_191 : memref<1x64x128xf32, #tpu.memory_space<vmem>> -> memref<64x128xf32, #tpu.memory_space<vmem>>
    %dma_wait3A_193 = arith.constant 0 : i32
    %dma_wait3A_194 = tpu.memref_slice %arg2[%add3A_4, %dma_wait3A_193] : memref<16384x129xf32, #tpu.memory_space<hbm>> -> memref<64x128xf32, #tpu.memory_space<hbm>>
    tpu.wait_dma2 semaphore(%arg11 : memref<!tpu.dma_semaphore, #tpu.memory_space<semaphore_mem>>) src(%dma_wait3A_194 : memref<64x128xf32, #tpu.memory_space<hbm>>) dst(%dma_wait3A_192 : memref<64x128xf32, #tpu.memory_space<vmem>>)
    %parallel_loop3A = arith.constant 0 : i32
    %parallel_loop3A_195 = arith.constant 64 : i32
    %parallel_loop3A_196 = arith.constant 1 : i32
    scf.for %parallel_loop3A_728 = %parallel_loop3A to %parallel_loop3A_195 step %parallel_loop3A_196  : i32 {
      %parallel_loop3A_729 = arith.constant 0 : i32
      %parallel_loop3A_730 = arith.index_cast %parallel_loop3A_729 : i32 to index
      %parallel_loop3A_731 = arith.index_cast %parallel_loop3A_728 : i32 to index
      %parallel_loop3A_732 = arith.constant 0 : index
      %parallel_loop3A_733 = tpu.vector_load %arg7[%parallel_loop3A_730, %parallel_loop3A_731, %parallel_loop3A_732] {strides = array<i32>} : memref<4x64x128xf32, #tpu.memory_space<vmem>>, vector<1x1x16xf32>,
      %parallel_loop3A_734 = vector.shape_cast %parallel_loop3A_733 : vector<1x1x16xf32> to vector<16xf32>
      %parallel_loop3A_735 = arith.constant 0 : i32
      %parallel_loop3A_736 = arith.index_cast %parallel_loop3A_735 : i32 to index
      %parallel_loop3A_737 = arith.index_cast %parallel_loop3A_728 : i32 to index
      %parallel_loop3A_738 = arith.constant 128 : index
      %parallel_loop3A_739 = tpu.vector_load %arg8[%parallel_loop3A_736, %parallel_loop3A_737, %parallel_loop3A_738] {strides = array<i32>} : memref<4x64x192xf32, #tpu.memory_space<vmem>>, vector<1x1x16xf32>,
      %parallel_loop3A_740 = vector.shape_cast %parallel_loop3A_739 : vector<1x1x16xf32> to vector<16xf32>
      %parallel_loop3A_741 = vector.shape_cast %parallel_loop3A_734 : vector<16xf32> to vector<1x1x16xf32>
      tpu.vector_store %arg8[%parallel_loop3A_736, %parallel_loop3A_737, %parallel_loop3A_738], %parallel_loop3A_741 {strides = array<i32>} : memref<4x64x192xf32, #tpu.memory_space<vmem>>, vector<1x1x16xf32>,
      %parallel_loop3A_742 = arith.constant 0 : i32
      %parallel_loop3A_743 = arith.index_cast %parallel_loop3A_742 : i32 to index
      %parallel_loop3A_744 = arith.index_cast %parallel_loop3A_728 : i32 to index
      %parallel_loop3A_745 = arith.constant 16 : index
      %parallel_loop3A_746 = tpu.vector_load %arg7[%parallel_loop3A_743, %parallel_loop3A_744, %parallel_loop3A_745] {strides = array<i32>} : memref<4x64x128xf32, #tpu.memory_space<vmem>>, vector<1x1x16xf32>,
      %parallel_loop3A_747 = vector.shape_cast %parallel_loop3A_746 : vector<1x1x16xf32> to vector<16xf32>
      %parallel_loop3A_748 = arith.constant 0 : i32
      %parallel_loop3A_749 = arith.index_cast %parallel_loop3A_748 : i32 to index
      %parallel_loop3A_750 = arith.index_cast %parallel_loop3A_728 : i32 to index
      %parallel_loop3A_751 = arith.constant 144 : index
      %parallel_loop3A_752 = tpu.vector_load %arg8[%parallel_loop3A_749, %parallel_loop3A_750, %parallel_loop3A_751] {strides = array<i32>} : memref<4x64x192xf32, #tpu.memory_space<vmem>>, vector<1x1x16xf32>,
      %parallel_loop3A_753 = vector.shape_cast %parallel_loop3A_752 : vector<1x1x16xf32> to vector<16xf32>
      %parallel_loop3A_754 = vector.shape_cast %parallel_loop3A_747 : vector<16xf32> to vector<1x1x16xf32>
      tpu.vector_store %arg8[%parallel_loop3A_749, %parallel_loop3A_750, %parallel_loop3A_751], %parallel_loop3A_754 {strides = array<i32>} : memref<4x64x192xf32, #tpu.memory_space<vmem>>, vector<1x1x16xf32>,
      %parallel_loop3A_755 = arith.constant 0 : i32
      %parallel_loop3A_756 = arith.index_cast %parallel_loop3A_755 : i32 to index
      %parallel_loop3A_757 = arith.index_cast %parallel_loop3A_728 : i32 to index
      %parallel_loop3A_758 = arith.constant 32 : index
      %parallel_loop3A_759 = tpu.vector_load %arg7[%parallel_loop3A_756, %parallel_loop3A_757, %parallel_loop3A_758] {strides = array<i32>} : memref<4x64x128xf32, #tpu.memory_space<vmem>>, vector<1x1x16xf32>,
      %parallel_loop3A_760 = vector.shape_cast %parallel_loop3A_759 : vector<1x1x16xf32> to vector<16xf32>
      %parallel_loop3A_761 = arith.constant 0 : i32
      %parallel_loop3A_762 = arith.index_cast %parallel_loop3A_761 : i32 to index
      %parallel_loop3A_763 = arith.index_cast %parallel_loop3A_728 : i32 to index
      %parallel_loop3A_764 = arith.constant 160 : index
      %parallel_loop3A_765 = tpu.vector_load %arg8[%parallel_loop3A_762, %parallel_loop3A_763, %parallel_loop3A_764] {strides = array<i32>} : memref<4x64x192xf32, #tpu.memory_space<vmem>>, vector<1x1x16xf32>,
      %parallel_loop3A_766 = vector.shape_cast %parallel_loop3A_765 : vector<1x1x16xf32> to vector<16xf32>
      %parallel_loop3A_767 = vector.shape_cast %parallel_loop3A_760 : vector<16xf32> to vector<1x1x16xf32>
      tpu.vector_store %arg8[%parallel_loop3A_762, %parallel_loop3A_763, %parallel_loop3A_764], %parallel_loop3A_767 {strides = array<i32>} : memref<4x64x192xf32, #tpu.memory_space<vmem>>, vector<1x1x16xf32>,
      %parallel_loop3A_768 = arith.constant 0 : i32
      %parallel_loop3A_769 = arith.index_cast %parallel_loop3A_768 : i32 to index
      %parallel_loop3A_770 = arith.index_cast %parallel_loop3A_728 : i32 to index
      %parallel_loop3A_771 = arith.constant 48 : index
      %parallel_loop3A_772 = tpu.vector_load %arg7[%parallel_loop3A_769, %parallel_loop3A_770, %parallel_loop3A_771] {strides = array<i32>} : memref<4x64x128xf32, #tpu.memory_space<vmem>>, vector<1x1x16xf32>,
      %parallel_loop3A_773 = vector.shape_cast %parallel_loop3A_772 : vector<1x1x16xf32> to vector<16xf32>
      %parallel_loop3A_774 = arith.constant 0 : i32
      %parallel_loop3A_775 = arith.index_cast %parallel_loop3A_774 : i32 to index
      %parallel_loop3A_776 = arith.index_cast %parallel_loop3A_728 : i32 to index
      %parallel_loop3A_777 = arith.constant 176 : index
      %parallel_loop3A_778 = tpu.vector_load %arg8[%parallel_loop3A_775, %parallel_loop3A_776, %parallel_loop3A_777] {strides = array<i32>} : memref<4x64x192xf32, #tpu.memory_space<vmem>>, vector<1x1x16xf32>,
      %parallel_loop3A_779 = vector.shape_cast %parallel_loop3A_778 : vector<1x1x16xf32> to vector<16xf32>
      %parallel_loop3A_780 = vector.shape_cast %parallel_loop3A_773 : vector<16xf32> to vector<1x1x16xf32>
      tpu.vector_store %arg8[%parallel_loop3A_775, %parallel_loop3A_776, %parallel_loop3A_777], %parallel_loop3A_780 {strides = array<i32>} : memref<4x64x192xf32, #tpu.memory_space<vmem>>, vector<1x1x16xf32>,
    } {sc.loop_unroll_factor = 4 : i64, sc.parallel_access}
    %add3A_197 = arith.constant 0 : i32
    %add3A_198 = arith.addi %mul3A_2, %add3A_197 : i32
    %dma_start3A_199 = arith.constant 0 : i32
    %dma_start3A_200 = arith.constant 0 : i32
    %dma_start3A_201 = arith.constant 0 : i32
    %dma_start3A_202 = tpu.memref_slice %arg8[%dma_start3A_199, %dma_start3A_200, %dma_start3A_201] : memref<4x64x192xf32, #tpu.memory_space<vmem>> -> memref<1x64x192xf32, #tpu.memory_space<vmem>>
    %dma_start3A_203 = tpu.memref_squeeze %dma_start3A_202 : memref<1x64x192xf32, #tpu.memory_space<vmem>> -> memref<64x192xf32, #tpu.memory_space<vmem>>
    %dma_start3A_204 = arith.constant 0 : i32
    %dma_start3A_205 = tpu.memref_slice %arg5[%add3A_198, %dma_start3A_204] : memref<16384x192xf32, #tpu.memory_space<hbm>> -> memref<64x192xf32, #tpu.memory_space<hbm>>
    %dma_start3A_206 = arith.constant 0 : i32
    %dma_start3A_207 = tpu.memref_slice %arg5[%add3A_198, %dma_start3A_206] : memref<16384x192xf32, #tpu.memory_space<hbm>> -> memref<64x192xf32, #tpu.memory_space<hbm>>
    %dma_start3A_208 = arith.constant 0 : i32
    %dma_start3A_209 = arith.constant 0 : i32
    %dma_start3A_210 = tpu.memref_slice %arg8[%dma_start3A_199, %dma_start3A_208, %dma_start3A_209] : memref<4x64x192xf32, #tpu.memory_space<vmem>> -> memref<1x64x192xf32, #tpu.memory_space<vmem>>
    %dma_start3A_211 = tpu.memref_squeeze %dma_start3A_210 : memref<1x64x192xf32, #tpu.memory_space<vmem>> -> memref<64x192xf32, #tpu.memory_space<vmem>>
    tpu.enqueue_dma source(%dma_start3A_211 : memref<64x192xf32, #tpu.memory_space<vmem>>) target(%dma_start3A_207 : memref<64x192xf32, #tpu.memory_space<hbm>>) target_semaphore(%arg13 : memref<!tpu.dma_semaphore, #tpu.memory_space<semaphore_mem>>)
    %add3A_212 = arith.constant 192 : i32
    %add3A_213 = arith.addi %mul3A_2, %add3A_212 : i32
    %dma_start3A_214 = arith.constant 3 : i32
    %dma_start3A_215 = arith.constant 0 : i32
    %dma_start3A_216 = arith.constant 0 : i32
    %dma_start3A_217 = tpu.memref_slice %arg8[%dma_start3A_214, %dma_start3A_215, %dma_start3A_216] : memref<4x64x192xf32, #tpu.memory_space<vmem>> -> memref<1x64x128xf32, #tpu.memory_space<vmem>>
    %dma_start3A_218 = tpu.memref_squeeze %dma_start3A_217 : memref<1x64x128xf32, #tpu.memory_space<vmem>> -> memref<64x128xf32, #tpu.memory_space<vmem>>
    %dma_start3A_219 = arith.constant 0 : i32
    %dma_start3A_220 = tpu.memref_slice %arg2[%add3A_213, %dma_start3A_219] : memref<16384x129xf32, #tpu.memory_space<hbm>> -> memref<64x128xf32, #tpu.memory_space<hbm>>
    %dma_start3A_221 = arith.constant 0 : i32
    %dma_start3A_222 = arith.constant 0 : i32
    %dma_start3A_223 = tpu.memref_slice %arg8[%dma_start3A_214, %dma_start3A_221, %dma_start3A_222] : memref<4x64x192xf32, #tpu.memory_space<vmem>> -> memref<1x64x128xf32, #tpu.memory_space<vmem>>
    %dma_start3A_224 = tpu.memref_squeeze %dma_start3A_223 : memref<1x64x128xf32, #tpu.memory_space<vmem>> -> memref<64x128xf32, #tpu.memory_space<vmem>>
    %dma_start3A_225 = arith.constant 0 : i32
    %dma_start3A_226 = tpu.memref_slice %arg2[%add3A_213, %dma_start3A_225] : memref<16384x129xf32, #tpu.memory_space<hbm>> -> memref<64x128xf32, #tpu.memory_space<hbm>>
    tpu.enqueue_dma source(%dma_start3A_226 : memref<64x128xf32, #tpu.memory_space<hbm>>) target(%dma_start3A_224 : memref<64x128xf32, #tpu.memory_space<vmem>>) target_semaphore(%arg11 : memref<!tpu.dma_semaphore, #tpu.memory_space<semaphore_mem>>)
    %dma_start3A_227 = arith.constant 3 : i32
    %dma_start3A_228 = arith.constant 0 : i32
    %dma_start3A_229 = arith.constant 0 : i32
    %dma_start3A_230 = tpu.memref_slice %arg7[%dma_start3A_227, %dma_start3A_228, %dma_start3A_229] : memref<4x64x128xf32, #tpu.memory_space<vmem>> -> memref<1x64x128xf32, #tpu.memory_space<vmem>>
    %dma_start3A_231 = tpu.memref_squeeze %dma_start3A_230 : memref<1x64x128xf32, #tpu.memory_space<vmem>> -> memref<64x128xf32, #tpu.memory_space<vmem>>
    %dma_start3A_232 = arith.constant 192 : i32
    %dma_start3A_233 = tpu.memref_slice %arg6[%dma_start3A_232] : memref<512xi32, #tpu.memory_space<vmem>> -> memref<64xi32, #tpu.memory_space<vmem>>
    %dma_start3A_234 = arith.constant 0 : i32
    %dma_start3A_235 = arith.constant 0 : i32
    %dma_start3A_236 = tpu.memref_slice %arg10[%dma_start3A_234, %dma_start3A_235] : memref<1024x128xf32, #tpu.memory_space<vmem_shared>> -> memref<1024x128xf32, #tpu.memory_space<vmem_shared>>
    tpu.enqueue_indirect_dma source(%dma_start3A_236 : memref<1024x128xf32, #tpu.memory_space<vmem_shared>>) target(%dma_start3A_231 : memref<64x128xf32, #tpu.memory_space<vmem>>) offsets(%dma_start3A_233 : memref<64xi32, #tpu.memory_space<vmem>>) semaphore(%arg12 : memref<!tpu.dma_semaphore, #tpu.memory_space<semaphore_mem>>)
    %dma_wait3A_237 = arith.constant 1 : i32
    %dma_wait3A_238 = arith.constant 0 : i32
    %dma_wait3A_239 = arith.constant 0 : i32
    %dma_wait3A_240 = tpu.memref_slice %arg7[%dma_wait3A_237, %dma_wait3A_238, %dma_wait3A_239] : memref<4x64x128xf32, #tpu.memory_space<vmem>> -> memref<1x64x128xf32, #tpu.memory_space<vmem>>
    %dma_wait3A_241 = tpu.memref_squeeze %dma_wait3A_240 : memref<1x64x128xf32, #tpu.memory_space<vmem>> -> memref<64x128xf32, #tpu.memory_space<vmem>>
    %dma_wait3A_242 = arith.constant 64 : i32
    %dma_wait3A_243 = tpu.memref_slice %arg6[%dma_wait3A_242] : memref<512xi32, #tpu.memory_space<vmem>> -> memref<64xi32, #tpu.memory_space<vmem>>
    %dma_wait3A_244 = arith.constant 0 : i32
    %dma_wait3A_245 = arith.constant 0 : i32
    %dma_wait3A_246 = tpu.memref_slice %arg10[%dma_wait3A_244, %dma_wait3A_245] : memref<1024x128xf32, #tpu.memory_space<vmem_shared>> -> memref<1024x128xf32, #tpu.memory_space<vmem_shared>>
    tpu.wait_indirect_dma semaphore(%arg12 : memref<!tpu.dma_semaphore, #tpu.memory_space<semaphore_mem>>) src(%dma_wait3A_246 : memref<1024x128xf32, #tpu.memory_space<vmem_shared>>) dst(%dma_wait3A_241 : memref<64x128xf32, #tpu.memory_space<vmem>>)
    %dma_wait3A_247 = arith.constant 1 : i32
    %dma_wait3A_248 = arith.constant 0 : i32
    %dma_wait3A_249 = arith.constant 0 : i32
    %dma_wait3A_250 = tpu.memref_slice %arg8[%dma_wait3A_247, %dma_wait3A_248, %dma_wait3A_249] : memref<4x64x192xf32, #tpu.memory_space<vmem>> -> memref<1x64x128xf32, #tpu.memory_space<vmem>>
    %dma_wait3A_251 = tpu.memref_squeeze %dma_wait3A_250 : memref<1x64x128xf32, #tpu.memory_space<vmem>> -> memref<64x128xf32, #tpu.memory_space<vmem>>
    %dma_wait3A_252 = arith.constant 0 : i32
    %dma_wait3A_253 = tpu.memref_slice %arg2[%add3A_18, %dma_wait3A_252] : memref<16384x129xf32, #tpu.memory_space<hbm>> -> memref<64x128xf32, #tpu.memory_space<hbm>>
    %dma_wait3A_254 = arith.constant 0 : i32
    %dma_wait3A_255 = arith.constant 0 : i32
    %dma_wait3A_256 = tpu.memref_slice %arg8[%dma_wait3A_247, %dma_wait3A_254, %dma_wait3A_255] : memref<4x64x192xf32, #tpu.memory_space<vmem>> -> memref<1x64x128xf32, #tpu.memory_space<vmem>>
    %dma_wait3A_257 = tpu.memref_squeeze %dma_wait3A_256 : memref<1x64x128xf32, #tpu.memory_space<vmem>> -> memref<64x128xf32, #tpu.memory_space<vmem>>
    %dma_wait3A_258 = arith.constant 0 : i32
    %dma_wait3A_259 = tpu.memref_slice %arg2[%add3A_18, %dma_wait3A_258] : memref<16384x129xf32, #tpu.memory_space<hbm>> -> memref<64x128xf32, #tpu.memory_space<hbm>>
    tpu.wait_dma2 semaphore(%arg11 : memref<!tpu.dma_semaphore, #tpu.memory_space<semaphore_mem>>) src(%dma_wait3A_259 : memref<64x128xf32, #tpu.memory_space<hbm>>) dst(%dma_wait3A_257 : memref<64x128xf32, #tpu.memory_space<vmem>>)
    %parallel_loop3A_260 = arith.constant 0 : i32
    %parallel_loop3A_261 = arith.constant 64 : i32
    %parallel_loop3A_262 = arith.constant 1 : i32
    scf.for %parallel_loop3A_728 = %parallel_loop3A_260 to %parallel_loop3A_261 step %parallel_loop3A_262  : i32 {
      %parallel_loop3A_729 = arith.constant 1 : i32
      %parallel_loop3A_730 = arith.index_cast %parallel_loop3A_729 : i32 to index
      %parallel_loop3A_731 = arith.index_cast %parallel_loop3A_728 : i32 to index
      %parallel_loop3A_732 = arith.constant 0 : index
      %parallel_loop3A_733 = tpu.vector_load %arg7[%parallel_loop3A_730, %parallel_loop3A_731, %parallel_loop3A_732] {strides = array<i32>} : memref<4x64x128xf32, #tpu.memory_space<vmem>>, vector<1x1x16xf32>,
      %parallel_loop3A_734 = vector.shape_cast %parallel_loop3A_733 : vector<1x1x16xf32> to vector<16xf32>
      %parallel_loop3A_735 = arith.constant 1 : i32
      %parallel_loop3A_736 = arith.index_cast %parallel_loop3A_735 : i32 to index
      %parallel_loop3A_737 = arith.index_cast %parallel_loop3A_728 : i32 to index
      %parallel_loop3A_738 = arith.constant 128 : index
      %parallel_loop3A_739 = tpu.vector_load %arg8[%parallel_loop3A_736, %parallel_loop3A_737, %parallel_loop3A_738] {strides = array<i32>} : memref<4x64x192xf32, #tpu.memory_space<vmem>>, vector<1x1x16xf32>,
      %parallel_loop3A_740 = vector.shape_cast %parallel_loop3A_739 : vector<1x1x16xf32> to vector<16xf32>
      %parallel_loop3A_741 = vector.shape_cast %parallel_loop3A_734 : vector<16xf32> to vector<1x1x16xf32>
      tpu.vector_store %arg8[%parallel_loop3A_736, %parallel_loop3A_737, %parallel_loop3A_738], %parallel_loop3A_741 {strides = array<i32>} : memref<4x64x192xf32, #tpu.memory_space<vmem>>, vector<1x1x16xf32>,
      %parallel_loop3A_742 = arith.constant 1 : i32
      %parallel_loop3A_743 = arith.index_cast %parallel_loop3A_742 : i32 to index
      %parallel_loop3A_744 = arith.index_cast %parallel_loop3A_728 : i32 to index
      %parallel_loop3A_745 = arith.constant 16 : index
      %parallel_loop3A_746 = tpu.vector_load %arg7[%parallel_loop3A_743, %parallel_loop3A_744, %parallel_loop3A_745] {strides = array<i32>} : memref<4x64x128xf32, #tpu.memory_space<vmem>>, vector<1x1x16xf32>,
      %parallel_loop3A_747 = vector.shape_cast %parallel_loop3A_746 : vector<1x1x16xf32> to vector<16xf32>
      %parallel_loop3A_748 = arith.constant 1 : i32
      %parallel_loop3A_749 = arith.index_cast %parallel_loop3A_748 : i32 to index
      %parallel_loop3A_750 = arith.index_cast %parallel_loop3A_728 : i32 to index
      %parallel_loop3A_751 = arith.constant 144 : index
      %parallel_loop3A_752 = tpu.vector_load %arg8[%parallel_loop3A_749, %parallel_loop3A_750, %parallel_loop3A_751] {strides = array<i32>} : memref<4x64x192xf32, #tpu.memory_space<vmem>>, vector<1x1x16xf32>,
      %parallel_loop3A_753 = vector.shape_cast %parallel_loop3A_752 : vector<1x1x16xf32> to vector<16xf32>
      %parallel_loop3A_754 = vector.shape_cast %parallel_loop3A_747 : vector<16xf32> to vector<1x1x16xf32>
      tpu.vector_store %arg8[%parallel_loop3A_749, %parallel_loop3A_750, %parallel_loop3A_751], %parallel_loop3A_754 {strides = array<i32>} : memref<4x64x192xf32, #tpu.memory_space<vmem>>, vector<1x1x16xf32>,
      %parallel_loop3A_755 = arith.constant 1 : i32
      %parallel_loop3A_756 = arith.index_cast %parallel_loop3A_755 : i32 to index
      %parallel_loop3A_757 = arith.index_cast %parallel_loop3A_728 : i32 to index
      %parallel_loop3A_758 = arith.constant 32 : index
      %parallel_loop3A_759 = tpu.vector_load %arg7[%parallel_loop3A_756, %parallel_loop3A_757, %parallel_loop3A_758] {strides = array<i32>} : memref<4x64x128xf32, #tpu.memory_space<vmem>>, vector<1x1x16xf32>,
      %parallel_loop3A_760 = vector.shape_cast %parallel_loop3A_759 : vector<1x1x16xf32> to vector<16xf32>
      %parallel_loop3A_761 = arith.constant 1 : i32
      %parallel_loop3A_762 = arith.index_cast %parallel_loop3A_761 : i32 to index
      %parallel_loop3A_763 = arith.index_cast %parallel_loop3A_728 : i32 to index
      %parallel_loop3A_764 = arith.constant 160 : index
      %parallel_loop3A_765 = tpu.vector_load %arg8[%parallel_loop3A_762, %parallel_loop3A_763, %parallel_loop3A_764] {strides = array<i32>} : memref<4x64x192xf32, #tpu.memory_space<vmem>>, vector<1x1x16xf32>,
      %parallel_loop3A_766 = vector.shape_cast %parallel_loop3A_765 : vector<1x1x16xf32> to vector<16xf32>
      %parallel_loop3A_767 = vector.shape_cast %parallel_loop3A_760 : vector<16xf32> to vector<1x1x16xf32>
      tpu.vector_store %arg8[%parallel_loop3A_762, %parallel_loop3A_763, %parallel_loop3A_764], %parallel_loop3A_767 {strides = array<i32>} : memref<4x64x192xf32, #tpu.memory_space<vmem>>, vector<1x1x16xf32>,
      %parallel_loop3A_768 = arith.constant 1 : i32
      %parallel_loop3A_769 = arith.index_cast %parallel_loop3A_768 : i32 to index
      %parallel_loop3A_770 = arith.index_cast %parallel_loop3A_728 : i32 to index
      %parallel_loop3A_771 = arith.constant 48 : index
      %parallel_loop3A_772 = tpu.vector_load %arg7[%parallel_loop3A_769, %parallel_loop3A_770, %parallel_loop3A_771] {strides = array<i32>} : memref<4x64x128xf32, #tpu.memory_space<vmem>>, vector<1x1x16xf32>,
      %parallel_loop3A_773 = vector.shape_cast %parallel_loop3A_772 : vector<1x1x16xf32> to vector<16xf32>
      %parallel_loop3A_774 = arith.constant 1 : i32
      %parallel_loop3A_775 = arith.index_cast %parallel_loop3A_774 : i32 to index
      %parallel_loop3A_776 = arith.index_cast %parallel_loop3A_728 : i32 to index
      %parallel_loop3A_777 = arith.constant 176 : index
      %parallel_loop3A_778 = tpu.vector_load %arg8[%parallel_loop3A_775, %parallel_loop3A_776, %parallel_loop3A_777] {strides = array<i32>} : memref<4x64x192xf32, #tpu.memory_space<vmem>>, vector<1x1x16xf32>,
      %parallel_loop3A_779 = vector.shape_cast %parallel_loop3A_778 : vector<1x1x16xf32> to vector<16xf32>
      %parallel_loop3A_780 = vector.shape_cast %parallel_loop3A_773 : vector<16xf32> to vector<1x1x16xf32>
      tpu.vector_store %arg8[%parallel_loop3A_775, %parallel_loop3A_776, %parallel_loop3A_777], %parallel_loop3A_780 {strides = array<i32>} : memref<4x64x192xf32, #tpu.memory_space<vmem>>, vector<1x1x16xf32>,
    } {sc.loop_unroll_factor = 4 : i64, sc.parallel_access}
    %add3A_263 = arith.constant 64 : i32
    %add3A_264 = arith.addi %mul3A_2, %add3A_263 : i32
    %dma_start3A_265 = arith.constant 1 : i32
    %dma_start3A_266 = arith.constant 0 : i32
    %dma_start3A_267 = arith.constant 0 : i32
    %dma_start3A_268 = tpu.memref_slice %arg8[%dma_start3A_265, %dma_start3A_266, %dma_start3A_267] : memref<4x64x192xf32, #tpu.memory_space<vmem>> -> memref<1x64x192xf32, #tpu.memory_space<vmem>>
    %dma_start3A_269 = tpu.memref_squeeze %dma_start3A_268 : memref<1x64x192xf32, #tpu.memory_space<vmem>> -> memref<64x192xf32, #tpu.memory_space<vmem>>
    %dma_start3A_270 = arith.constant 0 : i32
    %dma_start3A_271 = tpu.memref_slice %arg5[%add3A_264, %dma_start3A_270] : memref<16384x192xf32, #tpu.memory_space<hbm>> -> memref<64x192xf32, #tpu.memory_space<hbm>>
    %dma_start3A_272 = arith.constant 0 : i32
    %dma_start3A_273 = tpu.memref_slice %arg5[%add3A_264, %dma_start3A_272] : memref<16384x192xf32, #tpu.memory_space<hbm>> -> memref<64x192xf32, #tpu.memory_space<hbm>>
    %dma_start3A_274 = arith.constant 0 : i32
    %dma_start3A_275 = arith.constant 0 : i32
    %dma_start3A_276 = tpu.memref_slice %arg8[%dma_start3A_265, %dma_start3A_274, %dma_start3A_275] : memref<4x64x192xf32, #tpu.memory_space<vmem>> -> memref<1x64x192xf32, #tpu.memory_space<vmem>>
    %dma_start3A_277 = tpu.memref_squeeze %dma_start3A_276 : memref<1x64x192xf32, #tpu.memory_space<vmem>> -> memref<64x192xf32, #tpu.memory_space<vmem>>
    tpu.enqueue_dma source(%dma_start3A_277 : memref<64x192xf32, #tpu.memory_space<vmem>>) target(%dma_start3A_273 : memref<64x192xf32, #tpu.memory_space<hbm>>) target_semaphore(%arg13 : memref<!tpu.dma_semaphore, #tpu.memory_space<semaphore_mem>>)
    %dma_wait3A_278 = arith.constant 0 : i32
    %dma_wait3A_279 = arith.constant 0 : i32
    %dma_wait3A_280 = arith.constant 0 : i32
    %dma_wait3A_281 = tpu.memref_slice %arg8[%dma_wait3A_278, %dma_wait3A_279, %dma_wait3A_280] : memref<4x64x192xf32, #tpu.memory_space<vmem>> -> memref<1x64x192xf32, #tpu.memory_space<vmem>>
    %dma_wait3A_282 = tpu.memref_squeeze %dma_wait3A_281 : memref<1x64x192xf32, #tpu.memory_space<vmem>> -> memref<64x192xf32, #tpu.memory_space<vmem>>
    %dma_wait3A_283 = arith.constant 0 : i32
    %dma_wait3A_284 = tpu.memref_slice %arg5[%add3A_198, %dma_wait3A_283] : memref<16384x192xf32, #tpu.memory_space<hbm>> -> memref<64x192xf32, #tpu.memory_space<hbm>>
    %dma_wait3A_285 = arith.constant 0 : i32
    %dma_wait3A_286 = tpu.memref_slice %arg5[%add3A_198, %dma_wait3A_285] : memref<16384x192xf32, #tpu.memory_space<hbm>> -> memref<64x192xf32, #tpu.memory_space<hbm>>
    %dma_wait3A_287 = arith.constant 0 : i32
    %dma_wait3A_288 = arith.constant 0 : i32
    %dma_wait3A_289 = tpu.memref_slice %arg8[%dma_wait3A_278, %dma_wait3A_287, %dma_wait3A_288] : memref<4x64x192xf32, #tpu.memory_space<vmem>> -> memref<1x64x192xf32, #tpu.memory_space<vmem>>
    %dma_wait3A_290 = tpu.memref_squeeze %dma_wait3A_289 : memref<1x64x192xf32, #tpu.memory_space<vmem>> -> memref<64x192xf32, #tpu.memory_space<vmem>>
    tpu.wait_dma2 semaphore(%arg13 : memref<!tpu.dma_semaphore, #tpu.memory_space<semaphore_mem>>) src(%dma_wait3A_290 : memref<64x192xf32, #tpu.memory_space<vmem>>) dst(%dma_wait3A_286 : memref<64x192xf32, #tpu.memory_space<hbm>>)
    %add3A_291 = arith.constant 256 : i32
    %add3A_292 = arith.addi %mul3A_2, %add3A_291 : i32
    %dma_start3A_293 = arith.constant 0 : i32
    %dma_start3A_294 = arith.constant 0 : i32
    %dma_start3A_295 = arith.constant 0 : i32
    %dma_start3A_296 = tpu.memref_slice %arg8[%dma_start3A_293, %dma_start3A_294, %dma_start3A_295] : memref<4x64x192xf32, #tpu.memory_space<vmem>> -> memref<1x64x128xf32, #tpu.memory_space<vmem>>
    %dma_start3A_297 = tpu.memref_squeeze %dma_start3A_296 : memref<1x64x128xf32, #tpu.memory_space<vmem>> -> memref<64x128xf32, #tpu.memory_space<vmem>>
    %dma_start3A_298 = arith.constant 0 : i32
    %dma_start3A_299 = tpu.memref_slice %arg2[%add3A_292, %dma_start3A_298] : memref<16384x129xf32, #tpu.memory_space<hbm>> -> memref<64x128xf32, #tpu.memory_space<hbm>>
    %dma_start3A_300 = arith.constant 0 : i32
    %dma_start3A_301 = arith.constant 0 : i32
    %dma_start3A_302 = tpu.memref_slice %arg8[%dma_start3A_293, %dma_start3A_300, %dma_start3A_301] : memref<4x64x192xf32, #tpu.memory_space<vmem>> -> memref<1x64x128xf32, #tpu.memory_space<vmem>>
    %dma_start3A_303 = tpu.memref_squeeze %dma_start3A_302 : memref<1x64x128xf32, #tpu.memory_space<vmem>> -> memref<64x128xf32, #tpu.memory_space<vmem>>
    %dma_start3A_304 = arith.constant 0 : i32
    %dma_start3A_305 = tpu.memref_slice %arg2[%add3A_292, %dma_start3A_304] : memref<16384x129xf32, #tpu.memory_space<hbm>> -> memref<64x128xf32, #tpu.memory_space<hbm>>
    tpu.enqueue_dma source(%dma_start3A_305 : memref<64x128xf32, #tpu.memory_space<hbm>>) target(%dma_start3A_303 : memref<64x128xf32, #tpu.memory_space<vmem>>) target_semaphore(%arg11 : memref<!tpu.dma_semaphore, #tpu.memory_space<semaphore_mem>>)
    %dma_start3A_306 = arith.constant 0 : i32
    %dma_start3A_307 = arith.constant 0 : i32
    %dma_start3A_308 = arith.constant 0 : i32
    %dma_start3A_309 = tpu.memref_slice %arg7[%dma_start3A_306, %dma_start3A_307, %dma_start3A_308] : memref<4x64x128xf32, #tpu.memory_space<vmem>> -> memref<1x64x128xf32, #tpu.memory_space<vmem>>
    %dma_start3A_310 = tpu.memref_squeeze %dma_start3A_309 : memref<1x64x128xf32, #tpu.memory_space<vmem>> -> memref<64x128xf32, #tpu.memory_space<vmem>>
    %dma_start3A_311 = arith.constant 256 : i32
    %dma_start3A_312 = tpu.memref_slice %arg6[%dma_start3A_311] : memref<512xi32, #tpu.memory_space<vmem>> -> memref<64xi32, #tpu.memory_space<vmem>>
    %dma_start3A_313 = arith.constant 0 : i32
    %dma_start3A_314 = arith.constant 0 : i32
    %dma_start3A_315 = tpu.memref_slice %arg10[%dma_start3A_313, %dma_start3A_314] : memref<1024x128xf32, #tpu.memory_space<vmem_shared>> -> memref<1024x128xf32, #tpu.memory_space<vmem_shared>>
    tpu.enqueue_indirect_dma source(%dma_start3A_315 : memref<1024x128xf32, #tpu.memory_space<vmem_shared>>) target(%dma_start3A_310 : memref<64x128xf32, #tpu.memory_space<vmem>>) offsets(%dma_start3A_312 : memref<64xi32, #tpu.memory_space<vmem>>) semaphore(%arg12 : memref<!tpu.dma_semaphore, #tpu.memory_space<semaphore_mem>>)
    %dma_wait3A_316 = arith.constant 2 : i32
    %dma_wait3A_317 = arith.constant 0 : i32
    %dma_wait3A_318 = arith.constant 0 : i32
    %dma_wait3A_319 = tpu.memref_slice %arg7[%dma_wait3A_316, %dma_wait3A_317, %dma_wait3A_318] : memref<4x64x128xf32, #tpu.memory_space<vmem>> -> memref<1x64x128xf32, #tpu.memory_space<vmem>>
    %dma_wait3A_320 = tpu.memref_squeeze %dma_wait3A_319 : memref<1x64x128xf32, #tpu.memory_space<vmem>> -> memref<64x128xf32, #tpu.memory_space<vmem>>
    %dma_wait3A_321 = arith.constant 128 : i32
    %dma_wait3A_322 = tpu.memref_slice %arg6[%dma_wait3A_321] : memref<512xi32, #tpu.memory_space<vmem>> -> memref<64xi32, #tpu.memory_space<vmem>>
    %dma_wait3A_323 = arith.constant 0 : i32
    %dma_wait3A_324 = arith.constant 0 : i32
    %dma_wait3A_325 = tpu.memref_slice %arg10[%dma_wait3A_323, %dma_wait3A_324] : memref<1024x128xf32, #tpu.memory_space<vmem_shared>> -> memref<1024x128xf32, #tpu.memory_space<vmem_shared>>
    tpu.wait_indirect_dma semaphore(%arg12 : memref<!tpu.dma_semaphore, #tpu.memory_space<semaphore_mem>>) src(%dma_wait3A_325 : memref<1024x128xf32, #tpu.memory_space<vmem_shared>>) dst(%dma_wait3A_320 : memref<64x128xf32, #tpu.memory_space<vmem>>)
    %dma_wait3A_326 = arith.constant 2 : i32
    %dma_wait3A_327 = arith.constant 0 : i32
    %dma_wait3A_328 = arith.constant 0 : i32
    %dma_wait3A_329 = tpu.memref_slice %arg8[%dma_wait3A_326, %dma_wait3A_327, %dma_wait3A_328] : memref<4x64x192xf32, #tpu.memory_space<vmem>> -> memref<1x64x128xf32, #tpu.memory_space<vmem>>
    %dma_wait3A_330 = tpu.memref_squeeze %dma_wait3A_329 : memref<1x64x128xf32, #tpu.memory_space<vmem>> -> memref<64x128xf32, #tpu.memory_space<vmem>>
    %dma_wait3A_331 = arith.constant 0 : i32
    %dma_wait3A_332 = tpu.memref_slice %arg2[%add3A_33, %dma_wait3A_331] : memref<16384x129xf32, #tpu.memory_space<hbm>> -> memref<64x128xf32, #tpu.memory_space<hbm>>
    %dma_wait3A_333 = arith.constant 0 : i32
    %dma_wait3A_334 = arith.constant 0 : i32
    %dma_wait3A_335 = tpu.memref_slice %arg8[%dma_wait3A_326, %dma_wait3A_333, %dma_wait3A_334] : memref<4x64x192xf32, #tpu.memory_space<vmem>> -> memref<1x64x128xf32, #tpu.memory_space<vmem>>
    %dma_wait3A_336 = tpu.memref_squeeze %dma_wait3A_335 : memref<1x64x128xf32, #tpu.memory_space<vmem>> -> memref<64x128xf32, #tpu.memory_space<vmem>>
    %dma_wait3A_337 = arith.constant 0 : i32
    %dma_wait3A_338 = tpu.memref_slice %arg2[%add3A_33, %dma_wait3A_337] : memref<16384x129xf32, #tpu.memory_space<hbm>> -> memref<64x128xf32, #tpu.memory_space<hbm>>
    tpu.wait_dma2 semaphore(%arg11 : memref<!tpu.dma_semaphore, #tpu.memory_space<semaphore_mem>>) src(%dma_wait3A_338 : memref<64x128xf32, #tpu.memory_space<hbm>>) dst(%dma_wait3A_336 : memref<64x128xf32, #tpu.memory_space<vmem>>)
    %parallel_loop3A_339 = arith.constant 0 : i32
    %parallel_loop3A_340 = arith.constant 64 : i32
    %parallel_loop3A_341 = arith.constant 1 : i32
    scf.for %parallel_loop3A_728 = %parallel_loop3A_339 to %parallel_loop3A_340 step %parallel_loop3A_341  : i32 {
      %parallel_loop3A_729 = arith.constant 2 : i32
      %parallel_loop3A_730 = arith.index_cast %parallel_loop3A_729 : i32 to index
      %parallel_loop3A_731 = arith.index_cast %parallel_loop3A_728 : i32 to index
      %parallel_loop3A_732 = arith.constant 0 : index
      %parallel_loop3A_733 = tpu.vector_load %arg7[%parallel_loop3A_730, %parallel_loop3A_731, %parallel_loop3A_732] {strides = array<i32>} : memref<4x64x128xf32, #tpu.memory_space<vmem>>, vector<1x1x16xf32>,
      %parallel_loop3A_734 = vector.shape_cast %parallel_loop3A_733 : vector<1x1x16xf32> to vector<16xf32>
      %parallel_loop3A_735 = arith.constant 2 : i32
      %parallel_loop3A_736 = arith.index_cast %parallel_loop3A_735 : i32 to index
      %parallel_loop3A_737 = arith.index_cast %parallel_loop3A_728 : i32 to index
      %parallel_loop3A_738 = arith.constant 128 : index
      %parallel_loop3A_739 = tpu.vector_load %arg8[%parallel_loop3A_736, %parallel_loop3A_737, %parallel_loop3A_738] {strides = array<i32>} : memref<4x64x192xf32, #tpu.memory_space<vmem>>, vector<1x1x16xf32>,
      %parallel_loop3A_740 = vector.shape_cast %parallel_loop3A_739 : vector<1x1x16xf32> to vector<16xf32>
      %parallel_loop3A_741 = vector.shape_cast %parallel_loop3A_734 : vector<16xf32> to vector<1x1x16xf32>
      tpu.vector_store %arg8[%parallel_loop3A_736, %parallel_loop3A_737, %parallel_loop3A_738], %parallel_loop3A_741 {strides = array<i32>} : memref<4x64x192xf32, #tpu.memory_space<vmem>>, vector<1x1x16xf32>,
      %parallel_loop3A_742 = arith.constant 2 : i32
      %parallel_loop3A_743 = arith.index_cast %parallel_loop3A_742 : i32 to index
      %parallel_loop3A_744 = arith.index_cast %parallel_loop3A_728 : i32 to index
      %parallel_loop3A_745 = arith.constant 16 : index
      %parallel_loop3A_746 = tpu.vector_load %arg7[%parallel_loop3A_743, %parallel_loop3A_744, %parallel_loop3A_745] {strides = array<i32>} : memref<4x64x128xf32, #tpu.memory_space<vmem>>, vector<1x1x16xf32>,
      %parallel_loop3A_747 = vector.shape_cast %parallel_loop3A_746 : vector<1x1x16xf32> to vector<16xf32>
      %parallel_loop3A_748 = arith.constant 2 : i32
      %parallel_loop3A_749 = arith.index_cast %parallel_loop3A_748 : i32 to index
      %parallel_loop3A_750 = arith.index_cast %parallel_loop3A_728 : i32 to index
      %parallel_loop3A_751 = arith.constant 144 : index
      %parallel_loop3A_752 = tpu.vector_load %arg8[%parallel_loop3A_749, %parallel_loop3A_750, %parallel_loop3A_751] {strides = array<i32>} : memref<4x64x192xf32, #tpu.memory_space<vmem>>, vector<1x1x16xf32>,
      %parallel_loop3A_753 = vector.shape_cast %parallel_loop3A_752 : vector<1x1x16xf32> to vector<16xf32>
      %parallel_loop3A_754 = vector.shape_cast %parallel_loop3A_747 : vector<16xf32> to vector<1x1x16xf32>
      tpu.vector_store %arg8[%parallel_loop3A_749, %parallel_loop3A_750, %parallel_loop3A_751], %parallel_loop3A_754 {strides = array<i32>} : memref<4x64x192xf32, #tpu.memory_space<vmem>>, vector<1x1x16xf32>,
      %parallel_loop3A_755 = arith.constant 2 : i32
      %parallel_loop3A_756 = arith.index_cast %parallel_loop3A_755 : i32 to index
      %parallel_loop3A_757 = arith.index_cast %parallel_loop3A_728 : i32 to index
      %parallel_loop3A_758 = arith.constant 32 : index
      %parallel_loop3A_759 = tpu.vector_load %arg7[%parallel_loop3A_756, %parallel_loop3A_757, %parallel_loop3A_758] {strides = array<i32>} : memref<4x64x128xf32, #tpu.memory_space<vmem>>, vector<1x1x16xf32>,
      %parallel_loop3A_760 = vector.shape_cast %parallel_loop3A_759 : vector<1x1x16xf32> to vector<16xf32>
      %parallel_loop3A_761 = arith.constant 2 : i32
      %parallel_loop3A_762 = arith.index_cast %parallel_loop3A_761 : i32 to index
      %parallel_loop3A_763 = arith.index_cast %parallel_loop3A_728 : i32 to index
      %parallel_loop3A_764 = arith.constant 160 : index
      %parallel_loop3A_765 = tpu.vector_load %arg8[%parallel_loop3A_762, %parallel_loop3A_763, %parallel_loop3A_764] {strides = array<i32>} : memref<4x64x192xf32, #tpu.memory_space<vmem>>, vector<1x1x16xf32>,
      %parallel_loop3A_766 = vector.shape_cast %parallel_loop3A_765 : vector<1x1x16xf32> to vector<16xf32>
      %parallel_loop3A_767 = vector.shape_cast %parallel_loop3A_760 : vector<16xf32> to vector<1x1x16xf32>
      tpu.vector_store %arg8[%parallel_loop3A_762, %parallel_loop3A_763, %parallel_loop3A_764], %parallel_loop3A_767 {strides = array<i32>} : memref<4x64x192xf32, #tpu.memory_space<vmem>>, vector<1x1x16xf32>,
      %parallel_loop3A_768 = arith.constant 2 : i32
      %parallel_loop3A_769 = arith.index_cast %parallel_loop3A_768 : i32 to index
      %parallel_loop3A_770 = arith.index_cast %parallel_loop3A_728 : i32 to index
      %parallel_loop3A_771 = arith.constant 48 : index
      %parallel_loop3A_772 = tpu.vector_load %arg7[%parallel_loop3A_769, %parallel_loop3A_770, %parallel_loop3A_771] {strides = array<i32>} : memref<4x64x128xf32, #tpu.memory_space<vmem>>, vector<1x1x16xf32>,
      %parallel_loop3A_773 = vector.shape_cast %parallel_loop3A_772 : vector<1x1x16xf32> to vector<16xf32>
      %parallel_loop3A_774 = arith.constant 2 : i32
      %parallel_loop3A_775 = arith.index_cast %parallel_loop3A_774 : i32 to index
      %parallel_loop3A_776 = arith.index_cast %parallel_loop3A_728 : i32 to index
      %parallel_loop3A_777 = arith.constant 176 : index
      %parallel_loop3A_778 = tpu.vector_load %arg8[%parallel_loop3A_775, %parallel_loop3A_776, %parallel_loop3A_777] {strides = array<i32>} : memref<4x64x192xf32, #tpu.memory_space<vmem>>, vector<1x1x16xf32>,
      %parallel_loop3A_779 = vector.shape_cast %parallel_loop3A_778 : vector<1x1x16xf32> to vector<16xf32>
      %parallel_loop3A_780 = vector.shape_cast %parallel_loop3A_773 : vector<16xf32> to vector<1x1x16xf32>
      tpu.vector_store %arg8[%parallel_loop3A_775, %parallel_loop3A_776, %parallel_loop3A_777], %parallel_loop3A_780 {strides = array<i32>} : memref<4x64x192xf32, #tpu.memory_space<vmem>>, vector<1x1x16xf32>,
    } {sc.loop_unroll_factor = 4 : i64, sc.parallel_access}
    %add3A_342 = arith.constant 128 : i32
    %add3A_343 = arith.addi %mul3A_2, %add3A_342 : i32
    %dma_start3A_344 = arith.constant 2 : i32
    %dma_start3A_345 = arith.constant 0 : i32
    %dma_start3A_346 = arith.constant 0 : i32
    %dma_start3A_347 = tpu.memref_slice %arg8[%dma_start3A_344, %dma_start3A_345, %dma_start3A_346] : memref<4x64x192xf32, #tpu.memory_space<vmem>> -> memref<1x64x192xf32, #tpu.memory_space<vmem>>
    %dma_start3A_348 = tpu.memref_squeeze %dma_start3A_347 : memref<1x64x192xf32, #tpu.memory_space<vmem>> -> memref<64x192xf32, #tpu.memory_space<vmem>>
    %dma_start3A_349 = arith.constant 0 : i32
    %dma_start3A_350 = tpu.memref_slice %arg5[%add3A_343, %dma_start3A_349] : memref<16384x192xf32, #tpu.memory_space<hbm>> -> memref<64x192xf32, #tpu.memory_space<hbm>>
    %dma_start3A_351 = arith.constant 0 : i32
    %dma_start3A_352 = tpu.memref_slice %arg5[%add3A_343, %dma_start3A_351] : memref<16384x192xf32, #tpu.memory_space<hbm>> -> memref<64x192xf32, #tpu.memory_space<hbm>>
    %dma_start3A_353 = arith.constant 0 : i32
    %dma_start3A_354 = arith.constant 0 : i32
    %dma_start3A_355 = tpu.memref_slice %arg8[%dma_start3A_344, %dma_start3A_353, %dma_start3A_354] : memref<4x64x192xf32, #tpu.memory_space<vmem>> -> memref<1x64x192xf32, #tpu.memory_space<vmem>>
    %dma_start3A_356 = tpu.memref_squeeze %dma_start3A_355 : memref<1x64x192xf32, #tpu.memory_space<vmem>> -> memref<64x192xf32, #tpu.memory_space<vmem>>
    tpu.enqueue_dma source(%dma_start3A_356 : memref<64x192xf32, #tpu.memory_space<vmem>>) target(%dma_start3A_352 : memref<64x192xf32, #tpu.memory_space<hbm>>) target_semaphore(%arg13 : memref<!tpu.dma_semaphore, #tpu.memory_space<semaphore_mem>>)
    %dma_wait3A_357 = arith.constant 1 : i32
    %dma_wait3A_358 = arith.constant 0 : i32
    %dma_wait3A_359 = arith.constant 0 : i32
    %dma_wait3A_360 = tpu.memref_slice %arg8[%dma_wait3A_357, %dma_wait3A_358, %dma_wait3A_359] : memref<4x64x192xf32, #tpu.memory_space<vmem>> -> memref<1x64x192xf32, #tpu.memory_space<vmem>>
    %dma_wait3A_361 = tpu.memref_squeeze %dma_wait3A_360 : memref<1x64x192xf32, #tpu.memory_space<vmem>> -> memref<64x192xf32, #tpu.memory_space<vmem>>
    %dma_wait3A_362 = arith.constant 0 : i32
    %dma_wait3A_363 = tpu.memref_slice %arg5[%add3A_264, %dma_wait3A_362] : memref<16384x192xf32, #tpu.memory_space<hbm>> -> memref<64x192xf32, #tpu.memory_space<hbm>>
    %dma_wait3A_364 = arith.constant 0 : i32
    %dma_wait3A_365 = tpu.memref_slice %arg5[%add3A_264, %dma_wait3A_364] : memref<16384x192xf32, #tpu.memory_space<hbm>> -> memref<64x192xf32, #tpu.memory_space<hbm>>
    %dma_wait3A_366 = arith.constant 0 : i32
    %dma_wait3A_367 = arith.constant 0 : i32
    %dma_wait3A_368 = tpu.memref_slice %arg8[%dma_wait3A_357, %dma_wait3A_366, %dma_wait3A_367] : memref<4x64x192xf32, #tpu.memory_space<vmem>> -> memref<1x64x192xf32, #tpu.memory_space<vmem>>
    %dma_wait3A_369 = tpu.memref_squeeze %dma_wait3A_368 : memref<1x64x192xf32, #tpu.memory_space<vmem>> -> memref<64x192xf32, #tpu.memory_space<vmem>>
    tpu.wait_dma2 semaphore(%arg13 : memref<!tpu.dma_semaphore, #tpu.memory_space<semaphore_mem>>) src(%dma_wait3A_369 : memref<64x192xf32, #tpu.memory_space<vmem>>) dst(%dma_wait3A_365 : memref<64x192xf32, #tpu.memory_space<hbm>>)
    %add3A_370 = arith.constant 320 : i32
    %add3A_371 = arith.addi %mul3A_2, %add3A_370 : i32
    %dma_start3A_372 = arith.constant 1 : i32
    %dma_start3A_373 = arith.constant 0 : i32
    %dma_start3A_374 = arith.constant 0 : i32
    %dma_start3A_375 = tpu.memref_slice %arg8[%dma_start3A_372, %dma_start3A_373, %dma_start3A_374] : memref<4x64x192xf32, #tpu.memory_space<vmem>> -> memref<1x64x128xf32, #tpu.memory_space<vmem>>
    %dma_start3A_376 = tpu.memref_squeeze %dma_start3A_375 : memref<1x64x128xf32, #tpu.memory_space<vmem>> -> memref<64x128xf32, #tpu.memory_space<vmem>>
    %dma_start3A_377 = arith.constant 0 : i32
    %dma_start3A_378 = tpu.memref_slice %arg2[%add3A_371, %dma_start3A_377] : memref<16384x129xf32, #tpu.memory_space<hbm>> -> memref<64x128xf32, #tpu.memory_space<hbm>>
    %dma_start3A_379 = arith.constant 0 : i32
    %dma_start3A_380 = arith.constant 0 : i32
    %dma_start3A_381 = tpu.memref_slice %arg8[%dma_start3A_372, %dma_start3A_379, %dma_start3A_380] : memref<4x64x192xf32, #tpu.memory_space<vmem>> -> memref<1x64x128xf32, #tpu.memory_space<vmem>>
    %dma_start3A_382 = tpu.memref_squeeze %dma_start3A_381 : memref<1x64x128xf32, #tpu.memory_space<vmem>> -> memref<64x128xf32, #tpu.memory_space<vmem>>
    %dma_start3A_383 = arith.constant 0 : i32
    %dma_start3A_384 = tpu.memref_slice %arg2[%add3A_371, %dma_start3A_383] : memref<16384x129xf32, #tpu.memory_space<hbm>> -> memref<64x128xf32, #tpu.memory_space<hbm>>
    tpu.enqueue_dma source(%dma_start3A_384 : memref<64x128xf32, #tpu.memory_space<hbm>>) target(%dma_start3A_382 : memref<64x128xf32, #tpu.memory_space<vmem>>) target_semaphore(%arg11 : memref<!tpu.dma_semaphore, #tpu.memory_space<semaphore_mem>>)
    %dma_start3A_385 = arith.constant 1 : i32
    %dma_start3A_386 = arith.constant 0 : i32
    %dma_start3A_387 = arith.constant 0 : i32
    %dma_start3A_388 = tpu.memref_slice %arg7[%dma_start3A_385, %dma_start3A_386, %dma_start3A_387] : memref<4x64x128xf32, #tpu.memory_space<vmem>> -> memref<1x64x128xf32, #tpu.memory_space<vmem>>
    %dma_start3A_389 = tpu.memref_squeeze %dma_start3A_388 : memref<1x64x128xf32, #tpu.memory_space<vmem>> -> memref<64x128xf32, #tpu.memory_space<vmem>>
    %dma_start3A_390 = arith.constant 320 : i32
    %dma_start3A_391 = tpu.memref_slice %arg6[%dma_start3A_390] : memref<512xi32, #tpu.memory_space<vmem>> -> memref<64xi32, #tpu.memory_space<vmem>>
    %dma_start3A_392 = arith.constant 0 : i32
    %dma_start3A_393 = arith.constant 0 : i32
    %dma_start3A_394 = tpu.memref_slice %arg10[%dma_start3A_392, %dma_start3A_393] : memref<1024x128xf32, #tpu.memory_space<vmem_shared>> -> memref<1024x128xf32, #tpu.memory_space<vmem_shared>>
    tpu.enqueue_indirect_dma source(%dma_start3A_394 : memref<1024x128xf32, #tpu.memory_space<vmem_shared>>) target(%dma_start3A_389 : memref<64x128xf32, #tpu.memory_space<vmem>>) offsets(%dma_start3A_391 : memref<64xi32, #tpu.memory_space<vmem>>) semaphore(%arg12 : memref<!tpu.dma_semaphore, #tpu.memory_space<semaphore_mem>>)
    %dma_wait3A_395 = arith.constant 3 : i32
    %dma_wait3A_396 = arith.constant 0 : i32
    %dma_wait3A_397 = arith.constant 0 : i32
    %dma_wait3A_398 = tpu.memref_slice %arg7[%dma_wait3A_395, %dma_wait3A_396, %dma_wait3A_397] : memref<4x64x128xf32, #tpu.memory_space<vmem>> -> memref<1x64x128xf32, #tpu.memory_space<vmem>>
    %dma_wait3A_399 = tpu.memref_squeeze %dma_wait3A_398 : memref<1x64x128xf32, #tpu.memory_space<vmem>> -> memref<64x128xf32, #tpu.memory_space<vmem>>
    %dma_wait3A_400 = arith.constant 192 : i32
    %dma_wait3A_401 = tpu.memref_slice %arg6[%dma_wait3A_400] : memref<512xi32, #tpu.memory_space<vmem>> -> memref<64xi32, #tpu.memory_space<vmem>>
    %dma_wait3A_402 = arith.constant 0 : i32
    %dma_wait3A_403 = arith.constant 0 : i32
    %dma_wait3A_404 = tpu.memref_slice %arg10[%dma_wait3A_402, %dma_wait3A_403] : memref<1024x128xf32, #tpu.memory_space<vmem_shared>> -> memref<1024x128xf32, #tpu.memory_space<vmem_shared>>
    tpu.wait_indirect_dma semaphore(%arg12 : memref<!tpu.dma_semaphore, #tpu.memory_space<semaphore_mem>>) src(%dma_wait3A_404 : memref<1024x128xf32, #tpu.memory_space<vmem_shared>>) dst(%dma_wait3A_399 : memref<64x128xf32, #tpu.memory_space<vmem>>)
    %dma_wait3A_405 = arith.constant 3 : i32
    %dma_wait3A_406 = arith.constant 0 : i32
    %dma_wait3A_407 = arith.constant 0 : i32
    %dma_wait3A_408 = tpu.memref_slice %arg8[%dma_wait3A_405, %dma_wait3A_406, %dma_wait3A_407] : memref<4x64x192xf32, #tpu.memory_space<vmem>> -> memref<1x64x128xf32, #tpu.memory_space<vmem>>
    %dma_wait3A_409 = tpu.memref_squeeze %dma_wait3A_408 : memref<1x64x128xf32, #tpu.memory_space<vmem>> -> memref<64x128xf32, #tpu.memory_space<vmem>>
    %dma_wait3A_410 = arith.constant 0 : i32
    %dma_wait3A_411 = tpu.memref_slice %arg2[%add3A_213, %dma_wait3A_410] : memref<16384x129xf32, #tpu.memory_space<hbm>> -> memref<64x128xf32, #tpu.memory_space<hbm>>
    %dma_wait3A_412 = arith.constant 0 : i32
    %dma_wait3A_413 = arith.constant 0 : i32
    %dma_wait3A_414 = tpu.memref_slice %arg8[%dma_wait3A_405, %dma_wait3A_412, %dma_wait3A_413] : memref<4x64x192xf32, #tpu.memory_space<vmem>> -> memref<1x64x128xf32, #tpu.memory_space<vmem>>
    %dma_wait3A_415 = tpu.memref_squeeze %dma_wait3A_414 : memref<1x64x128xf32, #tpu.memory_space<vmem>> -> memref<64x128xf32, #tpu.memory_space<vmem>>
    %dma_wait3A_416 = arith.constant 0 : i32
    %dma_wait3A_417 = tpu.memref_slice %arg2[%add3A_213, %dma_wait3A_416] : memref<16384x129xf32, #tpu.memory_space<hbm>> -> memref<64x128xf32, #tpu.memory_space<hbm>>
    tpu.wait_dma2 semaphore(%arg11 : memref<!tpu.dma_semaphore, #tpu.memory_space<semaphore_mem>>) src(%dma_wait3A_417 : memref<64x128xf32, #tpu.memory_space<hbm>>) dst(%dma_wait3A_415 : memref<64x128xf32, #tpu.memory_space<vmem>>)
    %parallel_loop3A_418 = arith.constant 0 : i32
    %parallel_loop3A_419 = arith.constant 64 : i32
    %parallel_loop3A_420 = arith.constant 1 : i32
    scf.for %parallel_loop3A_728 = %parallel_loop3A_418 to %parallel_loop3A_419 step %parallel_loop3A_420  : i32 {
      %parallel_loop3A_729 = arith.constant 3 : i32
      %parallel_loop3A_730 = arith.index_cast %parallel_loop3A_729 : i32 to index
      %parallel_loop3A_731 = arith.index_cast %parallel_loop3A_728 : i32 to index
      %parallel_loop3A_732 = arith.constant 0 : index
      %parallel_loop3A_733 = tpu.vector_load %arg7[%parallel_loop3A_730, %parallel_loop3A_731, %parallel_loop3A_732] {strides = array<i32>} : memref<4x64x128xf32, #tpu.memory_space<vmem>>, vector<1x1x16xf32>,
      %parallel_loop3A_734 = vector.shape_cast %parallel_loop3A_733 : vector<1x1x16xf32> to vector<16xf32>
      %parallel_loop3A_735 = arith.constant 3 : i32
      %parallel_loop3A_736 = arith.index_cast %parallel_loop3A_735 : i32 to index
      %parallel_loop3A_737 = arith.index_cast %parallel_loop3A_728 : i32 to index
      %parallel_loop3A_738 = arith.constant 128 : index
      %parallel_loop3A_739 = tpu.vector_load %arg8[%parallel_loop3A_736, %parallel_loop3A_737, %parallel_loop3A_738] {strides = array<i32>} : memref<4x64x192xf32, #tpu.memory_space<vmem>>, vector<1x1x16xf32>,
      %parallel_loop3A_740 = vector.shape_cast %parallel_loop3A_739 : vector<1x1x16xf32> to vector<16xf32>
      %parallel_loop3A_741 = vector.shape_cast %parallel_loop3A_734 : vector<16xf32> to vector<1x1x16xf32>
      tpu.vector_store %arg8[%parallel_loop3A_736, %parallel_loop3A_737, %parallel_loop3A_738], %parallel_loop3A_741 {strides = array<i32>} : memref<4x64x192xf32, #tpu.memory_space<vmem>>, vector<1x1x16xf32>,
      %parallel_loop3A_742 = arith.constant 3 : i32
      %parallel_loop3A_743 = arith.index_cast %parallel_loop3A_742 : i32 to index
      %parallel_loop3A_744 = arith.index_cast %parallel_loop3A_728 : i32 to index
      %parallel_loop3A_745 = arith.constant 16 : index
      %parallel_loop3A_746 = tpu.vector_load %arg7[%parallel_loop3A_743, %parallel_loop3A_744, %parallel_loop3A_745] {strides = array<i32>} : memref<4x64x128xf32, #tpu.memory_space<vmem>>, vector<1x1x16xf32>,
      %parallel_loop3A_747 = vector.shape_cast %parallel_loop3A_746 : vector<1x1x16xf32> to vector<16xf32>
      %parallel_loop3A_748 = arith.constant 3 : i32
      %parallel_loop3A_749 = arith.index_cast %parallel_loop3A_748 : i32 to index
      %parallel_loop3A_750 = arith.index_cast %parallel_loop3A_728 : i32 to index
      %parallel_loop3A_751 = arith.constant 144 : index
      %parallel_loop3A_752 = tpu.vector_load %arg8[%parallel_loop3A_749, %parallel_loop3A_750, %parallel_loop3A_751] {strides = array<i32>} : memref<4x64x192xf32, #tpu.memory_space<vmem>>, vector<1x1x16xf32>,
      %parallel_loop3A_753 = vector.shape_cast %parallel_loop3A_752 : vector<1x1x16xf32> to vector<16xf32>
      %parallel_loop3A_754 = vector.shape_cast %parallel_loop3A_747 : vector<16xf32> to vector<1x1x16xf32>
      tpu.vector_store %arg8[%parallel_loop3A_749, %parallel_loop3A_750, %parallel_loop3A_751], %parallel_loop3A_754 {strides = array<i32>} : memref<4x64x192xf32, #tpu.memory_space<vmem>>, vector<1x1x16xf32>,
      %parallel_loop3A_755 = arith.constant 3 : i32
      %parallel_loop3A_756 = arith.index_cast %parallel_loop3A_755 : i32 to index
      %parallel_loop3A_757 = arith.index_cast %parallel_loop3A_728 : i32 to index
      %parallel_loop3A_758 = arith.constant 32 : index
      %parallel_loop3A_759 = tpu.vector_load %arg7[%parallel_loop3A_756, %parallel_loop3A_757, %parallel_loop3A_758] {strides = array<i32>} : memref<4x64x128xf32, #tpu.memory_space<vmem>>, vector<1x1x16xf32>,
      %parallel_loop3A_760 = vector.shape_cast %parallel_loop3A_759 : vector<1x1x16xf32> to vector<16xf32>
      %parallel_loop3A_761 = arith.constant 3 : i32
      %parallel_loop3A_762 = arith.index_cast %parallel_loop3A_761 : i32 to index
      %parallel_loop3A_763 = arith.index_cast %parallel_loop3A_728 : i32 to index
      %parallel_loop3A_764 = arith.constant 160 : index
      %parallel_loop3A_765 = tpu.vector_load %arg8[%parallel_loop3A_762, %parallel_loop3A_763, %parallel_loop3A_764] {strides = array<i32>} : memref<4x64x192xf32, #tpu.memory_space<vmem>>, vector<1x1x16xf32>,
      %parallel_loop3A_766 = vector.shape_cast %parallel_loop3A_765 : vector<1x1x16xf32> to vector<16xf32>
      %parallel_loop3A_767 = vector.shape_cast %parallel_loop3A_760 : vector<16xf32> to vector<1x1x16xf32>
      tpu.vector_store %arg8[%parallel_loop3A_762, %parallel_loop3A_763, %parallel_loop3A_764], %parallel_loop3A_767 {strides = array<i32>} : memref<4x64x192xf32, #tpu.memory_space<vmem>>, vector<1x1x16xf32>,
      %parallel_loop3A_768 = arith.constant 3 : i32
      %parallel_loop3A_769 = arith.index_cast %parallel_loop3A_768 : i32 to index
      %parallel_loop3A_770 = arith.index_cast %parallel_loop3A_728 : i32 to index
      %parallel_loop3A_771 = arith.constant 48 : index
      %parallel_loop3A_772 = tpu.vector_load %arg7[%parallel_loop3A_769, %parallel_loop3A_770, %parallel_loop3A_771] {strides = array<i32>} : memref<4x64x128xf32, #tpu.memory_space<vmem>>, vector<1x1x16xf32>,
      %parallel_loop3A_773 = vector.shape_cast %parallel_loop3A_772 : vector<1x1x16xf32> to vector<16xf32>
      %parallel_loop3A_774 = arith.constant 3 : i32
      %parallel_loop3A_775 = arith.index_cast %parallel_loop3A_774 : i32 to index
      %parallel_loop3A_776 = arith.index_cast %parallel_loop3A_728 : i32 to index
      %parallel_loop3A_777 = arith.constant 176 : index
      %parallel_loop3A_778 = tpu.vector_load %arg8[%parallel_loop3A_775, %parallel_loop3A_776, %parallel_loop3A_777] {strides = array<i32>} : memref<4x64x192xf32, #tpu.memory_space<vmem>>, vector<1x1x16xf32>,
      %parallel_loop3A_779 = vector.shape_cast %parallel_loop3A_778 : vector<1x1x16xf32> to vector<16xf32>
      %parallel_loop3A_780 = vector.shape_cast %parallel_loop3A_773 : vector<16xf32> to vector<1x1x16xf32>
      tpu.vector_store %arg8[%parallel_loop3A_775, %parallel_loop3A_776, %parallel_loop3A_777], %parallel_loop3A_780 {strides = array<i32>} : memref<4x64x192xf32, #tpu.memory_space<vmem>>, vector<1x1x16xf32>,
    } {sc.loop_unroll_factor = 4 : i64, sc.parallel_access}
    %add3A_421 = arith.constant 192 : i32
    %add3A_422 = arith.addi %mul3A_2, %add3A_421 : i32
    %dma_start3A_423 = arith.constant 3 : i32
    %dma_start3A_424 = arith.constant 0 : i32
    %dma_start3A_425 = arith.constant 0 : i32
    %dma_start3A_426 = tpu.memref_slice %arg8[%dma_start3A_423, %dma_start3A_424, %dma_start3A_425] : memref<4x64x192xf32, #tpu.memory_space<vmem>> -> memref<1x64x192xf32, #tpu.memory_space<vmem>>
    %dma_start3A_427 = tpu.memref_squeeze %dma_start3A_426 : memref<1x64x192xf32, #tpu.memory_space<vmem>> -> memref<64x192xf32, #tpu.memory_space<vmem>>
    %dma_start3A_428 = arith.constant 0 : i32
    %dma_start3A_429 = tpu.memref_slice %arg5[%add3A_422, %dma_start3A_428] : memref<16384x192xf32, #tpu.memory_space<hbm>> -> memref<64x192xf32, #tpu.memory_space<hbm>>
    %dma_start3A_430 = arith.constant 0 : i32
    %dma_start3A_431 = tpu.memref_slice %arg5[%add3A_422, %dma_start3A_430] : memref<16384x192xf32, #tpu.memory_space<hbm>> -> memref<64x192xf32, #tpu.memory_space<hbm>>
    %dma_start3A_432 = arith.constant 0 : i32
    %dma_start3A_433 = arith.constant 0 : i32
    %dma_start3A_434 = tpu.memref_slice %arg8[%dma_start3A_423, %dma_start3A_432, %dma_start3A_433] : memref<4x64x192xf32, #tpu.memory_space<vmem>> -> memref<1x64x192xf32, #tpu.memory_space<vmem>>
    %dma_start3A_435 = tpu.memref_squeeze %dma_start3A_434 : memref<1x64x192xf32, #tpu.memory_space<vmem>> -> memref<64x192xf32, #tpu.memory_space<vmem>>
    tpu.enqueue_dma source(%dma_start3A_435 : memref<64x192xf32, #tpu.memory_space<vmem>>) target(%dma_start3A_431 : memref<64x192xf32, #tpu.memory_space<hbm>>) target_semaphore(%arg13 : memref<!tpu.dma_semaphore, #tpu.memory_space<semaphore_mem>>)
    %dma_wait3A_436 = arith.constant 2 : i32
    %dma_wait3A_437 = arith.constant 0 : i32
    %dma_wait3A_438 = arith.constant 0 : i32
    %dma_wait3A_439 = tpu.memref_slice %arg8[%dma_wait3A_436, %dma_wait3A_437, %dma_wait3A_438] : memref<4x64x192xf32, #tpu.memory_space<vmem>> -> memref<1x64x192xf32, #tpu.memory_space<vmem>>
    %dma_wait3A_440 = tpu.memref_squeeze %dma_wait3A_439 : memref<1x64x192xf32, #tpu.memory_space<vmem>> -> memref<64x192xf32, #tpu.memory_space<vmem>>
    %dma_wait3A_441 = arith.constant 0 : i32
    %dma_wait3A_442 = tpu.memref_slice %arg5[%add3A_343, %dma_wait3A_441] : memref<16384x192xf32, #tpu.memory_space<hbm>> -> memref<64x192xf32, #tpu.memory_space<hbm>>
    %dma_wait3A_443 = arith.constant 0 : i32
    %dma_wait3A_444 = tpu.memref_slice %arg5[%add3A_343, %dma_wait3A_443] : memref<16384x192xf32, #tpu.memory_space<hbm>> -> memref<64x192xf32, #tpu.memory_space<hbm>>
    %dma_wait3A_445 = arith.constant 0 : i32
    %dma_wait3A_446 = arith.constant 0 : i32
    %dma_wait3A_447 = tpu.memref_slice %arg8[%dma_wait3A_436, %dma_wait3A_445, %dma_wait3A_446] : memref<4x64x192xf32, #tpu.memory_space<vmem>> -> memref<1x64x192xf32, #tpu.memory_space<vmem>>
    %dma_wait3A_448 = tpu.memref_squeeze %dma_wait3A_447 : memref<1x64x192xf32, #tpu.memory_space<vmem>> -> memref<64x192xf32, #tpu.memory_space<vmem>>
    tpu.wait_dma2 semaphore(%arg13 : memref<!tpu.dma_semaphore, #tpu.memory_space<semaphore_mem>>) src(%dma_wait3A_448 : memref<64x192xf32, #tpu.memory_space<vmem>>) dst(%dma_wait3A_444 : memref<64x192xf32, #tpu.memory_space<hbm>>)
    %add3A_449 = arith.constant 384 : i32
    %add3A_450 = arith.addi %mul3A_2, %add3A_449 : i32
    %dma_start3A_451 = arith.constant 2 : i32
    %dma_start3A_452 = arith.constant 0 : i32
    %dma_start3A_453 = arith.constant 0 : i32
    %dma_start3A_454 = tpu.memref_slice %arg8[%dma_start3A_451, %dma_start3A_452, %dma_start3A_453] : memref<4x64x192xf32, #tpu.memory_space<vmem>> -> memref<1x64x128xf32, #tpu.memory_space<vmem>>
    %dma_start3A_455 = tpu.memref_squeeze %dma_start3A_454 : memref<1x64x128xf32, #tpu.memory_space<vmem>> -> memref<64x128xf32, #tpu.memory_space<vmem>>
    %dma_start3A_456 = arith.constant 0 : i32
    %dma_start3A_457 = tpu.memref_slice %arg2[%add3A_450, %dma_start3A_456] : memref<16384x129xf32, #tpu.memory_space<hbm>> -> memref<64x128xf32, #tpu.memory_space<hbm>>
    %dma_start3A_458 = arith.constant 0 : i32
    %dma_start3A_459 = arith.constant 0 : i32
    %dma_start3A_460 = tpu.memref_slice %arg8[%dma_start3A_451, %dma_start3A_458, %dma_start3A_459] : memref<4x64x192xf32, #tpu.memory_space<vmem>> -> memref<1x64x128xf32, #tpu.memory_space<vmem>>
    %dma_start3A_461 = tpu.memref_squeeze %dma_start3A_460 : memref<1x64x128xf32, #tpu.memory_space<vmem>> -> memref<64x128xf32, #tpu.memory_space<vmem>>
    %dma_start3A_462 = arith.constant 0 : i32
    %dma_start3A_463 = tpu.memref_slice %arg2[%add3A_450, %dma_start3A_462] : memref<16384x129xf32, #tpu.memory_space<hbm>> -> memref<64x128xf32, #tpu.memory_space<hbm>>
    tpu.enqueue_dma source(%dma_start3A_463 : memref<64x128xf32, #tpu.memory_space<hbm>>) target(%dma_start3A_461 : memref<64x128xf32, #tpu.memory_space<vmem>>) target_semaphore(%arg11 : memref<!tpu.dma_semaphore, #tpu.memory_space<semaphore_mem>>)
    %dma_start3A_464 = arith.constant 2 : i32
    %dma_start3A_465 = arith.constant 0 : i32
    %dma_start3A_466 = arith.constant 0 : i32
    %dma_start3A_467 = tpu.memref_slice %arg7[%dma_start3A_464, %dma_start3A_465, %dma_start3A_466] : memref<4x64x128xf32, #tpu.memory_space<vmem>> -> memref<1x64x128xf32, #tpu.memory_space<vmem>>
    %dma_start3A_468 = tpu.memref_squeeze %dma_start3A_467 : memref<1x64x128xf32, #tpu.memory_space<vmem>> -> memref<64x128xf32, #tpu.memory_space<vmem>>
    %dma_start3A_469 = arith.constant 384 : i32
    %dma_start3A_470 = tpu.memref_slice %arg6[%dma_start3A_469] : memref<512xi32, #tpu.memory_space<vmem>> -> memref<64xi32, #tpu.memory_space<vmem>>
    %dma_start3A_471 = arith.constant 0 : i32
    %dma_start3A_472 = arith.constant 0 : i32
    %dma_start3A_473 = tpu.memref_slice %arg10[%dma_start3A_471, %dma_start3A_472] : memref<1024x128xf32, #tpu.memory_space<vmem_shared>> -> memref<1024x128xf32, #tpu.memory_space<vmem_shared>>
    tpu.enqueue_indirect_dma source(%dma_start3A_473 : memref<1024x128xf32, #tpu.memory_space<vmem_shared>>) target(%dma_start3A_468 : memref<64x128xf32, #tpu.memory_space<vmem>>) offsets(%dma_start3A_470 : memref<64xi32, #tpu.memory_space<vmem>>) semaphore(%arg12 : memref<!tpu.dma_semaphore, #tpu.memory_space<semaphore_mem>>)
    %dma_wait3A_474 = arith.constant 0 : i32
    %dma_wait3A_475 = arith.constant 0 : i32
    %dma_wait3A_476 = arith.constant 0 : i32
    %dma_wait3A_477 = tpu.memref_slice %arg7[%dma_wait3A_474, %dma_wait3A_475, %dma_wait3A_476] : memref<4x64x128xf32, #tpu.memory_space<vmem>> -> memref<1x64x128xf32, #tpu.memory_space<vmem>>
    %dma_wait3A_478 = tpu.memref_squeeze %dma_wait3A_477 : memref<1x64x128xf32, #tpu.memory_space<vmem>> -> memref<64x128xf32, #tpu.memory_space<vmem>>
    %dma_wait3A_479 = arith.constant 256 : i32
    %dma_wait3A_480 = tpu.memref_slice %arg6[%dma_wait3A_479] : memref<512xi32, #tpu.memory_space<vmem>> -> memref<64xi32, #tpu.memory_space<vmem>>
    %dma_wait3A_481 = arith.constant 0 : i32
    %dma_wait3A_482 = arith.constant 0 : i32
    %dma_wait3A_483 = tpu.memref_slice %arg10[%dma_wait3A_481, %dma_wait3A_482] : memref<1024x128xf32, #tpu.memory_space<vmem_shared>> -> memref<1024x128xf32, #tpu.memory_space<vmem_shared>>
    tpu.wait_indirect_dma semaphore(%arg12 : memref<!tpu.dma_semaphore, #tpu.memory_space<semaphore_mem>>) src(%dma_wait3A_483 : memref<1024x128xf32, #tpu.memory_space<vmem_shared>>) dst(%dma_wait3A_478 : memref<64x128xf32, #tpu.memory_space<vmem>>)
    %dma_wait3A_484 = arith.constant 0 : i32
    %dma_wait3A_485 = arith.constant 0 : i32
    %dma_wait3A_486 = arith.constant 0 : i32
    %dma_wait3A_487 = tpu.memref_slice %arg8[%dma_wait3A_484, %dma_wait3A_485, %dma_wait3A_486] : memref<4x64x192xf32, #tpu.memory_space<vmem>> -> memref<1x64x128xf32, #tpu.memory_space<vmem>>
    %dma_wait3A_488 = tpu.memref_squeeze %dma_wait3A_487 : memref<1x64x128xf32, #tpu.memory_space<vmem>> -> memref<64x128xf32, #tpu.memory_space<vmem>>
    %dma_wait3A_489 = arith.constant 0 : i32
    %dma_wait3A_490 = tpu.memref_slice %arg2[%add3A_292, %dma_wait3A_489] : memref<16384x129xf32, #tpu.memory_space<hbm>> -> memref<64x128xf32, #tpu.memory_space<hbm>>
    %dma_wait3A_491 = arith.constant 0 : i32
    %dma_wait3A_492 = arith.constant 0 : i32
    %dma_wait3A_493 = tpu.memref_slice %arg8[%dma_wait3A_484, %dma_wait3A_491, %dma_wait3A_492] : memref<4x64x192xf32, #tpu.memory_space<vmem>> -> memref<1x64x128xf32, #tpu.memory_space<vmem>>
    %dma_wait3A_494 = tpu.memref_squeeze %dma_wait3A_493 : memref<1x64x128xf32, #tpu.memory_space<vmem>> -> memref<64x128xf32, #tpu.memory_space<vmem>>
    %dma_wait3A_495 = arith.constant 0 : i32
    %dma_wait3A_496 = tpu.memref_slice %arg2[%add3A_292, %dma_wait3A_495] : memref<16384x129xf32, #tpu.memory_space<hbm>> -> memref<64x128xf32, #tpu.memory_space<hbm>>
    tpu.wait_dma2 semaphore(%arg11 : memref<!tpu.dma_semaphore, #tpu.memory_space<semaphore_mem>>) src(%dma_wait3A_496 : memref<64x128xf32, #tpu.memory_space<hbm>>) dst(%dma_wait3A_494 : memref<64x128xf32, #tpu.memory_space<vmem>>)
    %parallel_loop3A_497 = arith.constant 0 : i32
    %parallel_loop3A_498 = arith.constant 64 : i32
    %parallel_loop3A_499 = arith.constant 1 : i32
    scf.for %parallel_loop3A_728 = %parallel_loop3A_497 to %parallel_loop3A_498 step %parallel_loop3A_499  : i32 {
      %parallel_loop3A_729 = arith.constant 0 : i32
      %parallel_loop3A_730 = arith.index_cast %parallel_loop3A_729 : i32 to index
      %parallel_loop3A_731 = arith.index_cast %parallel_loop3A_728 : i32 to index
      %parallel_loop3A_732 = arith.constant 0 : index
      %parallel_loop3A_733 = tpu.vector_load %arg7[%parallel_loop3A_730, %parallel_loop3A_731, %parallel_loop3A_732] {strides = array<i32>} : memref<4x64x128xf32, #tpu.memory_space<vmem>>, vector<1x1x16xf32>,
      %parallel_loop3A_734 = vector.shape_cast %parallel_loop3A_733 : vector<1x1x16xf32> to vector<16xf32>
      %parallel_loop3A_735 = arith.constant 0 : i32
      %parallel_loop3A_736 = arith.index_cast %parallel_loop3A_735 : i32 to index
      %parallel_loop3A_737 = arith.index_cast %parallel_loop3A_728 : i32 to index
      %parallel_loop3A_738 = arith.constant 128 : index
      %parallel_loop3A_739 = tpu.vector_load %arg8[%parallel_loop3A_736, %parallel_loop3A_737, %parallel_loop3A_738] {strides = array<i32>} : memref<4x64x192xf32, #tpu.memory_space<vmem>>, vector<1x1x16xf32>,
      %parallel_loop3A_740 = vector.shape_cast %parallel_loop3A_739 : vector<1x1x16xf32> to vector<16xf32>
      %parallel_loop3A_741 = vector.shape_cast %parallel_loop3A_734 : vector<16xf32> to vector<1x1x16xf32>
      tpu.vector_store %arg8[%parallel_loop3A_736, %parallel_loop3A_737, %parallel_loop3A_738], %parallel_loop3A_741 {strides = array<i32>} : memref<4x64x192xf32, #tpu.memory_space<vmem>>, vector<1x1x16xf32>,
      %parallel_loop3A_742 = arith.constant 0 : i32
      %parallel_loop3A_743 = arith.index_cast %parallel_loop3A_742 : i32 to index
      %parallel_loop3A_744 = arith.index_cast %parallel_loop3A_728 : i32 to index
      %parallel_loop3A_745 = arith.constant 16 : index
      %parallel_loop3A_746 = tpu.vector_load %arg7[%parallel_loop3A_743, %parallel_loop3A_744, %parallel_loop3A_745] {strides = array<i32>} : memref<4x64x128xf32, #tpu.memory_space<vmem>>, vector<1x1x16xf32>,
      %parallel_loop3A_747 = vector.shape_cast %parallel_loop3A_746 : vector<1x1x16xf32> to vector<16xf32>
      %parallel_loop3A_748 = arith.constant 0 : i32
      %parallel_loop3A_749 = arith.index_cast %parallel_loop3A_748 : i32 to index
      %parallel_loop3A_750 = arith.index_cast %parallel_loop3A_728 : i32 to index
      %parallel_loop3A_751 = arith.constant 144 : index
      %parallel_loop3A_752 = tpu.vector_load %arg8[%parallel_loop3A_749, %parallel_loop3A_750, %parallel_loop3A_751] {strides = array<i32>} : memref<4x64x192xf32, #tpu.memory_space<vmem>>, vector<1x1x16xf32>,
      %parallel_loop3A_753 = vector.shape_cast %parallel_loop3A_752 : vector<1x1x16xf32> to vector<16xf32>
      %parallel_loop3A_754 = vector.shape_cast %parallel_loop3A_747 : vector<16xf32> to vector<1x1x16xf32>
      tpu.vector_store %arg8[%parallel_loop3A_749, %parallel_loop3A_750, %parallel_loop3A_751], %parallel_loop3A_754 {strides = array<i32>} : memref<4x64x192xf32, #tpu.memory_space<vmem>>, vector<1x1x16xf32>,
      %parallel_loop3A_755 = arith.constant 0 : i32
      %parallel_loop3A_756 = arith.index_cast %parallel_loop3A_755 : i32 to index
      %parallel_loop3A_757 = arith.index_cast %parallel_loop3A_728 : i32 to index
      %parallel_loop3A_758 = arith.constant 32 : index
      %parallel_loop3A_759 = tpu.vector_load %arg7[%parallel_loop3A_756, %parallel_loop3A_757, %parallel_loop3A_758] {strides = array<i32>} : memref<4x64x128xf32, #tpu.memory_space<vmem>>, vector<1x1x16xf32>,
      %parallel_loop3A_760 = vector.shape_cast %parallel_loop3A_759 : vector<1x1x16xf32> to vector<16xf32>
      %parallel_loop3A_761 = arith.constant 0 : i32
      %parallel_loop3A_762 = arith.index_cast %parallel_loop3A_761 : i32 to index
      %parallel_loop3A_763 = arith.index_cast %parallel_loop3A_728 : i32 to index
      %parallel_loop3A_764 = arith.constant 160 : index
      %parallel_loop3A_765 = tpu.vector_load %arg8[%parallel_loop3A_762, %parallel_loop3A_763, %parallel_loop3A_764] {strides = array<i32>} : memref<4x64x192xf32, #tpu.memory_space<vmem>>, vector<1x1x16xf32>,
      %parallel_loop3A_766 = vector.shape_cast %parallel_loop3A_765 : vector<1x1x16xf32> to vector<16xf32>
      %parallel_loop3A_767 = vector.shape_cast %parallel_loop3A_760 : vector<16xf32> to vector<1x1x16xf32>
      tpu.vector_store %arg8[%parallel_loop3A_762, %parallel_loop3A_763, %parallel_loop3A_764], %parallel_loop3A_767 {strides = array<i32>} : memref<4x64x192xf32, #tpu.memory_space<vmem>>, vector<1x1x16xf32>,
      %parallel_loop3A_768 = arith.constant 0 : i32
      %parallel_loop3A_769 = arith.index_cast %parallel_loop3A_768 : i32 to index
      %parallel_loop3A_770 = arith.index_cast %parallel_loop3A_728 : i32 to index
      %parallel_loop3A_771 = arith.constant 48 : index
      %parallel_loop3A_772 = tpu.vector_load %arg7[%parallel_loop3A_769, %parallel_loop3A_770, %parallel_loop3A_771] {strides = array<i32>} : memref<4x64x128xf32, #tpu.memory_space<vmem>>, vector<1x1x16xf32>,
      %parallel_loop3A_773 = vector.shape_cast %parallel_loop3A_772 : vector<1x1x16xf32> to vector<16xf32>
      %parallel_loop3A_774 = arith.constant 0 : i32
      %parallel_loop3A_775 = arith.index_cast %parallel_loop3A_774 : i32 to index
      %parallel_loop3A_776 = arith.index_cast %parallel_loop3A_728 : i32 to index
      %parallel_loop3A_777 = arith.constant 176 : index
      %parallel_loop3A_778 = tpu.vector_load %arg8[%parallel_loop3A_775, %parallel_loop3A_776, %parallel_loop3A_777] {strides = array<i32>} : memref<4x64x192xf32, #tpu.memory_space<vmem>>, vector<1x1x16xf32>,
      %parallel_loop3A_779 = vector.shape_cast %parallel_loop3A_778 : vector<1x1x16xf32> to vector<16xf32>
      %parallel_loop3A_780 = vector.shape_cast %parallel_loop3A_773 : vector<16xf32> to vector<1x1x16xf32>
      tpu.vector_store %arg8[%parallel_loop3A_775, %parallel_loop3A_776, %parallel_loop3A_777], %parallel_loop3A_780 {strides = array<i32>} : memref<4x64x192xf32, #tpu.memory_space<vmem>>, vector<1x1x16xf32>,
    } {sc.loop_unroll_factor = 4 : i64, sc.parallel_access}
    %add3A_500 = arith.constant 256 : i32
    %add3A_501 = arith.addi %mul3A_2, %add3A_500 : i32
    %dma_start3A_502 = arith.constant 0 : i32
    %dma_start3A_503 = arith.constant 0 : i32
    %dma_start3A_504 = arith.constant 0 : i32
    %dma_start3A_505 = tpu.memref_slice %arg8[%dma_start3A_502, %dma_start3A_503, %dma_start3A_504] : memref<4x64x192xf32, #tpu.memory_space<vmem>> -> memref<1x64x192xf32, #tpu.memory_space<vmem>>
    %dma_start3A_506 = tpu.memref_squeeze %dma_start3A_505 : memref<1x64x192xf32, #tpu.memory_space<vmem>> -> memref<64x192xf32, #tpu.memory_space<vmem>>
    %dma_start3A_507 = arith.constant 0 : i32
    %dma_start3A_508 = tpu.memref_slice %arg5[%add3A_501, %dma_start3A_507] : memref<16384x192xf32, #tpu.memory_space<hbm>> -> memref<64x192xf32, #tpu.memory_space<hbm>>
    %dma_start3A_509 = arith.constant 0 : i32
    %dma_start3A_510 = tpu.memref_slice %arg5[%add3A_501, %dma_start3A_509] : memref<16384x192xf32, #tpu.memory_space<hbm>> -> memref<64x192xf32, #tpu.memory_space<hbm>>
    %dma_start3A_511 = arith.constant 0 : i32
    %dma_start3A_512 = arith.constant 0 : i32
    %dma_start3A_513 = tpu.memref_slice %arg8[%dma_start3A_502, %dma_start3A_511, %dma_start3A_512] : memref<4x64x192xf32, #tpu.memory_space<vmem>> -> memref<1x64x192xf32, #tpu.memory_space<vmem>>
    %dma_start3A_514 = tpu.memref_squeeze %dma_start3A_513 : memref<1x64x192xf32, #tpu.memory_space<vmem>> -> memref<64x192xf32, #tpu.memory_space<vmem>>
    tpu.enqueue_dma source(%dma_start3A_514 : memref<64x192xf32, #tpu.memory_space<vmem>>) target(%dma_start3A_510 : memref<64x192xf32, #tpu.memory_space<hbm>>) target_semaphore(%arg13 : memref<!tpu.dma_semaphore, #tpu.memory_space<semaphore_mem>>)
    %dma_wait3A_515 = arith.constant 3 : i32
    %dma_wait3A_516 = arith.constant 0 : i32
    %dma_wait3A_517 = arith.constant 0 : i32
    %dma_wait3A_518 = tpu.memref_slice %arg8[%dma_wait3A_515, %dma_wait3A_516, %dma_wait3A_517] : memref<4x64x192xf32, #tpu.memory_space<vmem>> -> memref<1x64x192xf32, #tpu.memory_space<vmem>>
    %dma_wait3A_519 = tpu.memref_squeeze %dma_wait3A_518 : memref<1x64x192xf32, #tpu.memory_space<vmem>> -> memref<64x192xf32, #tpu.memory_space<vmem>>
    %dma_wait3A_520 = arith.constant 0 : i32
    %dma_wait3A_521 = tpu.memref_slice %arg5[%add3A_422, %dma_wait3A_520] : memref<16384x192xf32, #tpu.memory_space<hbm>> -> memref<64x192xf32, #tpu.memory_space<hbm>>
    %dma_wait3A_522 = arith.constant 0 : i32
    %dma_wait3A_523 = tpu.memref_slice %arg5[%add3A_422, %dma_wait3A_522] : memref<16384x192xf32, #tpu.memory_space<hbm>> -> memref<64x192xf32, #tpu.memory_space<hbm>>
    %dma_wait3A_524 = arith.constant 0 : i32
    %dma_wait3A_525 = arith.constant 0 : i32
    %dma_wait3A_526 = tpu.memref_slice %arg8[%dma_wait3A_515, %dma_wait3A_524, %dma_wait3A_525] : memref<4x64x192xf32, #tpu.memory_space<vmem>> -> memref<1x64x192xf32, #tpu.memory_space<vmem>>
    %dma_wait3A_527 = tpu.memref_squeeze %dma_wait3A_526 : memref<1x64x192xf32, #tpu.memory_space<vmem>> -> memref<64x192xf32, #tpu.memory_space<vmem>>
    tpu.wait_dma2 semaphore(%arg13 : memref<!tpu.dma_semaphore, #tpu.memory_space<semaphore_mem>>) src(%dma_wait3A_527 : memref<64x192xf32, #tpu.memory_space<vmem>>) dst(%dma_wait3A_523 : memref<64x192xf32, #tpu.memory_space<hbm>>)
    %add3A_528 = arith.constant 448 : i32
    %add3A_529 = arith.addi %mul3A_2, %add3A_528 : i32
    %dma_start3A_530 = arith.constant 3 : i32
    %dma_start3A_531 = arith.constant 0 : i32
    %dma_start3A_532 = arith.constant 0 : i32
    %dma_start3A_533 = tpu.memref_slice %arg8[%dma_start3A_530, %dma_start3A_531, %dma_start3A_532] : memref<4x64x192xf32, #tpu.memory_space<vmem>> -> memref<1x64x128xf32, #tpu.memory_space<vmem>>
    %dma_start3A_534 = tpu.memref_squeeze %dma_start3A_533 : memref<1x64x128xf32, #tpu.memory_space<vmem>> -> memref<64x128xf32, #tpu.memory_space<vmem>>
    %dma_start3A_535 = arith.constant 0 : i32
    %dma_start3A_536 = tpu.memref_slice %arg2[%add3A_529, %dma_start3A_535] : memref<16384x129xf32, #tpu.memory_space<hbm>> -> memref<64x128xf32, #tpu.memory_space<hbm>>
    %dma_start3A_537 = arith.constant 0 : i32
    %dma_start3A_538 = arith.constant 0 : i32
    %dma_start3A_539 = tpu.memref_slice %arg8[%dma_start3A_530, %dma_start3A_537, %dma_start3A_538] : memref<4x64x192xf32, #tpu.memory_space<vmem>> -> memref<1x64x128xf32, #tpu.memory_space<vmem>>
    %dma_start3A_540 = tpu.memref_squeeze %dma_start3A_539 : memref<1x64x128xf32, #tpu.memory_space<vmem>> -> memref<64x128xf32, #tpu.memory_space<vmem>>
    %dma_start3A_541 = arith.constant 0 : i32
    %dma_start3A_542 = tpu.memref_slice %arg2[%add3A_529, %dma_start3A_541] : memref<16384x129xf32, #tpu.memory_space<hbm>> -> memref<64x128xf32, #tpu.memory_space<hbm>>
    tpu.enqueue_dma source(%dma_start3A_542 : memref<64x128xf32, #tpu.memory_space<hbm>>) target(%dma_start3A_540 : memref<64x128xf32, #tpu.memory_space<vmem>>) target_semaphore(%arg11 : memref<!tpu.dma_semaphore, #tpu.memory_space<semaphore_mem>>)
    %dma_start3A_543 = arith.constant 3 : i32
    %dma_start3A_544 = arith.constant 0 : i32
    %dma_start3A_545 = arith.constant 0 : i32
    %dma_start3A_546 = tpu.memref_slice %arg7[%dma_start3A_543, %dma_start3A_544, %dma_start3A_545] : memref<4x64x128xf32, #tpu.memory_space<vmem>> -> memref<1x64x128xf32, #tpu.memory_space<vmem>>
    %dma_start3A_547 = tpu.memref_squeeze %dma_start3A_546 : memref<1x64x128xf32, #tpu.memory_space<vmem>> -> memref<64x128xf32, #tpu.memory_space<vmem>>
    %dma_start3A_548 = arith.constant 448 : i32
    %dma_start3A_549 = tpu.memref_slice %arg6[%dma_start3A_548] : memref<512xi32, #tpu.memory_space<vmem>> -> memref<64xi32, #tpu.memory_space<vmem>>
    %dma_start3A_550 = arith.constant 0 : i32
    %dma_start3A_551 = arith.constant 0 : i32
    %dma_start3A_552 = tpu.memref_slice %arg10[%dma_start3A_550, %dma_start3A_551] : memref<1024x128xf32, #tpu.memory_space<vmem_shared>> -> memref<1024x128xf32, #tpu.memory_space<vmem_shared>>
    tpu.enqueue_indirect_dma source(%dma_start3A_552 : memref<1024x128xf32, #tpu.memory_space<vmem_shared>>) target(%dma_start3A_547 : memref<64x128xf32, #tpu.memory_space<vmem>>) offsets(%dma_start3A_549 : memref<64xi32, #tpu.memory_space<vmem>>) semaphore(%arg12 : memref<!tpu.dma_semaphore, #tpu.memory_space<semaphore_mem>>)
    %dma_wait3A_553 = arith.constant 1 : i32
    %dma_wait3A_554 = arith.constant 0 : i32
    %dma_wait3A_555 = arith.constant 0 : i32
    %dma_wait3A_556 = tpu.memref_slice %arg7[%dma_wait3A_553, %dma_wait3A_554, %dma_wait3A_555] : memref<4x64x128xf32, #tpu.memory_space<vmem>> -> memref<1x64x128xf32, #tpu.memory_space<vmem>>
    %dma_wait3A_557 = tpu.memref_squeeze %dma_wait3A_556 : memref<1x64x128xf32, #tpu.memory_space<vmem>> -> memref<64x128xf32, #tpu.memory_space<vmem>>
    %dma_wait3A_558 = arith.constant 320 : i32
    %dma_wait3A_559 = tpu.memref_slice %arg6[%dma_wait3A_558] : memref<512xi32, #tpu.memory_space<vmem>> -> memref<64xi32, #tpu.memory_space<vmem>>
    %dma_wait3A_560 = arith.constant 0 : i32
    %dma_wait3A_561 = arith.constant 0 : i32
    %dma_wait3A_562 = tpu.memref_slice %arg10[%dma_wait3A_560, %dma_wait3A_561] : memref<1024x128xf32, #tpu.memory_space<vmem_shared>> -> memref<1024x128xf32, #tpu.memory_space<vmem_shared>>
    tpu.wait_indirect_dma semaphore(%arg12 : memref<!tpu.dma_semaphore, #tpu.memory_space<semaphore_mem>>) src(%dma_wait3A_562 : memref<1024x128xf32, #tpu.memory_space<vmem_shared>>) dst(%dma_wait3A_557 : memref<64x128xf32, #tpu.memory_space<vmem>>)
    %dma_wait3A_563 = arith.constant 1 : i32
    %dma_wait3A_564 = arith.constant 0 : i32
    %dma_wait3A_565 = arith.constant 0 : i32
    %dma_wait3A_566 = tpu.memref_slice %arg8[%dma_wait3A_563, %dma_wait3A_564, %dma_wait3A_565] : memref<4x64x192xf32, #tpu.memory_space<vmem>> -> memref<1x64x128xf32, #tpu.memory_space<vmem>>
    %dma_wait3A_567 = tpu.memref_squeeze %dma_wait3A_566 : memref<1x64x128xf32, #tpu.memory_space<vmem>> -> memref<64x128xf32, #tpu.memory_space<vmem>>
    %dma_wait3A_568 = arith.constant 0 : i32
    %dma_wait3A_569 = tpu.memref_slice %arg2[%add3A_371, %dma_wait3A_568] : memref<16384x129xf32, #tpu.memory_space<hbm>> -> memref<64x128xf32, #tpu.memory_space<hbm>>
    %dma_wait3A_570 = arith.constant 0 : i32
    %dma_wait3A_571 = arith.constant 0 : i32
    %dma_wait3A_572 = tpu.memref_slice %arg8[%dma_wait3A_563, %dma_wait3A_570, %dma_wait3A_571] : memref<4x64x192xf32, #tpu.memory_space<vmem>> -> memref<1x64x128xf32, #tpu.memory_space<vmem>>
    %dma_wait3A_573 = tpu.memref_squeeze %dma_wait3A_572 : memref<1x64x128xf32, #tpu.memory_space<vmem>> -> memref<64x128xf32, #tpu.memory_space<vmem>>
    %dma_wait3A_574 = arith.constant 0 : i32
    %dma_wait3A_575 = tpu.memref_slice %arg2[%add3A_371, %dma_wait3A_574] : memref<16384x129xf32, #tpu.memory_space<hbm>> -> memref<64x128xf32, #tpu.memory_space<hbm>>
    tpu.wait_dma2 semaphore(%arg11 : memref<!tpu.dma_semaphore, #tpu.memory_space<semaphore_mem>>) src(%dma_wait3A_575 : memref<64x128xf32, #tpu.memory_space<hbm>>) dst(%dma_wait3A_573 : memref<64x128xf32, #tpu.memory_space<vmem>>)
    %parallel_loop3A_576 = arith.constant 0 : i32
    %parallel_loop3A_577 = arith.constant 64 : i32
    %parallel_loop3A_578 = arith.constant 1 : i32
    scf.for %parallel_loop3A_728 = %parallel_loop3A_576 to %parallel_loop3A_577 step %parallel_loop3A_578  : i32 {
      %parallel_loop3A_729 = arith.constant 1 : i32
      %parallel_loop3A_730 = arith.index_cast %parallel_loop3A_729 : i32 to index
      %parallel_loop3A_731 = arith.index_cast %parallel_loop3A_728 : i32 to index
      %parallel_loop3A_732 = arith.constant 0 : index
      %parallel_loop3A_733 = tpu.vector_load %arg7[%parallel_loop3A_730, %parallel_loop3A_731, %parallel_loop3A_732] {strides = array<i32>} : memref<4x64x128xf32, #tpu.memory_space<vmem>>, vector<1x1x16xf32>,
      %parallel_loop3A_734 = vector.shape_cast %parallel_loop3A_733 : vector<1x1x16xf32> to vector<16xf32>
      %parallel_loop3A_735 = arith.constant 1 : i32
      %parallel_loop3A_736 = arith.index_cast %parallel_loop3A_735 : i32 to index
      %parallel_loop3A_737 = arith.index_cast %parallel_loop3A_728 : i32 to index
      %parallel_loop3A_738 = arith.constant 128 : index
      %parallel_loop3A_739 = tpu.vector_load %arg8[%parallel_loop3A_736, %parallel_loop3A_737, %parallel_loop3A_738] {strides = array<i32>} : memref<4x64x192xf32, #tpu.memory_space<vmem>>, vector<1x1x16xf32>,
      %parallel_loop3A_740 = vector.shape_cast %parallel_loop3A_739 : vector<1x1x16xf32> to vector<16xf32>
      %parallel_loop3A_741 = vector.shape_cast %parallel_loop3A_734 : vector<16xf32> to vector<1x1x16xf32>
      tpu.vector_store %arg8[%parallel_loop3A_736, %parallel_loop3A_737, %parallel_loop3A_738], %parallel_loop3A_741 {strides = array<i32>} : memref<4x64x192xf32, #tpu.memory_space<vmem>>, vector<1x1x16xf32>,
      %parallel_loop3A_742 = arith.constant 1 : i32
      %parallel_loop3A_743 = arith.index_cast %parallel_loop3A_742 : i32 to index
      %parallel_loop3A_744 = arith.index_cast %parallel_loop3A_728 : i32 to index
      %parallel_loop3A_745 = arith.constant 16 : index
      %parallel_loop3A_746 = tpu.vector_load %arg7[%parallel_loop3A_743, %parallel_loop3A_744, %parallel_loop3A_745] {strides = array<i32>} : memref<4x64x128xf32, #tpu.memory_space<vmem>>, vector<1x1x16xf32>,
      %parallel_loop3A_747 = vector.shape_cast %parallel_loop3A_746 : vector<1x1x16xf32> to vector<16xf32>
      %parallel_loop3A_748 = arith.constant 1 : i32
      %parallel_loop3A_749 = arith.index_cast %parallel_loop3A_748 : i32 to index
      %parallel_loop3A_750 = arith.index_cast %parallel_loop3A_728 : i32 to index
      %parallel_loop3A_751 = arith.constant 144 : index
      %parallel_loop3A_752 = tpu.vector_load %arg8[%parallel_loop3A_749, %parallel_loop3A_750, %parallel_loop3A_751] {strides = array<i32>} : memref<4x64x192xf32, #tpu.memory_space<vmem>>, vector<1x1x16xf32>,
      %parallel_loop3A_753 = vector.shape_cast %parallel_loop3A_752 : vector<1x1x16xf32> to vector<16xf32>
      %parallel_loop3A_754 = vector.shape_cast %parallel_loop3A_747 : vector<16xf32> to vector<1x1x16xf32>
      tpu.vector_store %arg8[%parallel_loop3A_749, %parallel_loop3A_750, %parallel_loop3A_751], %parallel_loop3A_754 {strides = array<i32>} : memref<4x64x192xf32, #tpu.memory_space<vmem>>, vector<1x1x16xf32>,
      %parallel_loop3A_755 = arith.constant 1 : i32
      %parallel_loop3A_756 = arith.index_cast %parallel_loop3A_755 : i32 to index
      %parallel_loop3A_757 = arith.index_cast %parallel_loop3A_728 : i32 to index
      %parallel_loop3A_758 = arith.constant 32 : index
      %parallel_loop3A_759 = tpu.vector_load %arg7[%parallel_loop3A_756, %parallel_loop3A_757, %parallel_loop3A_758] {strides = array<i32>} : memref<4x64x128xf32, #tpu.memory_space<vmem>>, vector<1x1x16xf32>,
      %parallel_loop3A_760 = vector.shape_cast %parallel_loop3A_759 : vector<1x1x16xf32> to vector<16xf32>
      %parallel_loop3A_761 = arith.constant 1 : i32
      %parallel_loop3A_762 = arith.index_cast %parallel_loop3A_761 : i32 to index
      %parallel_loop3A_763 = arith.index_cast %parallel_loop3A_728 : i32 to index
      %parallel_loop3A_764 = arith.constant 160 : index
      %parallel_loop3A_765 = tpu.vector_load %arg8[%parallel_loop3A_762, %parallel_loop3A_763, %parallel_loop3A_764] {strides = array<i32>} : memref<4x64x192xf32, #tpu.memory_space<vmem>>, vector<1x1x16xf32>,
      %parallel_loop3A_766 = vector.shape_cast %parallel_loop3A_765 : vector<1x1x16xf32> to vector<16xf32>
      %parallel_loop3A_767 = vector.shape_cast %parallel_loop3A_760 : vector<16xf32> to vector<1x1x16xf32>
      tpu.vector_store %arg8[%parallel_loop3A_762, %parallel_loop3A_763, %parallel_loop3A_764], %parallel_loop3A_767 {strides = array<i32>} : memref<4x64x192xf32, #tpu.memory_space<vmem>>, vector<1x1x16xf32>,
      %parallel_loop3A_768 = arith.constant 1 : i32
      %parallel_loop3A_769 = arith.index_cast %parallel_loop3A_768 : i32 to index
      %parallel_loop3A_770 = arith.index_cast %parallel_loop3A_728 : i32 to index
      %parallel_loop3A_771 = arith.constant 48 : index
      %parallel_loop3A_772 = tpu.vector_load %arg7[%parallel_loop3A_769, %parallel_loop3A_770, %parallel_loop3A_771] {strides = array<i32>} : memref<4x64x128xf32, #tpu.memory_space<vmem>>, vector<1x1x16xf32>,
      %parallel_loop3A_773 = vector.shape_cast %parallel_loop3A_772 : vector<1x1x16xf32> to vector<16xf32>
      %parallel_loop3A_774 = arith.constant 1 : i32
      %parallel_loop3A_775 = arith.index_cast %parallel_loop3A_774 : i32 to index
      %parallel_loop3A_776 = arith.index_cast %parallel_loop3A_728 : i32 to index
      %parallel_loop3A_777 = arith.constant 176 : index
      %parallel_loop3A_778 = tpu.vector_load %arg8[%parallel_loop3A_775, %parallel_loop3A_776, %parallel_loop3A_777] {strides = array<i32>} : memref<4x64x192xf32, #tpu.memory_space<vmem>>, vector<1x1x16xf32>,
      %parallel_loop3A_779 = vector.shape_cast %parallel_loop3A_778 : vector<1x1x16xf32> to vector<16xf32>
      %parallel_loop3A_780 = vector.shape_cast %parallel_loop3A_773 : vector<16xf32> to vector<1x1x16xf32>
      tpu.vector_store %arg8[%parallel_loop3A_775, %parallel_loop3A_776, %parallel_loop3A_777], %parallel_loop3A_780 {strides = array<i32>} : memref<4x64x192xf32, #tpu.memory_space<vmem>>, vector<1x1x16xf32>,
    } {sc.loop_unroll_factor = 4 : i64, sc.parallel_access}
    %add3A_579 = arith.constant 320 : i32
    %add3A_580 = arith.addi %mul3A_2, %add3A_579 : i32
    %dma_start3A_581 = arith.constant 1 : i32
    %dma_start3A_582 = arith.constant 0 : i32
    %dma_start3A_583 = arith.constant 0 : i32
    %dma_start3A_584 = tpu.memref_slice %arg8[%dma_start3A_581, %dma_start3A_582, %dma_start3A_583] : memref<4x64x192xf32, #tpu.memory_space<vmem>> -> memref<1x64x192xf32, #tpu.memory_space<vmem>>
    %dma_start3A_585 = tpu.memref_squeeze %dma_start3A_584 : memref<1x64x192xf32, #tpu.memory_space<vmem>> -> memref<64x192xf32, #tpu.memory_space<vmem>>
    %dma_start3A_586 = arith.constant 0 : i32
    %dma_start3A_587 = tpu.memref_slice %arg5[%add3A_580, %dma_start3A_586] : memref<16384x192xf32, #tpu.memory_space<hbm>> -> memref<64x192xf32, #tpu.memory_space<hbm>>
    %dma_start3A_588 = arith.constant 0 : i32
    %dma_start3A_589 = tpu.memref_slice %arg5[%add3A_580, %dma_start3A_588] : memref<16384x192xf32, #tpu.memory_space<hbm>> -> memref<64x192xf32, #tpu.memory_space<hbm>>
    %dma_start3A_590 = arith.constant 0 : i32
    %dma_start3A_591 = arith.constant 0 : i32
    %dma_start3A_592 = tpu.memref_slice %arg8[%dma_start3A_581, %dma_start3A_590, %dma_start3A_591] : memref<4x64x192xf32, #tpu.memory_space<vmem>> -> memref<1x64x192xf32, #tpu.memory_space<vmem>>
    %dma_start3A_593 = tpu.memref_squeeze %dma_start3A_592 : memref<1x64x192xf32, #tpu.memory_space<vmem>> -> memref<64x192xf32, #tpu.memory_space<vmem>>
    tpu.enqueue_dma source(%dma_start3A_593 : memref<64x192xf32, #tpu.memory_space<vmem>>) target(%dma_start3A_589 : memref<64x192xf32, #tpu.memory_space<hbm>>) target_semaphore(%arg13 : memref<!tpu.dma_semaphore, #tpu.memory_space<semaphore_mem>>)
    %dma_wait3A_594 = arith.constant 2 : i32
    %dma_wait3A_595 = arith.constant 0 : i32
    %dma_wait3A_596 = arith.constant 0 : i32
    %dma_wait3A_597 = tpu.memref_slice %arg7[%dma_wait3A_594, %dma_wait3A_595, %dma_wait3A_596] : memref<4x64x128xf32, #tpu.memory_space<vmem>> -> memref<1x64x128xf32, #tpu.memory_space<vmem>>
    %dma_wait3A_598 = tpu.memref_squeeze %dma_wait3A_597 : memref<1x64x128xf32, #tpu.memory_space<vmem>> -> memref<64x128xf32, #tpu.memory_space<vmem>>
    %dma_wait3A_599 = arith.constant 384 : i32
    %dma_wait3A_600 = tpu.memref_slice %arg6[%dma_wait3A_599] : memref<512xi32, #tpu.memory_space<vmem>> -> memref<64xi32, #tpu.memory_space<vmem>>
    %dma_wait3A_601 = arith.constant 0 : i32
    %dma_wait3A_602 = arith.constant 0 : i32
    %dma_wait3A_603 = tpu.memref_slice %arg10[%dma_wait3A_601, %dma_wait3A_602] : memref<1024x128xf32, #tpu.memory_space<vmem_shared>> -> memref<1024x128xf32, #tpu.memory_space<vmem_shared>>
    tpu.wait_indirect_dma semaphore(%arg12 : memref<!tpu.dma_semaphore, #tpu.memory_space<semaphore_mem>>) src(%dma_wait3A_603 : memref<1024x128xf32, #tpu.memory_space<vmem_shared>>) dst(%dma_wait3A_598 : memref<64x128xf32, #tpu.memory_space<vmem>>)
    %dma_wait3A_604 = arith.constant 2 : i32
    %dma_wait3A_605 = arith.constant 0 : i32
    %dma_wait3A_606 = arith.constant 0 : i32
    %dma_wait3A_607 = tpu.memref_slice %arg8[%dma_wait3A_604, %dma_wait3A_605, %dma_wait3A_606] : memref<4x64x192xf32, #tpu.memory_space<vmem>> -> memref<1x64x128xf32, #tpu.memory_space<vmem>>
    %dma_wait3A_608 = tpu.memref_squeeze %dma_wait3A_607 : memref<1x64x128xf32, #tpu.memory_space<vmem>> -> memref<64x128xf32, #tpu.memory_space<vmem>>
    %dma_wait3A_609 = arith.constant 0 : i32
    %dma_wait3A_610 = tpu.memref_slice %arg2[%add3A_450, %dma_wait3A_609] : memref<16384x129xf32, #tpu.memory_space<hbm>> -> memref<64x128xf32, #tpu.memory_space<hbm>>
    %dma_wait3A_611 = arith.constant 0 : i32
    %dma_wait3A_612 = arith.constant 0 : i32
    %dma_wait3A_613 = tpu.memref_slice %arg8[%dma_wait3A_604, %dma_wait3A_611, %dma_wait3A_612] : memref<4x64x192xf32, #tpu.memory_space<vmem>> -> memref<1x64x128xf32, #tpu.memory_space<vmem>>
    %dma_wait3A_614 = tpu.memref_squeeze %dma_wait3A_613 : memref<1x64x128xf32, #tpu.memory_space<vmem>> -> memref<64x128xf32, #tpu.memory_space<vmem>>
    %dma_wait3A_615 = arith.constant 0 : i32
    %dma_wait3A_616 = tpu.memref_slice %arg2[%add3A_450, %dma_wait3A_615] : memref<16384x129xf32, #tpu.memory_space<hbm>> -> memref<64x128xf32, #tpu.memory_space<hbm>>
    tpu.wait_dma2 semaphore(%arg11 : memref<!tpu.dma_semaphore, #tpu.memory_space<semaphore_mem>>) src(%dma_wait3A_616 : memref<64x128xf32, #tpu.memory_space<hbm>>) dst(%dma_wait3A_614 : memref<64x128xf32, #tpu.memory_space<vmem>>)
    %parallel_loop3A_617 = arith.constant 0 : i32
    %parallel_loop3A_618 = arith.constant 64 : i32
    %parallel_loop3A_619 = arith.constant 1 : i32
    scf.for %parallel_loop3A_728 = %parallel_loop3A_617 to %parallel_loop3A_618 step %parallel_loop3A_619  : i32 {
      %parallel_loop3A_729 = arith.constant 2 : i32
      %parallel_loop3A_730 = arith.index_cast %parallel_loop3A_729 : i32 to index
      %parallel_loop3A_731 = arith.index_cast %parallel_loop3A_728 : i32 to index
      %parallel_loop3A_732 = arith.constant 0 : index
      %parallel_loop3A_733 = tpu.vector_load %arg7[%parallel_loop3A_730, %parallel_loop3A_731, %parallel_loop3A_732] {strides = array<i32>} : memref<4x64x128xf32, #tpu.memory_space<vmem>>, vector<1x1x16xf32>,
      %parallel_loop3A_734 = vector.shape_cast %parallel_loop3A_733 : vector<1x1x16xf32> to vector<16xf32>
      %parallel_loop3A_735 = arith.constant 2 : i32
      %parallel_loop3A_736 = arith.index_cast %parallel_loop3A_735 : i32 to index
      %parallel_loop3A_737 = arith.index_cast %parallel_loop3A_728 : i32 to index
      %parallel_loop3A_738 = arith.constant 128 : index
      %parallel_loop3A_739 = tpu.vector_load %arg8[%parallel_loop3A_736, %parallel_loop3A_737, %parallel_loop3A_738] {strides = array<i32>} : memref<4x64x192xf32, #tpu.memory_space<vmem>>, vector<1x1x16xf32>,
      %parallel_loop3A_740 = vector.shape_cast %parallel_loop3A_739 : vector<1x1x16xf32> to vector<16xf32>
      %parallel_loop3A_741 = vector.shape_cast %parallel_loop3A_734 : vector<16xf32> to vector<1x1x16xf32>
      tpu.vector_store %arg8[%parallel_loop3A_736, %parallel_loop3A_737, %parallel_loop3A_738], %parallel_loop3A_741 {strides = array<i32>} : memref<4x64x192xf32, #tpu.memory_space<vmem>>, vector<1x1x16xf32>,
      %parallel_loop3A_742 = arith.constant 2 : i32
      %parallel_loop3A_743 = arith.index_cast %parallel_loop3A_742 : i32 to index
      %parallel_loop3A_744 = arith.index_cast %parallel_loop3A_728 : i32 to index
      %parallel_loop3A_745 = arith.constant 16 : index
      %parallel_loop3A_746 = tpu.vector_load %arg7[%parallel_loop3A_743, %parallel_loop3A_744, %parallel_loop3A_745] {strides = array<i32>} : memref<4x64x128xf32, #tpu.memory_space<vmem>>, vector<1x1x16xf32>,
      %parallel_loop3A_747 = vector.shape_cast %parallel_loop3A_746 : vector<1x1x16xf32> to vector<16xf32>
      %parallel_loop3A_748 = arith.constant 2 : i32
      %parallel_loop3A_749 = arith.index_cast %parallel_loop3A_748 : i32 to index
      %parallel_loop3A_750 = arith.index_cast %parallel_loop3A_728 : i32 to index
      %parallel_loop3A_751 = arith.constant 144 : index
      %parallel_loop3A_752 = tpu.vector_load %arg8[%parallel_loop3A_749, %parallel_loop3A_750, %parallel_loop3A_751] {strides = array<i32>} : memref<4x64x192xf32, #tpu.memory_space<vmem>>, vector<1x1x16xf32>,
      %parallel_loop3A_753 = vector.shape_cast %parallel_loop3A_752 : vector<1x1x16xf32> to vector<16xf32>
      %parallel_loop3A_754 = vector.shape_cast %parallel_loop3A_747 : vector<16xf32> to vector<1x1x16xf32>
      tpu.vector_store %arg8[%parallel_loop3A_749, %parallel_loop3A_750, %parallel_loop3A_751], %parallel_loop3A_754 {strides = array<i32>} : memref<4x64x192xf32, #tpu.memory_space<vmem>>, vector<1x1x16xf32>,
      %parallel_loop3A_755 = arith.constant 2 : i32
      %parallel_loop3A_756 = arith.index_cast %parallel_loop3A_755 : i32 to index
      %parallel_loop3A_757 = arith.index_cast %parallel_loop3A_728 : i32 to index
      %parallel_loop3A_758 = arith.constant 32 : index
      %parallel_loop3A_759 = tpu.vector_load %arg7[%parallel_loop3A_756, %parallel_loop3A_757, %parallel_loop3A_758] {strides = array<i32>} : memref<4x64x128xf32, #tpu.memory_space<vmem>>, vector<1x1x16xf32>,
      %parallel_loop3A_760 = vector.shape_cast %parallel_loop3A_759 : vector<1x1x16xf32> to vector<16xf32>
      %parallel_loop3A_761 = arith.constant 2 : i32
      %parallel_loop3A_762 = arith.index_cast %parallel_loop3A_761 : i32 to index
      %parallel_loop3A_763 = arith.index_cast %parallel_loop3A_728 : i32 to index
      %parallel_loop3A_764 = arith.constant 160 : index
      %parallel_loop3A_765 = tpu.vector_load %arg8[%parallel_loop3A_762, %parallel_loop3A_763, %parallel_loop3A_764] {strides = array<i32>} : memref<4x64x192xf32, #tpu.memory_space<vmem>>, vector<1x1x16xf32>,
      %parallel_loop3A_766 = vector.shape_cast %parallel_loop3A_765 : vector<1x1x16xf32> to vector<16xf32>
      %parallel_loop3A_767 = vector.shape_cast %parallel_loop3A_760 : vector<16xf32> to vector<1x1x16xf32>
      tpu.vector_store %arg8[%parallel_loop3A_762, %parallel_loop3A_763, %parallel_loop3A_764], %parallel_loop3A_767 {strides = array<i32>} : memref<4x64x192xf32, #tpu.memory_space<vmem>>, vector<1x1x16xf32>,
      %parallel_loop3A_768 = arith.constant 2 : i32
      %parallel_loop3A_769 = arith.index_cast %parallel_loop3A_768 : i32 to index
      %parallel_loop3A_770 = arith.index_cast %parallel_loop3A_728 : i32 to index
      %parallel_loop3A_771 = arith.constant 48 : index
      %parallel_loop3A_772 = tpu.vector_load %arg7[%parallel_loop3A_769, %parallel_loop3A_770, %parallel_loop3A_771] {strides = array<i32>} : memref<4x64x128xf32, #tpu.memory_space<vmem>>, vector<1x1x16xf32>,
      %parallel_loop3A_773 = vector.shape_cast %parallel_loop3A_772 : vector<1x1x16xf32> to vector<16xf32>
      %parallel_loop3A_774 = arith.constant 2 : i32
      %parallel_loop3A_775 = arith.index_cast %parallel_loop3A_774 : i32 to index
      %parallel_loop3A_776 = arith.index_cast %parallel_loop3A_728 : i32 to index
      %parallel_loop3A_777 = arith.constant 176 : index
      %parallel_loop3A_778 = tpu.vector_load %arg8[%parallel_loop3A_775, %parallel_loop3A_776, %parallel_loop3A_777] {strides = array<i32>} : memref<4x64x192xf32, #tpu.memory_space<vmem>>, vector<1x1x16xf32>,
      %parallel_loop3A_779 = vector.shape_cast %parallel_loop3A_778 : vector<1x1x16xf32> to vector<16xf32>
      %parallel_loop3A_780 = vector.shape_cast %parallel_loop3A_773 : vector<16xf32> to vector<1x1x16xf32>
      tpu.vector_store %arg8[%parallel_loop3A_775, %parallel_loop3A_776, %parallel_loop3A_777], %parallel_loop3A_780 {strides = array<i32>} : memref<4x64x192xf32, #tpu.memory_space<vmem>>, vector<1x1x16xf32>,
    } {sc.loop_unroll_factor = 4 : i64, sc.parallel_access}
    %add3A_620 = arith.constant 384 : i32
    %add3A_621 = arith.addi %mul3A_2, %add3A_620 : i32
    %dma_start3A_622 = arith.constant 2 : i32
    %dma_start3A_623 = arith.constant 0 : i32
    %dma_start3A_624 = arith.constant 0 : i32
    %dma_start3A_625 = tpu.memref_slice %arg8[%dma_start3A_622, %dma_start3A_623, %dma_start3A_624] : memref<4x64x192xf32, #tpu.memory_space<vmem>> -> memref<1x64x192xf32, #tpu.memory_space<vmem>>
    %dma_start3A_626 = tpu.memref_squeeze %dma_start3A_625 : memref<1x64x192xf32, #tpu.memory_space<vmem>> -> memref<64x192xf32, #tpu.memory_space<vmem>>
    %dma_start3A_627 = arith.constant 0 : i32
    %dma_start3A_628 = tpu.memref_slice %arg5[%add3A_621, %dma_start3A_627] : memref<16384x192xf32, #tpu.memory_space<hbm>> -> memref<64x192xf32, #tpu.memory_space<hbm>>
    %dma_start3A_629 = arith.constant 0 : i32
    %dma_start3A_630 = tpu.memref_slice %arg5[%add3A_621, %dma_start3A_629] : memref<16384x192xf32, #tpu.memory_space<hbm>> -> memref<64x192xf32, #tpu.memory_space<hbm>>
    %dma_start3A_631 = arith.constant 0 : i32
    %dma_start3A_632 = arith.constant 0 : i32
    %dma_start3A_633 = tpu.memref_slice %arg8[%dma_start3A_622, %dma_start3A_631, %dma_start3A_632] : memref<4x64x192xf32, #tpu.memory_space<vmem>> -> memref<1x64x192xf32, #tpu.memory_space<vmem>>
    %dma_start3A_634 = tpu.memref_squeeze %dma_start3A_633 : memref<1x64x192xf32, #tpu.memory_space<vmem>> -> memref<64x192xf32, #tpu.memory_space<vmem>>
    tpu.enqueue_dma source(%dma_start3A_634 : memref<64x192xf32, #tpu.memory_space<vmem>>) target(%dma_start3A_630 : memref<64x192xf32, #tpu.memory_space<hbm>>) target_semaphore(%arg13 : memref<!tpu.dma_semaphore, #tpu.memory_space<semaphore_mem>>)
    %dma_wait3A_635 = arith.constant 3 : i32
    %dma_wait3A_636 = arith.constant 0 : i32
    %dma_wait3A_637 = arith.constant 0 : i32
    %dma_wait3A_638 = tpu.memref_slice %arg7[%dma_wait3A_635, %dma_wait3A_636, %dma_wait3A_637] : memref<4x64x128xf32, #tpu.memory_space<vmem>> -> memref<1x64x128xf32, #tpu.memory_space<vmem>>
    %dma_wait3A_639 = tpu.memref_squeeze %dma_wait3A_638 : memref<1x64x128xf32, #tpu.memory_space<vmem>> -> memref<64x128xf32, #tpu.memory_space<vmem>>
    %dma_wait3A_640 = arith.constant 448 : i32
    %dma_wait3A_641 = tpu.memref_slice %arg6[%dma_wait3A_640] : memref<512xi32, #tpu.memory_space<vmem>> -> memref<64xi32, #tpu.memory_space<vmem>>
    %dma_wait3A_642 = arith.constant 0 : i32
    %dma_wait3A_643 = arith.constant 0 : i32
    %dma_wait3A_644 = tpu.memref_slice %arg10[%dma_wait3A_642, %dma_wait3A_643] : memref<1024x128xf32, #tpu.memory_space<vmem_shared>> -> memref<1024x128xf32, #tpu.memory_space<vmem_shared>>
    tpu.wait_indirect_dma semaphore(%arg12 : memref<!tpu.dma_semaphore, #tpu.memory_space<semaphore_mem>>) src(%dma_wait3A_644 : memref<1024x128xf32, #tpu.memory_space<vmem_shared>>) dst(%dma_wait3A_639 : memref<64x128xf32, #tpu.memory_space<vmem>>)
    %dma_wait3A_645 = arith.constant 3 : i32
    %dma_wait3A_646 = arith.constant 0 : i32
    %dma_wait3A_647 = arith.constant 0 : i32
    %dma_wait3A_648 = tpu.memref_slice %arg8[%dma_wait3A_645, %dma_wait3A_646, %dma_wait3A_647] : memref<4x64x192xf32, #tpu.memory_space<vmem>> -> memref<1x64x128xf32, #tpu.memory_space<vmem>>
    %dma_wait3A_649 = tpu.memref_squeeze %dma_wait3A_648 : memref<1x64x128xf32, #tpu.memory_space<vmem>> -> memref<64x128xf32, #tpu.memory_space<vmem>>
    %dma_wait3A_650 = arith.constant 0 : i32
    %dma_wait3A_651 = tpu.memref_slice %arg2[%add3A_529, %dma_wait3A_650] : memref<16384x129xf32, #tpu.memory_space<hbm>> -> memref<64x128xf32, #tpu.memory_space<hbm>>
    %dma_wait3A_652 = arith.constant 0 : i32
    %dma_wait3A_653 = arith.constant 0 : i32
    %dma_wait3A_654 = tpu.memref_slice %arg8[%dma_wait3A_645, %dma_wait3A_652, %dma_wait3A_653] : memref<4x64x192xf32, #tpu.memory_space<vmem>> -> memref<1x64x128xf32, #tpu.memory_space<vmem>>
    %dma_wait3A_655 = tpu.memref_squeeze %dma_wait3A_654 : memref<1x64x128xf32, #tpu.memory_space<vmem>> -> memref<64x128xf32, #tpu.memory_space<vmem>>
    %dma_wait3A_656 = arith.constant 0 : i32
    %dma_wait3A_657 = tpu.memref_slice %arg2[%add3A_529, %dma_wait3A_656] : memref<16384x129xf32, #tpu.memory_space<hbm>> -> memref<64x128xf32, #tpu.memory_space<hbm>>
    tpu.wait_dma2 semaphore(%arg11 : memref<!tpu.dma_semaphore, #tpu.memory_space<semaphore_mem>>) src(%dma_wait3A_657 : memref<64x128xf32, #tpu.memory_space<hbm>>) dst(%dma_wait3A_655 : memref<64x128xf32, #tpu.memory_space<vmem>>)
    %parallel_loop3A_658 = arith.constant 0 : i32
    %parallel_loop3A_659 = arith.constant 64 : i32
    %parallel_loop3A_660 = arith.constant 1 : i32
    scf.for %parallel_loop3A_728 = %parallel_loop3A_658 to %parallel_loop3A_659 step %parallel_loop3A_660  : i32 {
      %parallel_loop3A_729 = arith.constant 3 : i32
      %parallel_loop3A_730 = arith.index_cast %parallel_loop3A_729 : i32 to index
      %parallel_loop3A_731 = arith.index_cast %parallel_loop3A_728 : i32 to index
      %parallel_loop3A_732 = arith.constant 0 : index
      %parallel_loop3A_733 = tpu.vector_load %arg7[%parallel_loop3A_730, %parallel_loop3A_731, %parallel_loop3A_732] {strides = array<i32>} : memref<4x64x128xf32, #tpu.memory_space<vmem>>, vector<1x1x16xf32>,
      %parallel_loop3A_734 = vector.shape_cast %parallel_loop3A_733 : vector<1x1x16xf32> to vector<16xf32>
      %parallel_loop3A_735 = arith.constant 3 : i32
      %parallel_loop3A_736 = arith.index_cast %parallel_loop3A_735 : i32 to index
      %parallel_loop3A_737 = arith.index_cast %parallel_loop3A_728 : i32 to index
      %parallel_loop3A_738 = arith.constant 128 : index
      %parallel_loop3A_739 = tpu.vector_load %arg8[%parallel_loop3A_736, %parallel_loop3A_737, %parallel_loop3A_738] {strides = array<i32>} : memref<4x64x192xf32, #tpu.memory_space<vmem>>, vector<1x1x16xf32>,
      %parallel_loop3A_740 = vector.shape_cast %parallel_loop3A_739 : vector<1x1x16xf32> to vector<16xf32>
      %parallel_loop3A_741 = vector.shape_cast %parallel_loop3A_734 : vector<16xf32> to vector<1x1x16xf32>
      tpu.vector_store %arg8[%parallel_loop3A_736, %parallel_loop3A_737, %parallel_loop3A_738], %parallel_loop3A_741 {strides = array<i32>} : memref<4x64x192xf32, #tpu.memory_space<vmem>>, vector<1x1x16xf32>,
      %parallel_loop3A_742 = arith.constant 3 : i32
      %parallel_loop3A_743 = arith.index_cast %parallel_loop3A_742 : i32 to index
      %parallel_loop3A_744 = arith.index_cast %parallel_loop3A_728 : i32 to index
      %parallel_loop3A_745 = arith.constant 16 : index
      %parallel_loop3A_746 = tpu.vector_load %arg7[%parallel_loop3A_743, %parallel_loop3A_744, %parallel_loop3A_745] {strides = array<i32>} : memref<4x64x128xf32, #tpu.memory_space<vmem>>, vector<1x1x16xf32>,
      %parallel_loop3A_747 = vector.shape_cast %parallel_loop3A_746 : vector<1x1x16xf32> to vector<16xf32>
      %parallel_loop3A_748 = arith.constant 3 : i32
      %parallel_loop3A_749 = arith.index_cast %parallel_loop3A_748 : i32 to index
      %parallel_loop3A_750 = arith.index_cast %parallel_loop3A_728 : i32 to index
      %parallel_loop3A_751 = arith.constant 144 : index
      %parallel_loop3A_752 = tpu.vector_load %arg8[%parallel_loop3A_749, %parallel_loop3A_750, %parallel_loop3A_751] {strides = array<i32>} : memref<4x64x192xf32, #tpu.memory_space<vmem>>, vector<1x1x16xf32>,
      %parallel_loop3A_753 = vector.shape_cast %parallel_loop3A_752 : vector<1x1x16xf32> to vector<16xf32>
      %parallel_loop3A_754 = vector.shape_cast %parallel_loop3A_747 : vector<16xf32> to vector<1x1x16xf32>
      tpu.vector_store %arg8[%parallel_loop3A_749, %parallel_loop3A_750, %parallel_loop3A_751], %parallel_loop3A_754 {strides = array<i32>} : memref<4x64x192xf32, #tpu.memory_space<vmem>>, vector<1x1x16xf32>,
      %parallel_loop3A_755 = arith.constant 3 : i32
      %parallel_loop3A_756 = arith.index_cast %parallel_loop3A_755 : i32 to index
      %parallel_loop3A_757 = arith.index_cast %parallel_loop3A_728 : i32 to index
      %parallel_loop3A_758 = arith.constant 32 : index
      %parallel_loop3A_759 = tpu.vector_load %arg7[%parallel_loop3A_756, %parallel_loop3A_757, %parallel_loop3A_758] {strides = array<i32>} : memref<4x64x128xf32, #tpu.memory_space<vmem>>, vector<1x1x16xf32>,
      %parallel_loop3A_760 = vector.shape_cast %parallel_loop3A_759 : vector<1x1x16xf32> to vector<16xf32>
      %parallel_loop3A_761 = arith.constant 3 : i32
      %parallel_loop3A_762 = arith.index_cast %parallel_loop3A_761 : i32 to index
      %parallel_loop3A_763 = arith.index_cast %parallel_loop3A_728 : i32 to index
      %parallel_loop3A_764 = arith.constant 160 : index
      %parallel_loop3A_765 = tpu.vector_load %arg8[%parallel_loop3A_762, %parallel_loop3A_763, %parallel_loop3A_764] {strides = array<i32>} : memref<4x64x192xf32, #tpu.memory_space<vmem>>, vector<1x1x16xf32>,
      %parallel_loop3A_766 = vector.shape_cast %parallel_loop3A_765 : vector<1x1x16xf32> to vector<16xf32>
      %parallel_loop3A_767 = vector.shape_cast %parallel_loop3A_760 : vector<16xf32> to vector<1x1x16xf32>
      tpu.vector_store %arg8[%parallel_loop3A_762, %parallel_loop3A_763, %parallel_loop3A_764], %parallel_loop3A_767 {strides = array<i32>} : memref<4x64x192xf32, #tpu.memory_space<vmem>>, vector<1x1x16xf32>,
      %parallel_loop3A_768 = arith.constant 3 : i32
      %parallel_loop3A_769 = arith.index_cast %parallel_loop3A_768 : i32 to index
      %parallel_loop3A_770 = arith.index_cast %parallel_loop3A_728 : i32 to index
      %parallel_loop3A_771 = arith.constant 48 : index
      %parallel_loop3A_772 = tpu.vector_load %arg7[%parallel_loop3A_769, %parallel_loop3A_770, %parallel_loop3A_771] {strides = array<i32>} : memref<4x64x128xf32, #tpu.memory_space<vmem>>, vector<1x1x16xf32>,
      %parallel_loop3A_773 = vector.shape_cast %parallel_loop3A_772 : vector<1x1x16xf32> to vector<16xf32>
      %parallel_loop3A_774 = arith.constant 3 : i32
      %parallel_loop3A_775 = arith.index_cast %parallel_loop3A_774 : i32 to index
      %parallel_loop3A_776 = arith.index_cast %parallel_loop3A_728 : i32 to index
      %parallel_loop3A_777 = arith.constant 176 : index
      %parallel_loop3A_778 = tpu.vector_load %arg8[%parallel_loop3A_775, %parallel_loop3A_776, %parallel_loop3A_777] {strides = array<i32>} : memref<4x64x192xf32, #tpu.memory_space<vmem>>, vector<1x1x16xf32>,
      %parallel_loop3A_779 = vector.shape_cast %parallel_loop3A_778 : vector<1x1x16xf32> to vector<16xf32>
      %parallel_loop3A_780 = vector.shape_cast %parallel_loop3A_773 : vector<16xf32> to vector<1x1x16xf32>
      tpu.vector_store %arg8[%parallel_loop3A_775, %parallel_loop3A_776, %parallel_loop3A_777], %parallel_loop3A_780 {strides = array<i32>} : memref<4x64x192xf32, #tpu.memory_space<vmem>>, vector<1x1x16xf32>,
    } {sc.loop_unroll_factor = 4 : i64, sc.parallel_access}
    %add3A_661 = arith.constant 448 : i32
    %add3A_662 = arith.addi %mul3A_2, %add3A_661 : i32
    %dma_start3A_663 = arith.constant 3 : i32
    %dma_start3A_664 = arith.constant 0 : i32
    %dma_start3A_665 = arith.constant 0 : i32
    %dma_start3A_666 = tpu.memref_slice %arg8[%dma_start3A_663, %dma_start3A_664, %dma_start3A_665] : memref<4x64x192xf32, #tpu.memory_space<vmem>> -> memref<1x64x192xf32, #tpu.memory_space<vmem>>
    %dma_start3A_667 = tpu.memref_squeeze %dma_start3A_666 : memref<1x64x192xf32, #tpu.memory_space<vmem>> -> memref<64x192xf32, #tpu.memory_space<vmem>>
    %dma_start3A_668 = arith.constant 0 : i32
    %dma_start3A_669 = tpu.memref_slice %arg5[%add3A_662, %dma_start3A_668] : memref<16384x192xf32, #tpu.memory_space<hbm>> -> memref<64x192xf32, #tpu.memory_space<hbm>>
    %dma_start3A_670 = arith.constant 0 : i32
    %dma_start3A_671 = tpu.memref_slice %arg5[%add3A_662, %dma_start3A_670] : memref<16384x192xf32, #tpu.memory_space<hbm>> -> memref<64x192xf32, #tpu.memory_space<hbm>>
    %dma_start3A_672 = arith.constant 0 : i32
    %dma_start3A_673 = arith.constant 0 : i32
    %dma_start3A_674 = tpu.memref_slice %arg8[%dma_start3A_663, %dma_start3A_672, %dma_start3A_673] : memref<4x64x192xf32, #tpu.memory_space<vmem>> -> memref<1x64x192xf32, #tpu.memory_space<vmem>>
    %dma_start3A_675 = tpu.memref_squeeze %dma_start3A_674 : memref<1x64x192xf32, #tpu.memory_space<vmem>> -> memref<64x192xf32, #tpu.memory_space<vmem>>
    tpu.enqueue_dma source(%dma_start3A_675 : memref<64x192xf32, #tpu.memory_space<vmem>>) target(%dma_start3A_671 : memref<64x192xf32, #tpu.memory_space<hbm>>) target_semaphore(%arg13 : memref<!tpu.dma_semaphore, #tpu.memory_space<semaphore_mem>>)
    %dma_wait3A_676 = arith.constant 0 : i32
    %dma_wait3A_677 = arith.constant 0 : i32
    %dma_wait3A_678 = arith.constant 0 : i32
    %dma_wait3A_679 = tpu.memref_slice %arg8[%dma_wait3A_676, %dma_wait3A_677, %dma_wait3A_678] : memref<4x64x192xf32, #tpu.memory_space<vmem>> -> memref<1x64x192xf32, #tpu.memory_space<vmem>>
    %dma_wait3A_680 = tpu.memref_squeeze %dma_wait3A_679 : memref<1x64x192xf32, #tpu.memory_space<vmem>> -> memref<64x192xf32, #tpu.memory_space<vmem>>
    %dma_wait3A_681 = arith.constant 0 : i32
    %dma_wait3A_682 = tpu.memref_slice %arg5[%add3A_501, %dma_wait3A_681] : memref<16384x192xf32, #tpu.memory_space<hbm>> -> memref<64x192xf32, #tpu.memory_space<hbm>>
    %dma_wait3A_683 = arith.constant 0 : i32
    %dma_wait3A_684 = tpu.memref_slice %arg5[%add3A_501, %dma_wait3A_683] : memref<16384x192xf32, #tpu.memory_space<hbm>> -> memref<64x192xf32, #tpu.memory_space<hbm>>
    %dma_wait3A_685 = arith.constant 0 : i32
    %dma_wait3A_686 = arith.constant 0 : i32
    %dma_wait3A_687 = tpu.memref_slice %arg8[%dma_wait3A_676, %dma_wait3A_685, %dma_wait3A_686] : memref<4x64x192xf32, #tpu.memory_space<vmem>> -> memref<1x64x192xf32, #tpu.memory_space<vmem>>
    %dma_wait3A_688 = tpu.memref_squeeze %dma_wait3A_687 : memref<1x64x192xf32, #tpu.memory_space<vmem>> -> memref<64x192xf32, #tpu.memory_space<vmem>>
    tpu.wait_dma2 semaphore(%arg13 : memref<!tpu.dma_semaphore, #tpu.memory_space<semaphore_mem>>) src(%dma_wait3A_688 : memref<64x192xf32, #tpu.memory_space<vmem>>) dst(%dma_wait3A_684 : memref<64x192xf32, #tpu.memory_space<hbm>>)
    %dma_wait3A_689 = arith.constant 1 : i32
    %dma_wait3A_690 = arith.constant 0 : i32
    %dma_wait3A_691 = arith.constant 0 : i32
    %dma_wait3A_692 = tpu.memref_slice %arg8[%dma_wait3A_689, %dma_wait3A_690, %dma_wait3A_691] : memref<4x64x192xf32, #tpu.memory_space<vmem>> -> memref<1x64x192xf32, #tpu.memory_space<vmem>>
    %dma_wait3A_693 = tpu.memref_squeeze %dma_wait3A_692 : memref<1x64x192xf32, #tpu.memory_space<vmem>> -> memref<64x192xf32, #tpu.memory_space<vmem>>
    %dma_wait3A_694 = arith.constant 0 : i32
    %dma_wait3A_695 = tpu.memref_slice %arg5[%add3A_580, %dma_wait3A_694] : memref<16384x192xf32, #tpu.memory_space<hbm>> -> memref<64x192xf32, #tpu.memory_space<hbm>>
    %dma_wait3A_696 = arith.constant 0 : i32
    %dma_wait3A_697 = tpu.memref_slice %arg5[%add3A_580, %dma_wait3A_696] : memref<16384x192xf32, #tpu.memory_space<hbm>> -> memref<64x192xf32, #tpu.memory_space<hbm>>
    %dma_wait3A_698 = arith.constant 0 : i32
    %dma_wait3A_699 = arith.constant 0 : i32
    %dma_wait3A_700 = tpu.memref_slice %arg8[%dma_wait3A_689, %dma_wait3A_698, %dma_wait3A_699] : memref<4x64x192xf32, #tpu.memory_space<vmem>> -> memref<1x64x192xf32, #tpu.memory_space<vmem>>
    %dma_wait3A_701 = tpu.memref_squeeze %dma_wait3A_700 : memref<1x64x192xf32, #tpu.memory_space<vmem>> -> memref<64x192xf32, #tpu.memory_space<vmem>>
    tpu.wait_dma2 semaphore(%arg13 : memref<!tpu.dma_semaphore, #tpu.memory_space<semaphore_mem>>) src(%dma_wait3A_701 : memref<64x192xf32, #tpu.memory_space<vmem>>) dst(%dma_wait3A_697 : memref<64x192xf32, #tpu.memory_space<hbm>>)
    %dma_wait3A_702 = arith.constant 2 : i32
    %dma_wait3A_703 = arith.constant 0 : i32
    %dma_wait3A_704 = arith.constant 0 : i32
    %dma_wait3A_705 = tpu.memref_slice %arg8[%dma_wait3A_702, %dma_wait3A_703, %dma_wait3A_704] : memref<4x64x192xf32, #tpu.memory_space<vmem>> -> memref<1x64x192xf32, #tpu.memory_space<vmem>>
    %dma_wait3A_706 = tpu.memref_squeeze %dma_wait3A_705 : memref<1x64x192xf32, #tpu.memory_space<vmem>> -> memref<64x192xf32, #tpu.memory_space<vmem>>
    %dma_wait3A_707 = arith.constant 0 : i32
    %dma_wait3A_708 = tpu.memref_slice %arg5[%add3A_621, %dma_wait3A_707] : memref<16384x192xf32, #tpu.memory_space<hbm>> -> memref<64x192xf32, #tpu.memory_space<hbm>>
    %dma_wait3A_709 = arith.constant 0 : i32
    %dma_wait3A_710 = tpu.memref_slice %arg5[%add3A_621, %dma_wait3A_709] : memref<16384x192xf32, #tpu.memory_space<hbm>> -> memref<64x192xf32, #tpu.memory_space<hbm>>
    %dma_wait3A_711 = arith.constant 0 : i32
    %dma_wait3A_712 = arith.constant 0 : i32
    %dma_wait3A_713 = tpu.memref_slice %arg8[%dma_wait3A_702, %dma_wait3A_711, %dma_wait3A_712] : memref<4x64x192xf32, #tpu.memory_space<vmem>> -> memref<1x64x192xf32, #tpu.memory_space<vmem>>
    %dma_wait3A_714 = tpu.memref_squeeze %dma_wait3A_713 : memref<1x64x192xf32, #tpu.memory_space<vmem>> -> memref<64x192xf32, #tpu.memory_space<vmem>>
    tpu.wait_dma2 semaphore(%arg13 : memref<!tpu.dma_semaphore, #tpu.memory_space<semaphore_mem>>) src(%dma_wait3A_714 : memref<64x192xf32, #tpu.memory_space<vmem>>) dst(%dma_wait3A_710 : memref<64x192xf32, #tpu.memory_space<hbm>>)
    %dma_wait3A_715 = arith.constant 3 : i32
    %dma_wait3A_716 = arith.constant 0 : i32
    %dma_wait3A_717 = arith.constant 0 : i32
    %dma_wait3A_718 = tpu.memref_slice %arg8[%dma_wait3A_715, %dma_wait3A_716, %dma_wait3A_717] : memref<4x64x192xf32, #tpu.memory_space<vmem>> -> memref<1x64x192xf32, #tpu.memory_space<vmem>>
    %dma_wait3A_719 = tpu.memref_squeeze %dma_wait3A_718 : memref<1x64x192xf32, #tpu.memory_space<vmem>> -> memref<64x192xf32, #tpu.memory_space<vmem>>
    %dma_wait3A_720 = arith.constant 0 : i32
    %dma_wait3A_721 = tpu.memref_slice %arg5[%add3A_662, %dma_wait3A_720] : memref<16384x192xf32, #tpu.memory_space<hbm>> -> memref<64x192xf32, #tpu.memory_space<hbm>>
    %dma_wait3A_722 = arith.constant 0 : i32
    %dma_wait3A_723 = tpu.memref_slice %arg5[%add3A_662, %dma_wait3A_722] : memref<16384x192xf32, #tpu.memory_space<hbm>> -> memref<64x192xf32, #tpu.memory_space<hbm>>
    %dma_wait3A_724 = arith.constant 0 : i32
    %dma_wait3A_725 = arith.constant 0 : i32
    %dma_wait3A_726 = tpu.memref_slice %arg8[%dma_wait3A_715, %dma_wait3A_724, %dma_wait3A_725] : memref<4x64x192xf32, #tpu.memory_space<vmem>> -> memref<1x64x192xf32, #tpu.memory_space<vmem>>
    %dma_wait3A_727 = tpu.memref_squeeze %dma_wait3A_726 : memref<1x64x192xf32, #tpu.memory_space<vmem>> -> memref<64x192xf32, #tpu.memory_space<vmem>>
    tpu.wait_dma2 semaphore(%arg13 : memref<!tpu.dma_semaphore, #tpu.memory_space<semaphore_mem>>) src(%dma_wait3A_727 : memref<64x192xf32, #tpu.memory_space<vmem>>) dst(%dma_wait3A_723 : memref<64x192xf32, #tpu.memory_space<hbm>>)
    return
  }
}

</mosaic_0001>

<sc_bundles>
// kernel: _personalized_input.3.cloned.1.call-start
scs
__scs_entry_jumppad:
0x0: {  	(pc) =	sbr.rel $0x88, $3  }
0x1: {  	(tag) =	ssettag $0x0;
	lr =	simm.s32 $0x1  }
0x2: {  	[smem:$0x3F9F] =	sst lr;
	_ =	strace $0xD0000000  }
0x3: {  	_ = 	snop  }
0x4: {  	_ = 	snop  }
0x5: {  	_ = 	snop  }
0x6: {  	_ = 	snop  }
0x7: {  	_ = 	snop  }
__scs_overlays_trampoline_lowered:
0x8: {  	[smem:$0x3FAE] =	sst s0  }
0x9: {  	[smem:$0x3FAF] =	sst s1  }
0xa: {  	[smem:$0x3FB0] =	sst s2  }
0xb: {  	[smem:$0x3FB1] =	sst s3  }
0xc: {  	[smem:$0x3FB2] =	sst s4  }
0xd: {  	[smem:$0x3FB3] =	sst s5  }
0xe: {  	[smem:$0x3FB4] =	sst s6  }
0xf: {  	[smem:$0x3FB5] =	sst s7  }
0x10: {  	[smem:$0x3FB6] =	sst s8  }
0x11: {  	[smem:$0x3FB7] =	sst s9;
	s0 =	simm.s32 @!p0 $0x0  }
0x12: {  	s1 =	sld [smem:$0x3F9D];
	s0 =	simm.s32 @p0 $0x1  }
0x13: {  	[smem:$0x3FB8] =	sst s0;
	s0 =	simm.s32 @!p1 $0x0  }
0x14: {  	s2 =	sld [smem:$0x3F9C];
	s0 =	simm.s32 @p1 $0x1  }
0x15: {  	[smem:$0x3FB9] =	sst s0;
	s0 =	simm.s32 @!p2 $0x0  }
0x16: {  	s3 =	sld [smem:$0x3FDB];
	s0 =	simm.s32 @p2 $0x1  }
0x17: {  	s4 =	simm.s32 $0x1BF5;
	[smem:$0x3FBB] =	sst s0  }
0x18: {  	s0 =	sld [smem:$0x3F9E];
	_ =	swait.ge [sflag:s4], $0x0  }
0x19: {  	s7 =	sld [smem:$0x3F9F]  }
0x1a: {  	s8 =	sadd.s32 $0xFFFFE003, lr  }
0x1b: {  	s9 =	sadd.s32 $0xFFFFFEF7, lr;
	s5 =	simm.s32 $0xFFFFFFFF;
	p2 =	slt.u32 s8, $0xFFFFF086  }
0x1c: {  	p1 =	slt.u32 s9, $0xF7A;
	s5 =	simm.s32 @!p2 $0x0  }
0x1d: {  	s5 =	simm.s32 @p1 $0x1;
	p0 =	seq.s32 s7, s2  }
0x1e: {  	s7 =	smul.u32 @!p0 $0xF7A, s2;
	p2 =	seq.s32 @!p0 s5, $0x0  }
0x1f: {  	s9 =	smul.u32 $0xF7A, s1;
	s8 =	simm.s32 @!p0 $0x1BF5;
	p2 =	por !p2, p0  }
0x20: {  	[sflag:s8] =	ssyncset.s32 @!p0 $0xFFFFF086;
	s6 =	sadd.s32 @!p0 s3, s7;
	s7 =	simm.s32 @!p0 $0x108  }
0x21: {  	s3 =	sadd.s32 s3, s9;
	s6 =	sadd.s32 @!p0 $0x88, s6;
	s7 =	simm.s32 @p2 $0x1082  }
0x22: {  	[simem:s7], [sflag:s8] =	dma.local @!p0 [hbm:s6], $0xF7A  }
0x23: {  	s9 =	sor.u32 $0xD0000000, s2;
	s6 =	simm.s32 $0x108;
	_ =	swait.ge @!p0 [sflag:s8], $0x0  }
0x24: {  	s3 =	sadd.s32 $0x88, s3;
	s6 =	simm.s32 @!p1 $0x1082;
	[sflag:s4] =	ssyncset.s32 $0xFFFFF086  }
0x25: {  	[simem:s6], [sflag:s4] =	dma.local [hbm:s3], $0xF7A  }
0x26: {  	[smem:$0x3F9F] =	sst s1;
	(tag) =	ssettag s2;
	_ =	strace s9  }
0x27: {  	s1 =	sld [smem:$0x3FAF]  }
0x28: {  	s2 =	sld [smem:$0x3FB0]  }
0x29: {  	s4 =	sld [smem:$0x3FB2]  }
0x2a: {  	p0 =	seq.s32 s5, $0x0;
	s5 =	sld [smem:$0x3FB3]  }
0x2b: {  	s6 =	sld [smem:$0x3FB4]  }
0x2c: {  	s7 =	sld [smem:$0x3FB5]  }
0x2d: {  	s3 =	simm.s32 $0x108;
	s8 =	sld [smem:$0x3FB6]  }
0x2e: {  	s3 =	simm.s32 @!p0 $0x1082;
	s9 =	sld [smem:$0x3FB7]  }
0x2f: {  	lr =	sadd.s32 s0, s3;
	s0 =	sld [smem:$0x3FAE]  }
0x30: {  	s3 =	sld [smem:$0x3FB1]  }
0x31: {  	[smem:$0x3FBA] =	sst s10  }
0x32: {  	s10 =	sld [smem:$0x3FB8];
	_ =	sdelay $0x3  }
0x33: {  	p0 =	seq.s32 s10, $0x1;
	s10 =	sld [smem:$0x3FBA];
	_ =	sdelay $0x3  }
0x34: {  	[smem:$0x3FBA] =	sst s10  }
0x35: {  	s10 =	sld [smem:$0x3FB9];
	_ =	sdelay $0x3  }
0x36: {  	p1 =	seq.s32 s10, $0x1;
	s10 =	sld [smem:$0x3FBA];
	_ =	sdelay $0x3  }
0x37: {  	[smem:$0x3FBA] =	sst s10  }
0x38: {  	s10 =	sld [smem:$0x3FBB]  }
0x39: {  	_ = 	snop;
	(pc) =	sbr.ind lr, $3  }
0x3a: {  	_ = 	snop  }
0x3b: {  	_ = 	snop  }
0x3c: {  	p2 =	seq.s32 s10, $0x1;
	s10 =	sld [smem:$0x3FBA]  }
0x3d: {  	_ =	shalt  }
0x3e: {  	_ =	shalt  }
0x3f: {  	_ =	shalt  }
0x40: {  	_ =	shalt  }
0x41: {  	_ =	shalt  }
0x42: {  	_ =	shalt  }
0x43: {  	_ =	shalt  }
0x44: {  	_ =	shalt  }
0x45: {  	_ =	shalt  }
0x46: {  	_ =	shalt  }
0x47: {  	_ =	shalt  }
0x48: {  	_ =	shalt  }
0x49: {  	_ =	shalt  }
0x4a: {  	_ =	shalt  }
0x4b: {  	_ =	shalt  }
0x4c: {  	_ =	shalt  }
0x4d: {  	_ =	shalt  }
0x4e: {  	_ =	shalt  }
0x4f: {  	_ =	shalt  }
0x50: {  	_ =	shalt  }
0x51: {  	_ =	shalt  }
0x52: {  	_ =	shalt  }
0x53: {  	_ =	shalt  }
0x54: {  	_ =	shalt  }
0x55: {  	_ =	shalt  }
0x56: {  	_ =	shalt  }
0x57: {  	_ =	shalt  }
0x58: {  	_ =	shalt  }
0x59: {  	_ =	shalt  }
0x5a: {  	_ =	shalt  }
0x5b: {  	_ =	shalt  }
0x5c: {  	_ =	shalt  }
0x5d: {  	_ =	shalt  }
0x5e: {  	_ =	shalt  }
0x5f: {  	_ =	shalt  }
0x60: {  	_ =	shalt  }
0x61: {  	_ =	shalt  }
0x62: {  	_ =	shalt  }
0x63: {  	_ =	shalt  }
0x64: {  	_ =	shalt  }
0x65: {  	_ =	shalt  }
0x66: {  	_ =	shalt  }
0x67: {  	_ =	shalt  }
0x68: {  	_ =	shalt  }
0x69: {  	_ =	shalt  }
0x6a: {  	_ =	shalt  }
0x6b: {  	_ =	shalt  }
0x6c: {  	_ =	shalt  }
0x6d: {  	_ =	shalt  }
0x6e: {  	_ =	shalt  }
0x6f: {  	_ =	shalt  }
0x70: {  	_ =	shalt  }
0x71: {  	_ =	shalt  }
0x72: {  	_ =	shalt  }
0x73: {  	_ =	shalt  }
0x74: {  	_ =	shalt  }
0x75: {  	_ =	shalt  }
0x76: {  	_ =	shalt  }
0x77: {  	_ =	shalt  }
0x78: {  	_ =	shalt  }
0x79: {  	_ =	shalt  }
0x7a: {  	_ =	shalt  }
0x7b: {  	_ =	shalt  }
0x7c: {  	_ =	shalt  }
0x7d: {  	_ =	shalt  }
0x7e: {  	_ =	shalt  }
0x7f: {  	_ =	shalt  }
0x80: {  	_ =	shalt  }
0x81: {  	_ =	shalt  }
0x82: {  	_ =	shalt  }
0x83: {  	_ =	shalt  }
0x84: {  	_ =	shalt  }
0x85: {  	_ =	shalt  }
0x86: {  	_ =	shalt  }
0x87: {  	_ =	shalt  }
.Lfunc_end0:
.L_simem_size_0:
called_computation_lowered:
.L_overlay_start_0:
0x88: {  	s2 =	sld [smem:$0x3FD9]  }
0x89: {  	s3 =	sld [smem:$0x3FFE];
	_ =	sdelay $0x1  }
0x8a: {  	s1 =	srdreg.scid  }
0x8b: {  	s0 =	sand.u32 $0x1, s1  }
0x8c: {  	s17 =	sshll.u32 s0, $0xA;
	s2 =	sadd.s32 s3, s2  }
0x8d: {  	s2 =	sadd.s32 s2, s17  }
0x8e: {  	[smem:$0x3FC6] =	sst s2  }
0x8f: {  	_ = 	snop  }
0x90: {  	s2 =	sld [smem:$0x3FD0];
	(tm) =	ssettm $0x1  }
0x91: {  	s18 =	sld [smem:$0x3FFB];
	_ =	sdelay $0x3  }
0x92: {  	_ =	strace s18  }
0x93: {  	s3 =	sld [smem:$0x3FFC];
	_ =	sdelay $0x3  }
0x94: {  	_ =	strace s3  }
0x95: {  	s3 =	sld [smem:$0x3FFD];
	_ =	sdelay $0x3  }
0x96: {  	_ =	strace s3  }
0x97: {  	_ =	strace $0x8FFFFFFF  }
0x98: {  	s19 =	sld [smem:$0x3FDB];
	_ =	sdelay $0x1  }
0x99: {  	s4 =	simm.s32 $_scs_section_size  }
0x9a: {  	s5 =	simm.s32 $_size__tile_overlayer_lowered;
	s6 =	simm.s32 $_tile_overlayer_lowered  }
0x9b: {  	s22 =	simm.s32 $0x1BFF;
	s21 =	sshll.u32 s6, $0x1;
	s3 =	sadd.s32 s4, s19  }
0x9c: {  	s7 =	simm.s32 $0x0;
	s20 =	sshll.u32 s5, $0x1;
	s5 =	sadd.s32 s21, s3  }
0x9d: {  	[timem:s7], [sflag:s22] =	dma.local [hbm:s5], s20  }
0x9e: {  	_ =	swait.ge [sflag:s22], s20  }
0x9f: {  	s4 =	ssub.s32 $0x0, s20;
	[sflag:s22] =	ssyncset.done $0x0  }
0xa0: {  	[sflag:s22] =	ssyncadd.s32 s4;
	_ =	sdelay $0x1  }
0xa1: {  	s23 =	simm.s32 $0x1B8B  }
0xa2: {  	_ =	swait.ge [sflag:s23], $0x1  }
0xa3: {  	[sflag:s23] =	ssyncset.done $0x0  }
0xa4: {  	s25 =	simm.s32 $0x1B8E;
	s24 =	sld [smem:$0x3FFE];
	[sflag:s23] =	ssyncadd.s32 $0xFFFFFFFF  }
0xa5: {  	s26 =	simm.s32 $execute0_lowered;
	[smem:$0x3FD2] =	sst s25  }
0xa6: {  	s5 =	sshll.u32 s26, $0x1;
	_ =	strace $0x80000046;
	[dreg:$0x1] =	wrdreg $0xFFFFFFFF  }
0xa7: {  	s28 =	simm.s32 $_size_execute0_lowered;
	s3 =	sadd.s32 s3, s5;
	[dreg:$0x0] =	wrdreg $0x0  }
0xa8: {  	s5 =	sshll.u32 s28, $0x1;
	[dreg:$0x2] =	wrdreg s3  }
0xa9: {  	[dreg:$0x3] =	wrdreg s5  }
0xaa: {  	[dreg:$0x4] =	wrdreg $0xC0  }
0xab: {  	_ =	task [dreg:s7], $0x5FFFF  }
0xac: {  	[dreg:$0x1] =	wrdreg $0xFFFFFFFF  }
0xad: {  	[dreg:$0x0] =	wrdreg $0x60  }
0xae: {  	[dreg:$0x2] =	wrdreg s24  }
0xaf: {  	[dreg:$0x3] =	wrdreg s2  }
0xb0: {  	[dreg:$0x4] =	wrdreg $0x1A2000  }
0xb1: {  	[dreg:$0x5] =	wrdreg $0x9  }
0xb2: {  	_ =	task.clear_ibuf [dreg:s7], $0x6FFFF;
	_ =	strace $0x90000046  }
0xb3: {  	s29 =	simm.s32 $0x9;
	_ =	strace $0x80000048  }
0xb4: {  	_ =	swait.ge [sflag:s29], $0x1  }
0xb5: {  	[sflag:s29] =	ssyncadd.s32 $0xFFFFFFFF  }
0xb6: {  	_ =	strace $0x90000048  }
0xb7: {  	_ =	sfence  }
0xb8: {  	s30 =	sld [smem:$0x0];
	_ =	sdelay $0x2  }
0xb9: {  	s31 =	sshll.u32 s1, $0xD;
	s1 =	sshrl.u32 s1, $0x2  }
0xba: {  	s3 =	sand.u32 $0x4000, s31;
	s1 =	sadd.s32 s1, s30  }
0xbb: {  	s0 =	sor.u32 s3, s0;
	s1 =	sshll.u32 s1, $0x11  }
0xbc: {  	s0 =	sor.u32 s1, s0  }
0xbd: {  	s0 =	sadd.s32 $0x8F2B, s0  }
0xbe: {  	[sflag:s0] =	ssyncadd.remote.s32 $0x1  }
0xbf: {  	_ =	sfence.sel $0xFFFF  }
0xc0: {  	[dreg:$0x0] =	wrdreg $0xFFFFFFFF;
	(pc) =	sbr.abs _section_cstart, $3  }
0xc1: {  	[dreg:$0x1] =	wrdreg $0xFFFFFFFF  }
0xc2: {  	_ =	task.clear_ibuf [dreg:s7], $0x2FFFF;
	_ =	strace $0x9FFFFFFF  }
0xc3: {  	(tm) =	ssettm $0x7FFFFFFF  }
tec
execute0_lowered:
.L_overlay_start_1:
0x0: {  	(tag) =	ssettag $0x1  }
0x1: {  	s0 =	rddreg [dreg:$0x0]  }
0x2: {  	s1 =	rddreg [dreg:$0x1]  }
0x3: {  	s15 =	rddreg [dreg:$0x2]  }
0x4: {  	s3 =	srdreg.scid;
	s2 =	stileid.u32  }
0x5: {  	s4 =	sand.u32 $0x1, s3;
	s3 =	simm.s32 $0x0;
	s5 =	sshll.u32 s2, $0xA  }
0x6: {  	s8 =	sadd.s32 $0xE00, s0;
	s10 =	sshll.u32 s2, $0x6;
	s6 =	sshll.u32 s4, $0x9  }
0x7: {  	[smem:$0x7FF] =	sst s3;
	s13 =	sor.u32 $0x20, s10;
	s6 =	sor.u32 s6, s5  }
0x8: {  	_ =	strace $0x80000047;
	s5 =	sadd.s32 s1, s5;
	s18 =	sshll.u32 s13, $0x4  }
0x9: {  	s7 =	sshrl.u32 s6, $0x3;
	s6 =	sshll.u32 s6, $0x5;
	[dreg:$0x7] =	wrdreg s5  }
0xa: {  	s1 =	sadd.s32 s1, s18;
	s7 =	sadd.s32 s7, s0;
	s0 =	sadd.s32 $0x80E00, s0  }
0xb: {  	s17 =	sadd.s32 s8, s6;
	s16 =	sor.u32 $0x800, s6;
	[dreg:$0x8] =	wrdreg s1  }
0xc: {  	s21 =	sor.u32 $0x1800, s6;
	s20 =	sadd.s32 s0, s6;
	[dreg:$0x4] =	wrdreg s17  }
0xd: {  	s11 =	sor.u32 $0x1000, s6;
	s22 =	sadd.s32 s8, s21;
	[dreg:$0x9] =	wrdreg s20  }
0xe: {  	s24 =	sor.u32 $0x2000, s6;
	s23 =	sadd.s32 s0, s16;
	[dreg:$0xa] =	wrdreg s22  }
0xf: {  	s26 =	sor.u32 $0x2800, s6;
	s25 =	sadd.s32 s0, s11;
	[dreg:$0xb] =	wrdreg s23  }
0x10: {  	s31 =	sor.u32 $0x3000, s6;
	s1 =	sadd.s32 s0, s21;
	[dreg:$0xc] =	wrdreg s25  }
0x11: {  	s10 =	sadd.s32 s8, s11;
	s5 =	sadd.s32 s0, s24;
	[dreg:$0xd] =	wrdreg s1  }
0x12: {  	s21 =	sshll.u32 s2, $0xD;
	s2 =	sadd.s32 $0x400, s17;
	[dreg:$0xe] =	wrdreg s5  }
0x13: {  	s11 =	sor.u32 $0x3800, s6;
	s6 =	sadd.s32 $0x700, s17;
	[dreg:$0x19] =	wrdreg s2  }
0x14: {  	s19 =	sadd.s32 s8, s16;
	[dreg:$0x1c] =	wrdreg s6  }
0x15: {  	[dreg:$0x5] =	wrdreg s19  }
0x16: {  	s20 =	sadd.s32 s0, s26;
	[dreg:$0x6] =	wrdreg s10  }
0x17: {  	s4 =	ssub.s32 $0x2, s4;
	s1 =	sadd.s32 s0, s31;
	[dreg:$0xf] =	wrdreg s20  }
0x18: {  	s9 =	sshrl.u32 s4, $0x1;
	s0 =	sadd.s32 s0, s11;
	[dreg:$0x10] =	wrdreg s1  }
0x19: {  	s4 =	ssub.s32 s4, s9;
	s23 =	sadd.s32 $0x600, s7;
	[dreg:$0x11] =	wrdreg s0  }
0x1a: {  	s25 =	smax.u32 s4, $0x1;
	[dreg:$0x12] =	wrdreg s23  }
0x1b: {  	s14 =	sadd.s32 s8, s26;
	s26 =	sadd.s32 $0x100, s17;
	[dreg:$0x15] =	wrdreg s25  }
0x1c: {  	s16 =	sadd.s32 s8, s31;
	s31 =	sadd.s32 $0x200, s17;
	[dreg:$0x16] =	wrdreg s26  }
0x1d: {  	s4 =	sadd.s32 $0x500, s17;
	[dreg:$0x17] =	wrdreg s31  }
0x1e: {  	s5 =	sadd.s32 $0x600, s17;
	[dreg:$0x1a] =	wrdreg s4  }
0x1f: {  	s12 =	sadd.s32 s8, s24;
	s7 =	sadd.s32 $0x100, s19;
	[dreg:$0x1b] =	wrdreg s5  }
0x20: {  	s18 =	sadd.s32 s8, s11;
	s8 =	sadd.s32 $0x200, s19;
	[dreg:$0x1d] =	wrdreg s7  }
0x21: {  	s9 =	sadd.s32 $0x300, s19;
	[dreg:$0x1e] =	wrdreg s8  }
0x22: {  	s11 =	sadd.s32 $0x400, s19;
	[dreg:$0x1f] =	wrdreg s9  }
0x23: {  	s22 =	sshll.u32 s13, $0x7;
	s13 =	sadd.s32 $0x500, s19;
	[smem:$0x7F3] =	sst s11  }
0x24: {  	s0 =	sadd.s32 s21, s15;
	[smem:$0x7F4] =	sst s13  }
0x25: {  	s24 =	sadd.s32 s22, s15;
	[dreg:$0x13] =	wrdreg s0  }
0x26: {  	s1 =	sadd.s32 $0x300, s17;
	[dreg:$0x14] =	wrdreg s24  }
0x27: {  	s17 =	sadd.s32 $0x600, s19;
	[dreg:$0x18] =	wrdreg s1  }
0x28: {  	s20 =	sadd.s32 $0x700, s19;
	[smem:$0x7F5] =	sst s17  }
0x29: {  	s21 =	sadd.s32 $0x100, s10;
	[smem:$0x7F6] =	sst s20  }
0x2a: {  	s28 =	simm.s32 $0x10200;
	s22 =	sadd.s32 $0x200, s10;
	[smem:$0x7F7] =	sst s21  }
0x2b: {  	s29 =	simm.s32 $0x40;
	s23 =	sadd.s32 $0x300, s10;
	[smem:$0x7F8] =	sst s22  }
0x2c: {  	s30 =	simm.s32 $0x2;
	s25 =	sadd.s32 $0x500, s10;
	[smem:$0x7F9] =	sst s23  }
0x2d: {  	s26 =	sadd.s32 $0x600, s10;
	s31 =	sadd.s32 $0x700, s10;
	[smem:$0x7FB] =	sst s25  }
0x2e: {  	s13 =	simm.s32 $0xC200;
	s19 =	simm.s32 $0x1;
	[smem:$0x7FC] =	sst s26  }
0x2f: {  	s24 =	sadd.s32 $0x400, s10;
	[smem:$0x7FD] =	sst s31;
	s10 =	simm.s32 $0x8200  }
0x30: {  	s25 =	simm.s32 $0x3;
	s1 =	simm.s32 $0x0;
	[smem:$0x7FA] =	sst s24  }
.LBB2_1:
0x31: {  	[smem:$0x7F2] =	sst s1  }
0x32: {  	s0 =	rddreg [dreg:$0x4]  }
0x33: {  	s23 =	rddreg [dreg:$0x16]  }
0x34: {  	[tilespmem:s10], [sflag:$0x1] =	stream.linear.gather [hbm4b:s0+s3], $0x400, $0x38;
	[tilespmem:$0x1C200] =	vst v63  }
0x35: {  	s24 =	simm.s32 $0x8A00;
	s26 =	rddreg [dreg:$0x17]  }
0x36: {  	[tilespmem:s24], [sflag:$0x1] =	stream.linear.gather [hbm4b:s23+s3], $0x400, $0x38;
	[tilespmem:$0x1C200] =	vst v63  }
0x37: {  	s31 =	simm.s32 $0x9200;
	s2 =	rddreg [dreg:$0x18]  }
0x38: {  	[tilespmem:s31], [sflag:$0x1] =	stream.linear.gather [hbm4b:s26+s3], $0x400, $0x38;
	[tilespmem:$0x1C200] =	vst v63  }
0x39: {  	s4 =	simm.s32 $0x9A00;
	s5 =	rddreg [dreg:$0x19]  }
0x3a: {  	[tilespmem:s4], [sflag:$0x1] =	stream.linear.gather [hbm4b:s2+s3], $0x400, $0x38;
	[tilespmem:$0x1C200] =	vst v63  }
0x3b: {  	s6 =	simm.s32 $0xA200;
	s7 =	rddreg [dreg:$0x1a]  }
0x3c: {  	[tilespmem:s6], [sflag:$0x1] =	stream.linear.gather [hbm4b:s5+s3], $0x400, $0x38;
	[tilespmem:$0x1C200] =	vst v63  }
0x3d: {  	s8 =	simm.s32 $0xAA00;
	s9 =	rddreg [dreg:$0x1b]  }
0x3e: {  	[tilespmem:s8], [sflag:$0x1] =	stream.linear.gather [hbm4b:s7+s3], $0x400, $0x38;
	[tilespmem:$0x1C200] =	vst v63  }
0x3f: {  	s11 =	rddreg [dreg:$0x1c];
	s10 =	simm.s32 $0xB200  }
0x40: {  	[tilespmem:s10], [sflag:$0x1] =	stream.linear.gather [hbm4b:s9+s3], $0x400, $0x38;
	[tilespmem:$0x1C200] =	vst v63  }
0x41: {  	s17 =	simm.s32 $0xBA00;
	s20 =	rddreg [dreg:$0x5]  }
0x42: {  	[tilespmem:s17], [sflag:$0x1] =	stream.linear.gather [hbm4b:s11+s3], $0x400, $0x38;
	[tilespmem:$0x1C200] =	vst v63  }
0x43: {  	s21 =	rddreg [dreg:$0x1d]  }
0x44: {  	[tilespmem:s13], [sflag:$0x1] =	stream.linear.gather [hbm4b:s20+s3], $0x400, $0x38;
	[tilespmem:$0x1C200] =	vst v63  }
0x45: {  	s22 =	simm.s32 $0xCA00;
	s1 =	sld [smem:$0x7F3]  }
0x46: {  	[tilespmem:s22], [sflag:$0x1] =	stream.linear.gather [hbm4b:s21+s3], $0x400, $0x38;
	[tilespmem:$0x1C200] =	vst v63  }
0x47: {  	s23 =	rddreg [dreg:$0x1e];
	s24 =	simm.s32 $0xD200  }
0x48: {  	[tilespmem:s24], [sflag:$0x1] =	stream.linear.gather [hbm4b:s23+s3], $0x400, $0x38;
	[tilespmem:$0x1C200] =	vst v63  }
0x49: {  	s26 =	rddreg [dreg:$0x1f];
	s31 =	simm.s32 $0xDA00  }
0x4a: {  	[tilespmem:s31], [sflag:$0x1] =	stream.linear.gather [hbm4b:s26+s3], $0x400, $0x38;
	[tilespmem:$0x1C200] =	vst v63  }
0x4b: {  	s2 =	simm.s32 $0xE200;
	s4 =	sld [smem:$0x7F4]  }
0x4c: {  	[tilespmem:s2], [sflag:$0x1] =	stream.linear.gather [hbm4b:s1+s3], $0x400, $0x38;
	[tilespmem:$0x1C200] =	vst v63  }
0x4d: {  	s5 =	simm.s32 $0xEA00;
	s6 =	sld [smem:$0x7F5]  }
0x4e: {  	[tilespmem:s5], [sflag:$0x1] =	stream.linear.gather [hbm4b:s4+s3], $0x400, $0x38;
	[tilespmem:$0x1C200] =	vst v63  }
0x4f: {  	s7 =	simm.s32 $0xF200;
	s8 =	sld [smem:$0x7F6]  }
0x50: {  	[tilespmem:s7], [sflag:$0x1] =	stream.linear.gather [hbm4b:s6+s3], $0x400, $0x38;
	[tilespmem:$0x1C200] =	vst v63  }
0x51: {  	s9 =	simm.s32 $0xFA00;
	s10 =	rddreg [dreg:$0x6]  }
0x52: {  	[tilespmem:s9], [sflag:$0x1] =	stream.linear.gather [hbm4b:s8+s3], $0x400, $0x38;
	[tilespmem:$0x1C200] =	vst v63  }
0x53: {  	s11 =	sld [smem:$0x7F7]  }
0x54: {  	[tilespmem:s28], [sflag:$0x1] =	stream.linear.gather [hbm4b:s10+s3], $0x400, $0x38;
	[tilespmem:$0x1C200] =	vst v63  }
0x55: {  	s17 =	sld [smem:$0x7F8];
	s13 =	simm.s32 $0x10A00  }
0x56: {  	[tilespmem:s13], [sflag:$0x1] =	stream.linear.gather [hbm4b:s11+s3], $0x400, $0x38;
	[tilespmem:$0x1C200] =	vst v63  }
0x57: {  	s20 =	simm.s32 $0x11200;
	s21 =	sld [smem:$0x7F9]  }
0x58: {  	[tilespmem:s20], [sflag:$0x1] =	stream.linear.gather [hbm4b:s17+s3], $0x400, $0x38;
	[tilespmem:$0x1C200] =	vst v63  }
0x59: {  	s22 =	simm.s32 $0x11A00;
	s23 =	sld [smem:$0x7FA]  }
0x5a: {  	[tilespmem:s22], [sflag:$0x1] =	stream.linear.gather [hbm4b:s21+s3], $0x400, $0x38;
	[tilespmem:$0x1C200] =	vst v63  }
0x5b: {  	s24 =	simm.s32 $0x12200;
	s26 =	sld [smem:$0x7FB]  }
0x5c: {  	[tilespmem:s24], [sflag:$0x1] =	stream.linear.gather [hbm4b:s23+s3], $0x400, $0x38;
	[tilespmem:$0x1C200] =	vst v63  }
0x5d: {  	s31 =	simm.s32 $0x12A00;
	s2 =	sld [smem:$0x7FC]  }
0x5e: {  	[tilespmem:s31], [sflag:$0x1] =	stream.linear.gather [hbm4b:s26+s3], $0x400, $0x38;
	[tilespmem:$0x1C200] =	vst v63  }
0x5f: {  	s4 =	simm.s32 $0x13200;
	s5 =	sld [smem:$0x7FD]  }
0x60: {  	[tilespmem:s4], [sflag:$0x1] =	stream.linear.gather [hbm4b:s2+s3], $0x400, $0x38;
	[tilespmem:$0x1C200] =	vst v63  }
0x61: {  	s6 =	simm.s32 $0x13A00  }
0x62: {  	[tilespmem:s6], [sflag:$0x1] =	stream.linear.gather [hbm4b:s5+s3], $0x400, $0x38;
	[tilespmem:$0x1C200] =	vst v63  }
0x63: {  	s7 =	rddreg [dreg:$0x12]  }
0x64: {  	[tilespmem:s3], [sflag:$0x5] =	stream.linear.gather [hbm4b:s7+s3], $0x200, $0x38;
	[tilespmem:$0x1C200] =	vst v63  }
0x65: {  	s8 =	rddreg [dreg:$0x7];
	s9 =	simm.s32 $0x18200  }
0x66: {  	[tilespmem:s9], [sflag:$0x4] =	stream.linear.gather [hbm4b:s8+s3], $0x1000, $0x38;
	[tilespmem:$0x1C200] =	vst v63  }
0x67: {  	s10 =	rddreg [dreg:$0x8];
	s2 =	simm.s32 $0x19200;
	s4 =	simm.s32 $0x4  }
0x68: {  	[tilespmem:s2], [sflag:$0x4] =	stream.linear.gather [hbm4b:s10+s3], $0x1000, $0x38;
	[tilespmem:$0x1C200] =	vst v63  }
0x69: {  	_ =	swait.ge [sflag:s4], $0x1000  }
0x6a: {  	[sflag:s4] =	ssyncset.done $0x0  }
0x6b: {  	s11 =	rddreg [dreg:$0x13];
	[sflag:s4] =	ssyncadd.s32 $0xFFFFF000  }
0x6c: {  	[spmem:s11] =	stream.linear.scatter [tilespmem:s9], [sflag:$0x5], $0x1000, $0x38;
	[tilespmem:$0x1C200] =	vst v63  }
0x6d: {  	_ =	swait.ge [sflag:s4], $0x1000  }
0x6e: {  	[sflag:s4] =	ssyncset.done $0x0  }
0x6f: {  	s17 =	simm.s32 $0x5;
	s13 =	rddreg [dreg:$0x14];
	[sflag:s4] =	ssyncadd.s32 $0xFFFFF000  }
0x70: {  	[spmem:s13] =	stream.linear.scatter [tilespmem:s2], [sflag:$0x5], $0x1000, $0x38;
	[tilespmem:$0x1C200] =	vst v63  }
0x71: {  	_ =	swait.ge [sflag:s17], $0x1000  }
0x72: {  	[sflag:s17] =	ssyncset.done $0x0  }
0x73: {  	[sflag:s17] =	ssyncadd.s32 $0xFFFFF000  }
0x74: {  	_ =	swait.ge [sflag:s17], $0x1000  }
0x75: {  	[sflag:s17] =	ssyncset.done $0x0  }
0x76: {  	[sflag:s17] =	ssyncadd.s32 $0xFFFFF000  }
0x77: {  	_ =	swait.ge [sflag:s17], $0x200  }
0x78: {  	[sflag:s17] =	ssyncset.done $0x0  }
0x79: {  	[sflag:s17] =	ssyncadd.s32 $0xFFFFFE00  }
0x7a: {  	s20 =	simm.s32 $0x200;
	[bflag:$0x0] =	sbarrier.arrive $0xFFFF  }
0x7b: {  	[tilespmem:s20], [sflag:$0x2] =	stream.indirect.gather [spmem:s15], $0x80, s3, s29, $0xb8;
	[tilespmem:$0x1C200] =	vst v63  }
0x7c: {  	s21 =	simm.s32 $0x2200  }
0x7d: {  	[tilespmem:s21], [sflag:$0x2] =	stream.indirect.gather [spmem:s15], $0x80, s29, s29, $0xb8;
	[tilespmem:$0x1C200] =	vst v63  }
0x7e: {  	s22 =	simm.s32 $0x80;
	s23 =	simm.s32 $0x4200  }
0x7f: {  	[tilespmem:s23], [sflag:$0x2] =	stream.indirect.gather [spmem:s15], $0x80, s22, s29, $0xb8;
	[tilespmem:$0x1C200] =	vst v63  }
0x80: {  	_ =	swait.ge [sflag:s30], $0x2000  }
0x81: {  	[sflag:s30] =	ssyncset.done $0x0  }
0x82: {  	[sflag:s30] =	ssyncadd.s32 $0xFFFFE000  }
0x83: {  	_ =	swait.ge [sflag:s19], $0x2000  }
0x84: {  	[sflag:s19] =	ssyncset.done $0x0  }
0x85: {  	s20 =	simm.s32 $0x300;
	[sflag:s19] =	ssyncadd.s32 $0xFFFFE000  }
0x86: {  	s24 =	sand.u32 $0x7, s3;
	v0 =	vld [tilespmem:s20+$0x80]  }
0x87: {  	p0 =	por $0x0, $0x0;
	s1 =	simm.s32 $0x1;
	s0 =	sshll.u32 s24, $0x7;
	v1 =	vld [tilespmem:s20+$0xFFFFFF00]  }
0x88: {  	s1 =	simm.s32 @!p0 $0x0;
	s0 =	sadd.s32 $0x0, s0  }
0x89: {  	s1 =	sshll.u32 s1, $0x9;
	s26 =	sadd.s32 $0x180, s0  }
0x8a: {  	s1 =	sadd.s32 $0x0, s1;
	s5 =	sor.u32 $0x400, s26;
	v2 =	vld [tilespmem:s20+$0xFFFFFF80]  }
0x8b: {  	s31 =	sor.u32 $0x400, s1;
	v3 =	vld [tilespmem:s20+$0x0];
	[tilespmem:s5+$0x8200] =	vst v0  }
0x8c: {  	s2 =	sand.u32 $0x3, s3;
	[tilespmem:s31+$0x8200] =	vst v1;
	v0 =	vld [tilespmem:s20+$0x90]  }
0x8d: {  	s0 =	sadd.s32 $0x80, s0;
	s5 =	sshll.u32 s2, $0x8;
	v1 =	vld [tilespmem:s20+$0xFFFFFF10]  }
0x8e: {  	s6 =	sor.u32 $0x400, s0;
	s29 =	sadd.s32 $0x100, s5  }
0x8f: {  	[tilespmem:s6+$0x8200] =	vst v2;
	s7 =	sor.u32 $0x400, s29  }
0x90: {  	s6 =	sor.u32 $0x410, s26;
	v2 =	vld [tilespmem:s20+$0xFFFFFF90];
	[tilespmem:s7+$0x8200] =	vst v3  }
0x91: {  	s8 =	sor.u32 $0x410, s1;
	v3 =	vld [tilespmem:s20+$0x10];
	[tilespmem:s6+$0x8200] =	vst v0  }
0x92: {  	[tilespmem:s8+$0x8200] =	vst v1;
	v0 =	vld [tilespmem:s20+$0xA0]  }
0x93: {  	p0 =	por !p0, !p0;
	s17 =	simm.s32 $0x4;
	s7 =	simm.s32 $0x500;
	v1 =	vld [tilespmem:s20+$0xFFFFFF20]  }
0x94: {  	s9 =	sor.u32 $0x410, s0;
	s11 =	sor.u32 $0x420, s26;
	s10 =	sand.u32 $0x7, s17;
	v4 =	vld [tilespmem:s7+$0x80]  }
0x95: {  	s5 =	sshll.u32 s10, $0x7;
	v5 =	vld [tilespmem:s7+$0xFFFFFF00];
	[tilespmem:s9+$0x8200] =	vst v2;
	s8 =	simm.s32 $0x1;
	s9 =	sor.u32 $0x410, s29  }
0x96: {  	s13 =	sor.u32 $0x420, s1;
	s5 =	sadd.s32 $0x400, s5;
	v2 =	vld [tilespmem:s20+$0xFFFFFFA0];
	s8 =	simm.s32 @!p0 $0x0;
	[tilespmem:s9+$0x8200] =	vst v3  }
0x97: {  	s15 =	simm.s32 $0x2;
	s8 =	sshll.u32 s8, $0x9;
	s9 =	sadd.s32 $0x180, s5;
	v3 =	vld [tilespmem:s7+$0x0];
	[tilespmem:s11+$0x8200] =	vst v0  }
0x98: {  	s6 =	sand.u32 $0x3, s15;
	s22 =	sadd.s32 $0x400, s8;
	s21 =	sor.u32 $0x400, s9;
	[tilespmem:s13+$0x8200] =	vst v1;
	v1 =	vld [tilespmem:s7+$0xFFFFFF80]  }
0x99: {  	s6 =	sshll.u32 s6, $0x8;
	s23 =	sor.u32 $0x400, s22;
	[tilespmem:s21+$0x8200] =	vst v4;
	v0 =	vld [tilespmem:s20+$0xB0]  }
0x9a: {  	v4 =	vld [tilespmem:s20+$0x20];
	[tilespmem:s23+$0x8200] =	vst v5;
	s21 =	sadd.s32 $0x500, s6;
	s11 =	sor.u32 $0x420, s0  }
0x9b: {  	s24 =	sadd.s32 $0x80, s5;
	v5 =	vld [tilespmem:s7+$0x90];
	s6 =	sor.u32 $0x400, s21;
	[tilespmem:s11+$0x8200] =	vst v2  }
0x9c: {  	s4 =	sor.u32 $0x430, s26;
	s5 =	sor.u32 $0x400, s24;
	v6 =	vld [tilespmem:s7+$0xFFFFFF10];
	[tilespmem:s6+$0x8200] =	vst v3  }
0x9d: {  	s1 =	sor.u32 $0x430, s1;
	s26 =	sor.u32 $0x420, s29;
	s8 =	sor.u32 $0x410, s24;
	v3 =	vld [tilespmem:s7+$0x10];
	[tilespmem:s5+$0x8200] =	vst v1  }
0x9e: {  	s28 =	sor.u32 $0x410, s22;
	s31 =	sor.u32 $0x410, s9;
	s23 =	simm.s32 $0x500;
	[tilespmem:s4+$0x8200] =	vst v0;
	v0 =	vld [tilespmem:s20+$0xFFFFFF30]  }
0x9f: {  	s0 =	sor.u32 $0x430, s0;
	s11 =	sor.u32 $0x430, s24;
	s6 =	sor.u32 $0x420, s24;
	[tilespmem:s26+$0x8200] =	vst v4;
	v2 =	vld [tilespmem:s7+$0xFFFFFF90]  }
0xa0: {  	s24 =	simm.s32 $0x500;
	s26 =	sor.u32 $0x420, s22;
	s22 =	sor.u32 $0x430, s22;
	[tilespmem:s31+$0x8200] =	vst v5;
	v1 =	vld [tilespmem:s20+$0xFFFFFFB0]  }
0xa1: {  	s5 =	simm.s32 $0x400;
	[tilespmem:s28+$0x8200] =	vst v6;
	s28 =	simm.s32 $0x4;
	s4 =	simm.s32 $0x4;
	v4 =	vld [tilespmem:s7+$0xA0]  }
.LBB2_2:
0xa2: {  	s2 =	sand.u32 $0x3, s28;
	s23 =	sadd.s32 $0x400, s23  }
0xa3: {  	v5 =	vld [tilespmem:s7+$0xFFFFFF20];
	p0 =	por !p0, !p0;
	[tilespmem:s1+$0x8200] =	vst v0;
	s1 =	sshll.u32 s2, $0x8;
	s2 =	simm.s32 $0x1  }
0xa4: {  	[tilespmem:s8+$0x8200] =	vst v2;
	s8 =	sor.u32 $0x410, s21;
	v0 =	vld [tilespmem:s20+$0x30];
	s2 =	simm.s32 @!p0 $0x0  }
0xa5: {  	s17 =	sadd.s32 $0x4, s17;
	s7 =	sadd.s32 $0x200, s7;
	s2 =	sshll.u32 s2, $0x9;
	v2 =	vld [tilespmem:s24+$0xFFFFFFA0];
	[tilespmem:s8+$0x8200] =	vst v3  }
0xa6: {  	s4 =	sadd.s32 $0x4, s4;
	s20 =	sor.u32 $0x420, s9;
	s8 =	sand.u32 $0x7, s17;
	v3 =	vld [tilespmem:s7+$0x80];
	[tilespmem:s0+$0x8200] =	vst v1  }
0xa7: {  	s5 =	sadd.s32 $0x400, s5;
	p1 =	slt.u32 s4, $0x3C;
	s0 =	sshll.u32 s8, $0x7;
	v1 =	vld [tilespmem:s7+$0xFFFFFF00];
	[tilespmem:s20+$0x8200] =	vst v4  }
0xa8: {  	s2 =	sadd.s32 s2, s5;
	s8 =	sor.u32 $0x430, s29;
	s0 =	sadd.s32 s0, s5;
	[tilespmem:s26+$0x8200] =	vst v5;
	v4 =	vld [tilespmem:s24+$0xB0]  }
0xa9: {  	s20 =	sor.u32 $0x400, s2;
	s29 =	sadd.s32 $0x80, s0;
	s0 =	sadd.s32 $0x180, s0;
	v5 =	vld [tilespmem:s7+$0xFFFFFF80];
	[tilespmem:s8+$0x8200] =	vst v0  }
0xaa: {  	s31 =	sor.u32 $0x400, s29;
	s8 =	sor.u32 $0x410, s29;
	s13 =	sor.u32 $0x400, s0;
	v6 =	vld [tilespmem:s7+$0x0];
	[tilespmem:s6+$0x8200] =	vst v2  }
0xab: {  	s15 =	sor.u32 $0x410, s2;
	s26 =	sor.u32 $0x420, s2;
	s6 =	sor.u32 $0x420, s29;
	[tilespmem:s13+$0x8200] =	vst v3;
	v7 =	vld [tilespmem:s24+$0x20]  }
0xac: {  	s9 =	sor.u32 $0x430, s9;
	s2 =	sor.u32 $0x430, s2;
	s13 =	sor.u32 $0x430, s29;
	[tilespmem:s20+$0x8200] =	vst v1;
	v1 =	vld [tilespmem:s7+$0x90]  }
0xad: {  	s10 =	sadd.s32 s1, s23;
	s20 =	smov.u32 s24;
	s24 =	smov.u32 s7;
	v8 =	vld [tilespmem:s7+$0xFFFFFF10];
	[tilespmem:s9+$0x8200] =	vst v4  }
.Ltmp0:
0xae: {  	s1 =	sor.u32 $0x400, s10;
	s9 =	smov.u32 s0;
	[tilespmem:s31+$0x8200] =	vst v5;
	v0 =	vld [tilespmem:s20+$0xFFFFFF30];
	(pc) =	sbr.rel @p1 .LBB2_2-.Ltmp0, $4  }
0xaf: {  	s0 =	sor.u32 $0x420, s21;
	v2 =	vld [tilespmem:s7+$0xFFFFFF90];
	[tilespmem:s1+$0x8200] =	vst v6;
	s1 =	smov.u32 s22;
	s22 =	smov.u32 s2  }
0xb0: {  	s2 =	sor.u32 $0x410, s9;
	v3 =	vld [tilespmem:s7+$0x10];
	[tilespmem:s0+$0x8200] =	vst v7;
	s0 =	smov.u32 s11;
	s11 =	smov.u32 s13  }
0xb1: {  	s29 =	smov.u32 s21;
	s21 =	smov.u32 s10;
	[tilespmem:s2+$0x8200] =	vst v1;
	v1 =	vld [tilespmem:s20+$0xFFFFFFB0]  }
0xb2: {  	s28 =	sadd.s32 $0x2, s28;
	[tilespmem:s15+$0x8200] =	vst v8;
	v4 =	vld [tilespmem:s7+$0xA0]  }
0xb3: {  	_ = 	snop  }
0xb4: {  	v5 =	vld [tilespmem:s7+$0xFFFFFF20];
	s2 =	sor.u32 $0x410, s21;
	[tilespmem:s8+$0x8200] =	vst v2  }
0xb5: {  	v2 =	vld [tilespmem:s24+$0xFFFFFFA0];
	[tilespmem:s2+$0x8200] =	vst v3  }
0xb6: {  	v3 =	vld [tilespmem:s24+$0x20]  }
0xb7: {  	[tilespmem:s1+$0x8200] =	vst v0;
	s5 =	sor.u32 $0x420, s9  }
0xb8: {  	v0 =	vld [tilespmem:s20+$0x30];
	[tilespmem:s5+$0x8200] =	vst v4  }
0xb9: {  	[tilespmem:s26+$0x8200] =	vst v5;
	v4 =	vld [tilespmem:s24+$0xB0]  }
0xba: {  	[tilespmem:s6+$0x8200] =	vst v2;
	v2 =	vld [tilespmem:s24+$0xFFFFFF30];
	s6 =	sor.u32 $0x420, s21  }
0xbb: {  	[tilespmem:s6+$0x8200] =	vst v3;
	v3 =	vld [tilespmem:s24+$0xFFFFFFB0]  }
0xbc: {  	s7 =	sor.u32 $0x430, s29;
	[tilespmem:s0+$0x8200] =	vst v1;
	v1 =	vld [tilespmem:s24+$0x30]  }
0xbd: {  	s8 =	sor.u32 $0x430, s9;
	[tilespmem:s7+$0x8200] =	vst v0  }
0xbe: {  	[tilespmem:s8+$0x8200] =	vst v4  }
0xbf: {  	[tilespmem:s22+$0x8200] =	vst v2  }
0xc0: {  	s9 =	sor.u32 $0x430, s21;
	[tilespmem:s11+$0x8200] =	vst v3  }
0xc1: {  	[tilespmem:s9+$0x8200] =	vst v1  }
0xc2: {  	s1 =	simm.s32 $0x0;
	s13 =	simm.s32 $0x8200;
	s0 =	rddreg [dreg:$0x9]  }
0xc3: {  	[hbm4b:s0+s1] =	stream.linear.scatter [tilespmem:s13], [sflag:$0x3], $0x4000, $0x38;
	[tilespmem:$0x1C200] =	vst v63  }
0xc4: {  	s29 =	simm.s32 $0x14200;
	s2 =	rddreg [dreg:$0xa]  }
0xc5: {  	[tilespmem:s29], [sflag:$0x1] =	stream.linear.gather [hbm4b:s2+s1], $0x400, $0x38;
	[tilespmem:$0x1C200] =	vst v63  }
0xc6: {  	s4 =	simm.s32 $0x14A00;
	s10 =	sadd.s32 $0x100, s2  }
0xc7: {  	[tilespmem:s4], [sflag:$0x1] =	stream.linear.gather [hbm4b:s10+s1], $0x400, $0x38;
	[tilespmem:$0x1C200] =	vst v63  }
0xc8: {  	s15 =	simm.s32 $0x15200;
	s11 =	sadd.s32 $0x200, s2  }
0xc9: {  	[tilespmem:s15], [sflag:$0x1] =	stream.linear.gather [hbm4b:s11+s1], $0x400, $0x38;
	[tilespmem:$0x1C200] =	vst v63  }
0xca: {  	s20 =	simm.s32 $0x15A00;
	s17 =	sadd.s32 $0x300, s2  }
0xcb: {  	[tilespmem:s20], [sflag:$0x1] =	stream.linear.gather [hbm4b:s17+s1], $0x400, $0x38;
	[tilespmem:$0x1C200] =	vst v63  }
0xcc: {  	s22 =	simm.s32 $0x16200;
	s21 =	sadd.s32 $0x400, s2  }
0xcd: {  	[tilespmem:s22], [sflag:$0x1] =	stream.linear.gather [hbm4b:s21+s1], $0x400, $0x38;
	[tilespmem:$0x1C200] =	vst v63  }
0xce: {  	s24 =	simm.s32 $0x16A00;
	s23 =	sadd.s32 $0x500, s2  }
0xcf: {  	[tilespmem:s24], [sflag:$0x1] =	stream.linear.gather [hbm4b:s23+s1], $0x400, $0x38;
	[tilespmem:$0x1C200] =	vst v63  }
0xd0: {  	s31 =	simm.s32 $0x17200;
	s26 =	sadd.s32 $0x600, s2  }
0xd1: {  	[tilespmem:s31], [sflag:$0x1] =	stream.linear.gather [hbm4b:s26+s1], $0x400, $0x38;
	[tilespmem:$0x1C200] =	vst v63  }
0xd2: {  	s28 =	simm.s32 $0x40;
	s6 =	simm.s32 $0x17A00;
	s5 =	sadd.s32 $0x700, s2  }
0xd3: {  	[tilespmem:s6], [sflag:$0x1] =	stream.linear.gather [hbm4b:s5+s1], $0x400, $0x38;
	[tilespmem:$0x1C200] =	vst v63  }
0xd4: {  	s7 =	simm.s32 $0xC0;
	s8 =	simm.s32 $0x6200;
	s10 =	rddreg [dreg:$0x2]  }
0xd5: {  	[tilespmem:s8], [sflag:$0x2] =	stream.indirect.gather [spmem:s10], $0x80, s7, s28, $0xb8;
	[tilespmem:$0x1C200] =	vst v63  }
0xd6: {  	_ =	swait.ge [sflag:s30], $0x2000  }
0xd7: {  	[sflag:s30] =	ssyncset.done $0x0  }
0xd8: {  	[sflag:s30] =	ssyncadd.s32 $0xFFFFE000  }
0xd9: {  	_ =	swait.ge [sflag:s19], $0x2000  }
0xda: {  	[sflag:s19] =	ssyncset.done $0x0  }
0xdb: {  	s23 =	simm.s32 $0x23B0;
	[sflag:s19] =	ssyncadd.s32 $0xFFFFE000  }
0xdc: {  	p0 =	por $0x0, $0x0;
	s9 =	sand.u32 $0x7, s1;
	s2 =	simm.s32 $0x1;
	v1 =	vld [tilespmem:s23+$0xFFFFFE50]  }
0xdd: {  	s0 =	sshll.u32 s9, $0x7;
	s2 =	simm.s32 @!p0 $0x0  }
0xde: {  	s2 =	sshll.u32 s2, $0x9;
	s11 =	sadd.s32 $0x0, s0;
	v0 =	vld [tilespmem:s23+$0xFFFFFFD0]  }
0xdf: {  	s0 =	sadd.s32 $0x180, s11;
	s20 =	sadd.s32 $0x0, s2;
	v2 =	vld [tilespmem:s23+$0xFFFFFED0]  }
0xe0: {  	s15 =	sor.u32 $0x4400, s0;
	s0 =	sor.u32 $0x4400, s20  }
0xe1: {  	[tilespmem:s0+$0x8200] =	vst v1  }
0xe2: {  	s21 =	sadd.s32 $0x80, s11;
	v1 =	vld [tilespmem:s23+$0xFFFFFE60]  }
0xe3: {  	s7 =	sor.u32 $0x4400, s21;
	v3 =	vld [tilespmem:s23+$0xFFFFFF50];
	[tilespmem:s15+$0x8200] =	vst v0  }
0xe4: {  	s1 =	sand.u32 $0x3, s1;
	[tilespmem:s7+$0x8200] =	vst v2;
	v0 =	vld [tilespmem:s23+$0xFFFFFFE0]  }
0xe5: {  	s17 =	simm.s32 $0x25B0;
	s20 =	simm.s32 $0x4;
	s1 =	sshll.u32 s1, $0x8;
	v2 =	vld [tilespmem:s23+$0xFFFFFEE0]  }
0xe6: {  	p0 =	por !p0, !p0;
	s22 =	sand.u32 $0x7, s20;
	s1 =	sadd.s32 $0x100, s1;
	v4 =	vld [tilespmem:s17+$0xFFFFFFD0]  }
0xe7: {  	s2 =	simm.s32 $0x1;
	s9 =	sor.u32 $0x4400, s1;
	s1 =	sshll.u32 s22, $0x7;
	v5 =	vld [tilespmem:s17+$0xFFFFFE50];
	[tilespmem:s0+$0x8210] =	vst v1  }
0xe8: {  	s2 =	simm.s32 @!p0 $0x0;
	s1 =	sadd.s32 $0x400, s1;
	[tilespmem:s9+$0x8200] =	vst v3;
	v1 =	vld [tilespmem:s23+$0xFFFFFE70]  }
0xe9: {  	s2 =	sshll.u32 s2, $0x9;
	s24 =	sadd.s32 $0x180, s1;
	v3 =	vld [tilespmem:s23+$0xFFFFFF60];
	[tilespmem:s15+$0x8210] =	vst v0  }
0xea: {  	s2 =	sadd.s32 $0x400, s2;
	s21 =	sor.u32 $0x4400, s24;
	[tilespmem:s7+$0x8210] =	vst v2;
	v0 =	vld [tilespmem:s23+$0xFFFFFFF0]  }
0xeb: {  	s22 =	sor.u32 $0x4400, s2;
	[tilespmem:s21+$0x8200] =	vst v4;
	v2 =	vld [tilespmem:s23+$0xFFFFFEF0]  }
0xec: {  	[tilespmem:s22+$0x8200] =	vst v5;
	v5 =	vld [tilespmem:s17+$0xFFFFFFE0]  }
0xed: {  	[tilespmem:s0+$0x8220] =	vst v1;
	v1 =	vld [tilespmem:s17+$0xFFFFFED0]  }
0xee: {  	v6 =	vld [tilespmem:s17+$0xFFFFFE60];
	[tilespmem:s9+$0x8210] =	vst v3  }
0xef: {  	s4 =	simm.s32 $0x2;
	v3 =	vld [tilespmem:s17+$0xFFFFFF50];
	[tilespmem:s15+$0x8220] =	vst v0  }
0xf0: {  	s26 =	sand.u32 $0x3, s4;
	s1 =	sadd.s32 $0x80, s1;
	[tilespmem:s7+$0x8220] =	vst v2;
	v2 =	vld [tilespmem:s23+$0xFFFFFF70]  }
0xf1: {  	s2 =	sshll.u32 s26, $0x8;
	s5 =	sor.u32 $0x4400, s1;
	[tilespmem:s21+$0x8210] =	vst v5;
	v0 =	vld [tilespmem:s23+$0x0]  }
0xf2: {  	s31 =	sadd.s32 $0x500, s2;
	[tilespmem:s5+$0x8200] =	vst v1;
	v1 =	vld [tilespmem:s23+$0xFFFFFE80]  }
0xf3: {  	s6 =	sor.u32 $0x4400, s31;
	[tilespmem:s22+$0x8210] =	vst v6;
	v7 =	vld [tilespmem:s17+$0xFFFFFEE0]  }
0xf4: {  	[tilespmem:s6+$0x8200] =	vst v3;
	v3 =	vld [tilespmem:s17+$0xFFFFFFF0]  }
0xf5: {  	v4 =	vld [tilespmem:s17+$0xFFFFFF60];
	[tilespmem:s9+$0x8220] =	vst v2  }
0xf6: {  	[tilespmem:s15+$0x8230] =	vst v0;
	v0 =	vld [tilespmem:s23+$0xFFFFFF00]  }
0xf7: {  	p0 =	por !p0, !p0;
	s11 =	simm.s32 $0x4;
	v2 =	vld [tilespmem:s17+$0xFFFFFE70];
	[tilespmem:s0+$0x8230] =	vst v1  }
0xf8: {  	s26 =	simm.s32 $0x500;
	s24 =	simm.s32 $0x400;
	v1 =	vld [tilespmem:s23+$0xFFFFFF80];
	s0 =	simm.s32 $0x25B0;
	[tilespmem:s5+$0x8210] =	vst v7  }
.LBB2_4:
0xf9: {  	s1 =	simm.s32 $0x1  }
0xfa: {  	v5 =	vld [tilespmem:s17+$0xFFFFFEF0];
	[tilespmem:s6+$0x8210] =	vst v4;
	s20 =	sadd.s32 $0x4, s20;
	s0 =	sadd.s32 $0x200, s0;
	s1 =	simm.s32 @!p0 $0x0  }
0xfb: {  	s11 =	sadd.s32 $0x4, s11;
	s2 =	sand.u32 $0x7, s20;
	s1 =	sshll.u32 s1, $0x9;
	v4 =	vld [tilespmem:s0+$0xFFFFFFD0];
	[tilespmem:s7+$0x8230] =	vst v0  }
0xfc: {  	s24 =	sadd.s32 $0x400, s24;
	p1 =	slt.u32 s11, $0x3C;
	s2 =	sshll.u32 s2, $0x7;
	v0 =	vld [tilespmem:s0+$0xFFFFFE50];
	[tilespmem:s21+$0x8220] =	vst v3  }
0xfd: {  	s7 =	smov.u32 s5;
	s2 =	sadd.s32 s2, s24;
	s1 =	sadd.s32 s1, s24;
	[tilespmem:s22+$0x8220] =	vst v2;
	v2 =	vld [tilespmem:s17+$0x0]  }
0xfe: {  	s1 =	sor.u32 $0x4400, s1;
	s5 =	sadd.s32 $0x80, s2;
	s2 =	sadd.s32 $0x180, s2;
	v3 =	vld [tilespmem:s0+$0xFFFFFED0];
	[tilespmem:s9+$0x8230] =	vst v1  }
0xff: {  	s4 =	sadd.s32 $0x2, s4;
	s5 =	sor.u32 $0x4400, s5;
	s2 =	sor.u32 $0x4400, s2;
	v1 =	vld [tilespmem:s0+$0xFFFFFF50];
	[tilespmem:s7+$0x8220] =	vst v5  }
0x100: {  	s8 =	sand.u32 $0x3, s4;
	s9 =	smov.u32 s6;
	[tilespmem:s2+$0x8200] =	vst v4;
	v5 =	vld [tilespmem:s17+$0xFFFFFF70]  }
0x101: {  	s26 =	sadd.s32 $0x400, s26;
	s6 =	sshll.u32 s8, $0x8;
	[tilespmem:s1+$0x8200] =	vst v0;
	v0 =	vld [tilespmem:s0+$0xFFFFFFE0]  }
0x102: {  	s6 =	sadd.s32 s6, s26;
	v6 =	vld [tilespmem:s0+$0xFFFFFE60];
	[tilespmem:s21+$0x8230] =	vst v2;
	s21 =	smov.u32 s2  }
0x103: {  	s6 =	sor.u32 $0x4400, s6;
	[tilespmem:s5+$0x8200] =	vst v3;
	v7 =	vld [tilespmem:s17+$0xFFFFFE80]  }
0x104: {  	v8 =	vld [tilespmem:s0+$0xFFFFFEE0];
	[tilespmem:s6+$0x8200] =	vst v1  }
.Ltmp1:
0x105: {  	v4 =	vld [tilespmem:s0+$0xFFFFFF60];
	[tilespmem:s9+$0x8220] =	vst v5;
	(pc) =	sbr.rel @p1 .LBB2_4-.Ltmp1, $4  }
0x106: {  	[tilespmem:s21+$0x8210] =	vst v0;
	v0 =	vld [tilespmem:s17+$0xFFFFFF00]  }
0x107: {  	[tilespmem:s1+$0x8210] =	vst v6;
	v3 =	vld [tilespmem:s0+$0xFFFFFFF0]  }
0x108: {  	v2 =	vld [tilespmem:s0+$0xFFFFFE70];
	[tilespmem:s22+$0x8230] =	vst v7;
	s22 =	smov.u32 s1  }
0x109: {  	p0 =	por !p0, !p0;
	[tilespmem:s5+$0x8210] =	vst v8;
	v1 =	vld [tilespmem:s17+$0xFFFFFF80];
	s17 =	smov.u32 s0  }
0x10a: {  	v5 =	vld [tilespmem:s17+$0xFFFFFEF0];
	[tilespmem:s6+$0x8210] =	vst v4  }
0x10b: {  	v4 =	vld [tilespmem:s17+$0xFFFFFF70];
	_ =	sdelay $0x1  }
0x10c: {  	[tilespmem:s21+$0x8220] =	vst v3  }
0x10d: {  	[tilespmem:s22+$0x8220] =	vst v2;
	v2 =	vld [tilespmem:s17+$0x0]  }
0x10e: {  	v3 =	vld [tilespmem:s17+$0xFFFFFE80];
	[tilespmem:s5+$0x8220] =	vst v5  }
0x10f: {  	[tilespmem:s6+$0x8220] =	vst v4;
	v4 =	vld [tilespmem:s17+$0xFFFFFF00]  }
0x110: {  	[tilespmem:s7+$0x8230] =	vst v0;
	v0 =	vld [tilespmem:s17+$0xFFFFFF80]  }
0x111: {  	[tilespmem:s9+$0x8230] =	vst v1  }
0x112: {  	[tilespmem:s21+$0x8230] =	vst v2  }
0x113: {  	[tilespmem:s22+$0x8230] =	vst v3  }
0x114: {  	[tilespmem:s5+$0x8230] =	vst v4  }
0x115: {  	[tilespmem:s6+$0x8230] =	vst v0  }
0x116: {  	s1 =	simm.s32 $0x0;
	s15 =	simm.s32 $0xC200;
	s0 =	rddreg [dreg:$0xb]  }
0x117: {  	[hbm4b:s0+s1] =	stream.linear.scatter [tilespmem:s15], [sflag:$0x3], $0x4000, $0x38;
	[tilespmem:$0x1C200] =	vst v63  }
0x118: {  	_ =	swait.ge [sflag:s25], $0x4000  }
0x119: {  	[sflag:s25] =	ssyncset.done $0x0  }
0x11a: {  	[sflag:s25] =	ssyncadd.s32 $0xFFFFC000  }
0x11b: {  	[tilespmem:s13], [sflag:$0x1] =	stream.linear.gather [hbm4b:s12+s1], $0x400, $0x38;
	[tilespmem:$0x1C200] =	vst v63  }
0x11c: {  	s2 =	simm.s32 $0x8A00;
	s13 =	sadd.s32 $0x100, s12  }
0x11d: {  	[tilespmem:s2], [sflag:$0x1] =	stream.linear.gather [hbm4b:s13+s1], $0x400, $0x38;
	[tilespmem:$0x1C200] =	vst v63  }
0x11e: {  	s20 =	simm.s32 $0x9200;
	s17 =	sadd.s32 $0x200, s12  }
0x11f: {  	[tilespmem:s20], [sflag:$0x1] =	stream.linear.gather [hbm4b:s17+s1], $0x400, $0x38;
	[tilespmem:$0x1C200] =	vst v63  }
0x120: {  	s21 =	sadd.s32 $0x300, s12;
	s22 =	simm.s32 $0x9A00  }
0x121: {  	[tilespmem:s22], [sflag:$0x1] =	stream.linear.gather [hbm4b:s21+s1], $0x400, $0x38;
	[tilespmem:$0x1C200] =	vst v63  }
0x122: {  	s23 =	sadd.s32 $0x400, s12;
	s24 =	simm.s32 $0xA200  }
0x123: {  	[tilespmem:s24], [sflag:$0x1] =	stream.linear.gather [hbm4b:s23+s1], $0x400, $0x38;
	[tilespmem:$0x1C200] =	vst v63  }
0x124: {  	s26 =	sadd.s32 $0x500, s12;
	s31 =	simm.s32 $0xAA00  }
0x125: {  	[tilespmem:s31], [sflag:$0x1] =	stream.linear.gather [hbm4b:s26+s1], $0x400, $0x38;
	[tilespmem:$0x1C200] =	vst v63  }
0x126: {  	s4 =	sadd.s32 $0x600, s12;
	s5 =	simm.s32 $0xB200  }
0x127: {  	[tilespmem:s5], [sflag:$0x1] =	stream.linear.gather [hbm4b:s4+s1], $0x400, $0x38;
	[tilespmem:$0x1C200] =	vst v63  }
0x128: {  	s7 =	simm.s32 $0xBA00;
	s6 =	sadd.s32 $0x700, s12  }
0x129: {  	[tilespmem:s7], [sflag:$0x1] =	stream.linear.gather [hbm4b:s6+s1], $0x400, $0x38;
	[tilespmem:$0x1C200] =	vst v63  }
0x12a: {  	s8 =	simm.s32 $0x100;
	s9 =	simm.s32 $0x200  }
0x12b: {  	[tilespmem:s9], [sflag:$0x2] =	stream.indirect.gather [spmem:s10], $0x80, s8, s28, $0xb8;
	[tilespmem:$0x1C200] =	vst v63  }
0x12c: {  	_ =	swait.ge [sflag:s30], $0x2000  }
0x12d: {  	[sflag:s30] =	ssyncset.done $0x0  }
0x12e: {  	[sflag:s30] =	ssyncadd.s32 $0xFFFFE000  }
0x12f: {  	_ =	swait.ge [sflag:s19], $0x2000  }
0x130: {  	[sflag:s19] =	ssyncset.done $0x0  }
0x131: {  	s23 =	simm.s32 $0x43B0;
	[sflag:s19] =	ssyncadd.s32 $0xFFFFE000  }
0x132: {  	p0 =	por $0x0, $0x0;
	s11 =	sand.u32 $0x7, s1;
	s2 =	simm.s32 $0x1;
	v1 =	vld [tilespmem:s23+$0xFFFFFE50]  }
0x133: {  	s0 =	sshll.u32 s11, $0x7;
	s2 =	simm.s32 @!p0 $0x0  }
0x134: {  	s2 =	sshll.u32 s2, $0x9;
	s4 =	sadd.s32 $0x0, s0;
	v0 =	vld [tilespmem:s23+$0xFFFFFFD0]  }
0x135: {  	s20 =	sadd.s32 $0x0, s2;
	s0 =	sadd.s32 $0x180, s4;
	v2 =	vld [tilespmem:s23+$0xFFFFFED0]  }
0x136: {  	s13 =	sor.u32 $0x8400, s0;
	s0 =	sor.u32 $0x8400, s20  }
0x137: {  	[tilespmem:s0+$0x8200] =	vst v1  }
0x138: {  	s21 =	sadd.s32 $0x80, s4;
	v1 =	vld [tilespmem:s23+$0xFFFFFE60]  }
0x139: {  	s7 =	sor.u32 $0x8400, s21;
	v3 =	vld [tilespmem:s23+$0xFFFFFF50];
	[tilespmem:s13+$0x8200] =	vst v0  }
0x13a: {  	s1 =	sand.u32 $0x3, s1;
	[tilespmem:s7+$0x8200] =	vst v2;
	v0 =	vld [tilespmem:s23+$0xFFFFFFE0]  }
0x13b: {  	s17 =	simm.s32 $0x45B0;
	s20 =	simm.s32 $0x4;
	s1 =	sshll.u32 s1, $0x8;
	v2 =	vld [tilespmem:s23+$0xFFFFFEE0]  }
0x13c: {  	p0 =	por !p0, !p0;
	s22 =	sand.u32 $0x7, s20;
	s1 =	sadd.s32 $0x100, s1;
	v4 =	vld [tilespmem:s17+$0xFFFFFFD0]  }
0x13d: {  	s2 =	simm.s32 $0x1;
	s9 =	sor.u32 $0x8400, s1;
	s1 =	sshll.u32 s22, $0x7;
	v5 =	vld [tilespmem:s17+$0xFFFFFE50];
	[tilespmem:s0+$0x8210] =	vst v1  }
0x13e: {  	s2 =	simm.s32 @!p0 $0x0;
	s1 =	sadd.s32 $0x400, s1;
	[tilespmem:s9+$0x8200] =	vst v3;
	v1 =	vld [tilespmem:s23+$0xFFFFFE70]  }
0x13f: {  	s2 =	sshll.u32 s2, $0x9;
	s24 =	sadd.s32 $0x180, s1;
	v3 =	vld [tilespmem:s23+$0xFFFFFF60];
	[tilespmem:s13+$0x8210] =	vst v0  }
0x140: {  	s2 =	sadd.s32 $0x400, s2;
	s21 =	sor.u32 $0x8400, s24;
	[tilespmem:s7+$0x8210] =	vst v2;
	v0 =	vld [tilespmem:s23+$0xFFFFFFF0]  }
0x141: {  	s22 =	sor.u32 $0x8400, s2;
	[tilespmem:s21+$0x8200] =	vst v4;
	v2 =	vld [tilespmem:s23+$0xFFFFFEF0]  }
0x142: {  	[tilespmem:s22+$0x8200] =	vst v5;
	v5 =	vld [tilespmem:s17+$0xFFFFFFE0]  }
0x143: {  	[tilespmem:s0+$0x8220] =	vst v1;
	v1 =	vld [tilespmem:s17+$0xFFFFFED0]  }
0x144: {  	v6 =	vld [tilespmem:s17+$0xFFFFFE60];
	[tilespmem:s9+$0x8210] =	vst v3  }
0x145: {  	s4 =	simm.s32 $0x2;
	v3 =	vld [tilespmem:s17+$0xFFFFFF50];
	[tilespmem:s13+$0x8220] =	vst v0  }
0x146: {  	s26 =	sand.u32 $0x3, s4;
	s1 =	sadd.s32 $0x80, s1;
	[tilespmem:s7+$0x8220] =	vst v2;
	v2 =	vld [tilespmem:s23+$0xFFFFFF70]  }
0x147: {  	s2 =	sshll.u32 s26, $0x8;
	s5 =	sor.u32 $0x8400, s1;
	[tilespmem:s21+$0x8210] =	vst v5;
	v0 =	vld [tilespmem:s23+$0x0]  }
0x148: {  	s31 =	sadd.s32 $0x500, s2;
	[tilespmem:s5+$0x8200] =	vst v1;
	v1 =	vld [tilespmem:s23+$0xFFFFFE80]  }
0x149: {  	s6 =	sor.u32 $0x8400, s31;
	[tilespmem:s22+$0x8210] =	vst v6;
	v7 =	vld [tilespmem:s17+$0xFFFFFEE0]  }
0x14a: {  	[tilespmem:s6+$0x8200] =	vst v3;
	v3 =	vld [tilespmem:s17+$0xFFFFFFF0]  }
0x14b: {  	v4 =	vld [tilespmem:s17+$0xFFFFFF60];
	[tilespmem:s9+$0x8220] =	vst v2  }
0x14c: {  	[tilespmem:s13+$0x8230] =	vst v0;
	v0 =	vld [tilespmem:s23+$0xFFFFFF00]  }
0x14d: {  	s11 =	simm.s32 $0x4;
	p0 =	por !p0, !p0;
	s26 =	simm.s32 $0x500;
	v2 =	vld [tilespmem:s17+$0xFFFFFE70];
	[tilespmem:s0+$0x8230] =	vst v1  }
0x14e: {  	s24 =	simm.s32 $0x400;
	s13 =	simm.s32 $0x10200;
	v1 =	vld [tilespmem:s23+$0xFFFFFF80];
	s0 =	simm.s32 $0x45B0;
	[tilespmem:s5+$0x8210] =	vst v7  }
.LBB2_6:
0x14f: {  	s1 =	simm.s32 $0x1  }
0x150: {  	v5 =	vld [tilespmem:s17+$0xFFFFFEF0];
	[tilespmem:s6+$0x8210] =	vst v4;
	s20 =	sadd.s32 $0x4, s20;
	s0 =	sadd.s32 $0x200, s0;
	s1 =	simm.s32 @!p0 $0x0  }
0x151: {  	s11 =	sadd.s32 $0x4, s11;
	s2 =	sand.u32 $0x7, s20;
	s1 =	sshll.u32 s1, $0x9;
	v4 =	vld [tilespmem:s0+$0xFFFFFFD0];
	[tilespmem:s7+$0x8230] =	vst v0  }
0x152: {  	s24 =	sadd.s32 $0x400, s24;
	p1 =	slt.u32 s11, $0x3C;
	s2 =	sshll.u32 s2, $0x7;
	v0 =	vld [tilespmem:s0+$0xFFFFFE50];
	[tilespmem:s21+$0x8220] =	vst v3  }
0x153: {  	s7 =	smov.u32 s5;
	s2 =	sadd.s32 s2, s24;
	s1 =	sadd.s32 s1, s24;
	[tilespmem:s22+$0x8220] =	vst v2;
	v2 =	vld [tilespmem:s17+$0x0]  }
0x154: {  	s1 =	sor.u32 $0x8400, s1;
	s5 =	sadd.s32 $0x80, s2;
	s2 =	sadd.s32 $0x180, s2;
	v3 =	vld [tilespmem:s0+$0xFFFFFED0];
	[tilespmem:s9+$0x8230] =	vst v1  }
0x155: {  	s4 =	sadd.s32 $0x2, s4;
	s5 =	sor.u32 $0x8400, s5;
	s2 =	sor.u32 $0x8400, s2;
	v1 =	vld [tilespmem:s0+$0xFFFFFF50];
	[tilespmem:s7+$0x8220] =	vst v5  }
0x156: {  	s8 =	sand.u32 $0x3, s4;
	s9 =	smov.u32 s6;
	[tilespmem:s2+$0x8200] =	vst v4;
	v5 =	vld [tilespmem:s17+$0xFFFFFF70]  }
0x157: {  	s26 =	sadd.s32 $0x400, s26;
	s6 =	sshll.u32 s8, $0x8;
	[tilespmem:s1+$0x8200] =	vst v0;
	v0 =	vld [tilespmem:s0+$0xFFFFFFE0]  }
0x158: {  	s6 =	sadd.s32 s6, s26;
	v6 =	vld [tilespmem:s0+$0xFFFFFE60];
	[tilespmem:s21+$0x8230] =	vst v2;
	s21 =	smov.u32 s2  }
0x159: {  	s6 =	sor.u32 $0x8400, s6;
	[tilespmem:s5+$0x8200] =	vst v3;
	v7 =	vld [tilespmem:s17+$0xFFFFFE80]  }
0x15a: {  	v8 =	vld [tilespmem:s0+$0xFFFFFEE0];
	[tilespmem:s6+$0x8200] =	vst v1  }
.Ltmp2:
0x15b: {  	v4 =	vld [tilespmem:s0+$0xFFFFFF60];
	[tilespmem:s9+$0x8220] =	vst v5;
	(pc) =	sbr.rel @p1 .LBB2_6-.Ltmp2, $4  }
0x15c: {  	[tilespmem:s21+$0x8210] =	vst v0;
	v0 =	vld [tilespmem:s17+$0xFFFFFF00]  }
0x15d: {  	[tilespmem:s1+$0x8210] =	vst v6;
	v3 =	vld [tilespmem:s0+$0xFFFFFFF0]  }
0x15e: {  	v2 =	vld [tilespmem:s0+$0xFFFFFE70];
	[tilespmem:s22+$0x8230] =	vst v7;
	s22 =	smov.u32 s1  }
0x15f: {  	p0 =	por !p0, !p0;
	[tilespmem:s5+$0x8210] =	vst v8;
	v1 =	vld [tilespmem:s17+$0xFFFFFF80];
	s17 =	smov.u32 s0  }
0x160: {  	v5 =	vld [tilespmem:s17+$0xFFFFFEF0];
	[tilespmem:s6+$0x8210] =	vst v4  }
0x161: {  	v4 =	vld [tilespmem:s17+$0xFFFFFF70];
	_ =	sdelay $0x1  }
0x162: {  	[tilespmem:s21+$0x8220] =	vst v3  }
0x163: {  	[tilespmem:s22+$0x8220] =	vst v2;
	v2 =	vld [tilespmem:s17+$0x0]  }
0x164: {  	v3 =	vld [tilespmem:s17+$0xFFFFFE80];
	[tilespmem:s5+$0x8220] =	vst v5  }
0x165: {  	[tilespmem:s6+$0x8220] =	vst v4;
	v4 =	vld [tilespmem:s17+$0xFFFFFF00]  }
0x166: {  	[tilespmem:s7+$0x8230] =	vst v0;
	v0 =	vld [tilespmem:s17+$0xFFFFFF80]  }
0x167: {  	[tilespmem:s9+$0x8230] =	vst v1  }
0x168: {  	[tilespmem:s21+$0x8230] =	vst v2  }
0x169: {  	[tilespmem:s22+$0x8230] =	vst v3  }
0x16a: {  	[tilespmem:s5+$0x8230] =	vst v4  }
0x16b: {  	[tilespmem:s6+$0x8230] =	vst v0  }
0x16c: {  	s1 =	simm.s32 $0x0;
	s0 =	rddreg [dreg:$0xc]  }
0x16d: {  	[hbm4b:s0+s1] =	stream.linear.scatter [tilespmem:s13], [sflag:$0x3], $0x4000, $0x38;
	[tilespmem:$0x1C200] =	vst v63  }
0x16e: {  	_ =	swait.ge [sflag:s25], $0x4000  }
0x16f: {  	[sflag:s25] =	ssyncset.done $0x0  }
0x170: {  	[sflag:s25] =	ssyncadd.s32 $0xFFFFC000  }
0x171: {  	[tilespmem:s15], [sflag:$0x1] =	stream.linear.gather [hbm4b:s14+s1], $0x400, $0x38;
	[tilespmem:$0x1C200] =	vst v63  }
0x172: {  	s2 =	simm.s32 $0xCA00;
	s15 =	sadd.s32 $0x100, s14  }
0x173: {  	[tilespmem:s2], [sflag:$0x1] =	stream.linear.gather [hbm4b:s15+s1], $0x400, $0x38;
	[tilespmem:$0x1C200] =	vst v63  }
0x174: {  	s20 =	simm.s32 $0xD200;
	s17 =	sadd.s32 $0x200, s14  }
0x175: {  	[tilespmem:s20], [sflag:$0x1] =	stream.linear.gather [hbm4b:s17+s1], $0x400, $0x38;
	[tilespmem:$0x1C200] =	vst v63  }
0x176: {  	s21 =	sadd.s32 $0x300, s14;
	s22 =	simm.s32 $0xDA00  }
0x177: {  	[tilespmem:s22], [sflag:$0x1] =	stream.linear.gather [hbm4b:s21+s1], $0x400, $0x38;
	[tilespmem:$0x1C200] =	vst v63  }
0x178: {  	s23 =	sadd.s32 $0x400, s14;
	s24 =	simm.s32 $0xE200  }
0x179: {  	[tilespmem:s24], [sflag:$0x1] =	stream.linear.gather [hbm4b:s23+s1], $0x400, $0x38;
	[tilespmem:$0x1C200] =	vst v63  }
0x17a: {  	s26 =	sadd.s32 $0x500, s14;
	s31 =	simm.s32 $0xEA00  }
0x17b: {  	[tilespmem:s31], [sflag:$0x1] =	stream.linear.gather [hbm4b:s26+s1], $0x400, $0x38;
	[tilespmem:$0x1C200] =	vst v63  }
0x17c: {  	s4 =	sadd.s32 $0x600, s14;
	s5 =	simm.s32 $0xF200  }
0x17d: {  	[tilespmem:s5], [sflag:$0x1] =	stream.linear.gather [hbm4b:s4+s1], $0x400, $0x38;
	[tilespmem:$0x1C200] =	vst v63  }
0x17e: {  	s7 =	simm.s32 $0xFA00;
	s6 =	sadd.s32 $0x700, s14  }
0x17f: {  	[tilespmem:s7], [sflag:$0x1] =	stream.linear.gather [hbm4b:s6+s1], $0x400, $0x38;
	[tilespmem:$0x1C200] =	vst v63  }
0x180: {  	s8 =	simm.s32 $0x2200;
	s9 =	simm.s32 $0x140  }
0x181: {  	[tilespmem:s8], [sflag:$0x2] =	stream.indirect.gather [spmem:s10], $0x80, s9, s28, $0xb8;
	[tilespmem:$0x1C200] =	vst v63  }
0x182: {  	_ =	swait.ge [sflag:s30], $0x2000  }
0x183: {  	[sflag:s30] =	ssyncset.done $0x0  }
0x184: {  	[sflag:s30] =	ssyncadd.s32 $0xFFFFE000  }
0x185: {  	_ =	swait.ge [sflag:s19], $0x2000  }
0x186: {  	[sflag:s19] =	ssyncset.done $0x0  }
0x187: {  	s23 =	simm.s32 $0x63B0;
	[sflag:s19] =	ssyncadd.s32 $0xFFFFE000  }
0x188: {  	p0 =	por $0x0, $0x0;
	s11 =	sand.u32 $0x7, s1;
	s2 =	simm.s32 $0x1;
	v1 =	vld [tilespmem:s23+$0xFFFFFE50]  }
0x189: {  	s0 =	sshll.u32 s11, $0x7;
	s2 =	simm.s32 @!p0 $0x0  }
0x18a: {  	s2 =	sshll.u32 s2, $0x9;
	s4 =	sadd.s32 $0x0, s0;
	v0 =	vld [tilespmem:s23+$0xFFFFFFD0]  }
0x18b: {  	s20 =	sadd.s32 $0x0, s2;
	s0 =	sadd.s32 $0x180, s4;
	v2 =	vld [tilespmem:s23+$0xFFFFFED0]  }
0x18c: {  	s15 =	sor.u32 $0xC400, s0;
	s0 =	sor.u32 $0xC400, s20  }
0x18d: {  	[tilespmem:s0+$0x8200] =	vst v1  }
0x18e: {  	s21 =	sadd.s32 $0x80, s4;
	v1 =	vld [tilespmem:s23+$0xFFFFFE60]  }
0x18f: {  	s7 =	sor.u32 $0xC400, s21;
	v3 =	vld [tilespmem:s23+$0xFFFFFF50];
	[tilespmem:s15+$0x8200] =	vst v0  }
0x190: {  	s1 =	sand.u32 $0x3, s1;
	[tilespmem:s7+$0x8200] =	vst v2;
	v0 =	vld [tilespmem:s23+$0xFFFFFFE0]  }
0x191: {  	s17 =	simm.s32 $0x65B0;
	s20 =	simm.s32 $0x4;
	s1 =	sshll.u32 s1, $0x8;
	v2 =	vld [tilespmem:s23+$0xFFFFFEE0]  }
0x192: {  	p0 =	por !p0, !p0;
	s22 =	sand.u32 $0x7, s20;
	s1 =	sadd.s32 $0x100, s1;
	v4 =	vld [tilespmem:s17+$0xFFFFFFD0]  }
0x193: {  	s2 =	simm.s32 $0x1;
	s9 =	sor.u32 $0xC400, s1;
	s1 =	sshll.u32 s22, $0x7;
	v5 =	vld [tilespmem:s17+$0xFFFFFE50];
	[tilespmem:s0+$0x8210] =	vst v1  }
0x194: {  	s2 =	simm.s32 @!p0 $0x0;
	s1 =	sadd.s32 $0x400, s1;
	[tilespmem:s9+$0x8200] =	vst v3;
	v1 =	vld [tilespmem:s23+$0xFFFFFE70]  }
0x195: {  	s2 =	sshll.u32 s2, $0x9;
	s24 =	sadd.s32 $0x180, s1;
	v3 =	vld [tilespmem:s23+$0xFFFFFF60];
	[tilespmem:s15+$0x8210] =	vst v0  }
0x196: {  	s2 =	sadd.s32 $0x400, s2;
	s21 =	sor.u32 $0xC400, s24;
	[tilespmem:s7+$0x8210] =	vst v2;
	v0 =	vld [tilespmem:s23+$0xFFFFFFF0]  }
0x197: {  	s22 =	sor.u32 $0xC400, s2;
	[tilespmem:s21+$0x8200] =	vst v4;
	v2 =	vld [tilespmem:s23+$0xFFFFFEF0]  }
0x198: {  	[tilespmem:s22+$0x8200] =	vst v5;
	v5 =	vld [tilespmem:s17+$0xFFFFFFE0]  }
0x199: {  	[tilespmem:s0+$0x8220] =	vst v1;
	v1 =	vld [tilespmem:s17+$0xFFFFFED0]  }
0x19a: {  	v6 =	vld [tilespmem:s17+$0xFFFFFE60];
	[tilespmem:s9+$0x8210] =	vst v3  }
0x19b: {  	s4 =	simm.s32 $0x2;
	v3 =	vld [tilespmem:s17+$0xFFFFFF50];
	[tilespmem:s15+$0x8220] =	vst v0  }
0x19c: {  	s26 =	sand.u32 $0x3, s4;
	s1 =	sadd.s32 $0x80, s1;
	[tilespmem:s7+$0x8220] =	vst v2;
	v2 =	vld [tilespmem:s23+$0xFFFFFF70]  }
0x19d: {  	s2 =	sshll.u32 s26, $0x8;
	s5 =	sor.u32 $0xC400, s1;
	[tilespmem:s21+$0x8210] =	vst v5;
	v0 =	vld [tilespmem:s23+$0x0]  }
0x19e: {  	s31 =	sadd.s32 $0x500, s2;
	[tilespmem:s5+$0x8200] =	vst v1;
	v1 =	vld [tilespmem:s23+$0xFFFFFE80]  }
0x19f: {  	s6 =	sor.u32 $0xC400, s31;
	[tilespmem:s22+$0x8210] =	vst v6;
	v7 =	vld [tilespmem:s17+$0xFFFFFEE0]  }
0x1a0: {  	[tilespmem:s6+$0x8200] =	vst v3;
	v3 =	vld [tilespmem:s17+$0xFFFFFFF0]  }
0x1a1: {  	v4 =	vld [tilespmem:s17+$0xFFFFFF60];
	[tilespmem:s9+$0x8220] =	vst v2  }
0x1a2: {  	[tilespmem:s15+$0x8230] =	vst v0;
	v0 =	vld [tilespmem:s23+$0xFFFFFF00]  }
0x1a3: {  	s11 =	simm.s32 $0x4;
	p0 =	por !p0, !p0;
	v2 =	vld [tilespmem:s17+$0xFFFFFE70];
	[tilespmem:s0+$0x8230] =	vst v1  }
0x1a4: {  	s26 =	simm.s32 $0x500;
	s24 =	simm.s32 $0x400;
	v1 =	vld [tilespmem:s23+$0xFFFFFF80];
	s0 =	simm.s32 $0x65B0;
	[tilespmem:s5+$0x8210] =	vst v7  }
.LBB2_8:
0x1a5: {  	s1 =	simm.s32 $0x1  }
0x1a6: {  	v5 =	vld [tilespmem:s17+$0xFFFFFEF0];
	[tilespmem:s6+$0x8210] =	vst v4;
	s20 =	sadd.s32 $0x4, s20;
	s0 =	sadd.s32 $0x200, s0;
	s1 =	simm.s32 @!p0 $0x0  }
0x1a7: {  	s11 =	sadd.s32 $0x4, s11;
	s2 =	sand.u32 $0x7, s20;
	s1 =	sshll.u32 s1, $0x9;
	v4 =	vld [tilespmem:s0+$0xFFFFFFD0];
	[tilespmem:s7+$0x8230] =	vst v0  }
0x1a8: {  	s24 =	sadd.s32 $0x400, s24;
	p1 =	slt.u32 s11, $0x3C;
	s2 =	sshll.u32 s2, $0x7;
	v0 =	vld [tilespmem:s0+$0xFFFFFE50];
	[tilespmem:s21+$0x8220] =	vst v3  }
0x1a9: {  	s7 =	smov.u32 s5;
	s2 =	sadd.s32 s2, s24;
	s1 =	sadd.s32 s1, s24;
	[tilespmem:s22+$0x8220] =	vst v2;
	v2 =	vld [tilespmem:s17+$0x0]  }
0x1aa: {  	s1 =	sor.u32 $0xC400, s1;
	s5 =	sadd.s32 $0x80, s2;
	s2 =	sadd.s32 $0x180, s2;
	v3 =	vld [tilespmem:s0+$0xFFFFFED0];
	[tilespmem:s9+$0x8230] =	vst v1  }
0x1ab: {  	s4 =	sadd.s32 $0x2, s4;
	s5 =	sor.u32 $0xC400, s5;
	s2 =	sor.u32 $0xC400, s2;
	v1 =	vld [tilespmem:s0+$0xFFFFFF50];
	[tilespmem:s7+$0x8220] =	vst v5  }
0x1ac: {  	s8 =	sand.u32 $0x3, s4;
	s9 =	smov.u32 s6;
	[tilespmem:s2+$0x8200] =	vst v4;
	v5 =	vld [tilespmem:s17+$0xFFFFFF70]  }
0x1ad: {  	s26 =	sadd.s32 $0x400, s26;
	s6 =	sshll.u32 s8, $0x8;
	[tilespmem:s1+$0x8200] =	vst v0;
	v0 =	vld [tilespmem:s0+$0xFFFFFFE0]  }
0x1ae: {  	s6 =	sadd.s32 s6, s26;
	v6 =	vld [tilespmem:s0+$0xFFFFFE60];
	[tilespmem:s21+$0x8230] =	vst v2;
	s21 =	smov.u32 s2  }
0x1af: {  	s6 =	sor.u32 $0xC400, s6;
	[tilespmem:s5+$0x8200] =	vst v3;
	v7 =	vld [tilespmem:s17+$0xFFFFFE80]  }
0x1b0: {  	v8 =	vld [tilespmem:s0+$0xFFFFFEE0];
	[tilespmem:s6+$0x8200] =	vst v1  }
.Ltmp3:
0x1b1: {  	v4 =	vld [tilespmem:s0+$0xFFFFFF60];
	[tilespmem:s9+$0x8220] =	vst v5;
	(pc) =	sbr.rel @p1 .LBB2_8-.Ltmp3, $4  }
0x1b2: {  	[tilespmem:s21+$0x8210] =	vst v0;
	v0 =	vld [tilespmem:s17+$0xFFFFFF00]  }
0x1b3: {  	[tilespmem:s1+$0x8210] =	vst v6;
	v3 =	vld [tilespmem:s0+$0xFFFFFFF0]  }
0x1b4: {  	v2 =	vld [tilespmem:s0+$0xFFFFFE70];
	[tilespmem:s22+$0x8230] =	vst v7;
	s22 =	smov.u32 s1  }
0x1b5: {  	p0 =	por !p0, !p0;
	[tilespmem:s5+$0x8210] =	vst v8;
	v1 =	vld [tilespmem:s17+$0xFFFFFF80];
	s17 =	smov.u32 s0  }
0x1b6: {  	v5 =	vld [tilespmem:s17+$0xFFFFFEF0];
	[tilespmem:s6+$0x8210] =	vst v4  }
0x1b7: {  	v4 =	vld [tilespmem:s17+$0xFFFFFF70];
	_ =	sdelay $0x1  }
0x1b8: {  	[tilespmem:s21+$0x8220] =	vst v3  }
0x1b9: {  	[tilespmem:s22+$0x8220] =	vst v2;
	v2 =	vld [tilespmem:s17+$0x0]  }
0x1ba: {  	v3 =	vld [tilespmem:s17+$0xFFFFFE80];
	[tilespmem:s5+$0x8220] =	vst v5  }
0x1bb: {  	[tilespmem:s6+$0x8220] =	vst v4;
	v4 =	vld [tilespmem:s17+$0xFFFFFF00]  }
0x1bc: {  	[tilespmem:s7+$0x8230] =	vst v0;
	v0 =	vld [tilespmem:s17+$0xFFFFFF80]  }
0x1bd: {  	[tilespmem:s9+$0x8230] =	vst v1  }
0x1be: {  	[tilespmem:s21+$0x8230] =	vst v2  }
0x1bf: {  	[tilespmem:s22+$0x8230] =	vst v3  }
0x1c0: {  	[tilespmem:s5+$0x8230] =	vst v4  }
0x1c1: {  	[tilespmem:s6+$0x8230] =	vst v0  }
0x1c2: {  	s1 =	simm.s32 $0x0;
	s0 =	rddreg [dreg:$0xd]  }
0x1c3: {  	[hbm4b:s0+s1] =	stream.linear.scatter [tilespmem:s29], [sflag:$0x3], $0x4000, $0x38;
	[tilespmem:$0x1C200] =	vst v63  }
0x1c4: {  	_ =	swait.ge [sflag:s25], $0x4000  }
0x1c5: {  	[sflag:s25] =	ssyncset.done $0x0  }
0x1c6: {  	[sflag:s25] =	ssyncadd.s32 $0xFFFFC000  }
0x1c7: {  	[tilespmem:s13], [sflag:$0x1] =	stream.linear.gather [hbm4b:s16+s1], $0x400, $0x38;
	[tilespmem:$0x1C200] =	vst v63  }
0x1c8: {  	s15 =	sadd.s32 $0x100, s16;
	s2 =	simm.s32 $0x10A00  }
0x1c9: {  	[tilespmem:s2], [sflag:$0x1] =	stream.linear.gather [hbm4b:s15+s1], $0x400, $0x38;
	[tilespmem:$0x1C200] =	vst v63  }
0x1ca: {  	s20 =	simm.s32 $0x11200;
	s17 =	sadd.s32 $0x200, s16  }
0x1cb: {  	[tilespmem:s20], [sflag:$0x1] =	stream.linear.gather [hbm4b:s17+s1], $0x400, $0x38;
	[tilespmem:$0x1C200] =	vst v63  }
0x1cc: {  	s21 =	sadd.s32 $0x300, s16;
	s22 =	simm.s32 $0x11A00  }
0x1cd: {  	[tilespmem:s22], [sflag:$0x1] =	stream.linear.gather [hbm4b:s21+s1], $0x400, $0x38;
	[tilespmem:$0x1C200] =	vst v63  }
0x1ce: {  	s23 =	sadd.s32 $0x400, s16;
	s24 =	simm.s32 $0x12200  }
0x1cf: {  	[tilespmem:s24], [sflag:$0x1] =	stream.linear.gather [hbm4b:s23+s1], $0x400, $0x38;
	[tilespmem:$0x1C200] =	vst v63  }
0x1d0: {  	s26 =	sadd.s32 $0x500, s16;
	s31 =	simm.s32 $0x12A00  }
0x1d1: {  	[tilespmem:s31], [sflag:$0x1] =	stream.linear.gather [hbm4b:s26+s1], $0x400, $0x38;
	[tilespmem:$0x1C200] =	vst v63  }
0x1d2: {  	s4 =	sadd.s32 $0x600, s16;
	s5 =	simm.s32 $0x13200  }
0x1d3: {  	[tilespmem:s5], [sflag:$0x1] =	stream.linear.gather [hbm4b:s4+s1], $0x400, $0x38;
	[tilespmem:$0x1C200] =	vst v63  }
0x1d4: {  	s7 =	simm.s32 $0x13A00;
	s6 =	sadd.s32 $0x700, s16  }
0x1d5: {  	[tilespmem:s7], [sflag:$0x1] =	stream.linear.gather [hbm4b:s6+s1], $0x400, $0x38;
	[tilespmem:$0x1C200] =	vst v63  }
0x1d6: {  	s8 =	simm.s32 $0x4200;
	s9 =	simm.s32 $0x180  }
0x1d7: {  	[tilespmem:s8], [sflag:$0x2] =	stream.indirect.gather [spmem:s10], $0x80, s9, s28, $0xb8;
	[tilespmem:$0x1C200] =	vst v63  }
0x1d8: {  	_ =	swait.ge [sflag:s30], $0x2000  }
0x1d9: {  	[sflag:s30] =	ssyncset.done $0x0  }
0x1da: {  	[sflag:s30] =	ssyncadd.s32 $0xFFFFE000  }
0x1db: {  	_ =	swait.ge [sflag:s19], $0x2000  }
0x1dc: {  	[sflag:s19] =	ssyncset.done $0x0  }
0x1dd: {  	s20 =	simm.s32 $0x300;
	[sflag:s19] =	ssyncadd.s32 $0xFFFFE000  }
0x1de: {  	s11 =	sand.u32 $0x7, s1;
	v0 =	vld [tilespmem:s20+$0x80]  }
0x1df: {  	p0 =	por $0x0, $0x0;
	s0 =	sshll.u32 s11, $0x7;
	s2 =	simm.s32 $0x1;
	v1 =	vld [tilespmem:s20+$0xFFFFFF00]  }
0x1e0: {  	s0 =	sadd.s32 $0x0, s0;
	s2 =	simm.s32 @!p0 $0x0  }
0x1e1: {  	s2 =	sshll.u32 s2, $0x9;
	s4 =	sadd.s32 $0x180, s0  }
0x1e2: {  	s2 =	sadd.s32 $0x0, s2;
	s13 =	sor.u32 $0x400, s4;
	v2 =	vld [tilespmem:s20+$0xFFFFFF80]  }
0x1e3: {  	s15 =	sor.u32 $0x400, s2;
	v3 =	vld [tilespmem:s20+$0x0];
	[tilespmem:s13+$0x8200] =	vst v0  }
0x1e4: {  	s1 =	sand.u32 $0x3, s1;
	[tilespmem:s15+$0x8200] =	vst v1;
	v0 =	vld [tilespmem:s20+$0x90]  }
0x1e5: {  	s0 =	sadd.s32 $0x80, s0;
	s1 =	sshll.u32 s1, $0x8;
	v1 =	vld [tilespmem:s20+$0xFFFFFF10]  }
0x1e6: {  	s17 =	sor.u32 $0x400, s0;
	s29 =	sadd.s32 $0x100, s1  }
0x1e7: {  	s22 =	sor.u32 $0x400, s29;
	[tilespmem:s17+$0x8200] =	vst v2  }
0x1e8: {  	s21 =	sor.u32 $0x410, s4;
	[tilespmem:s22+$0x8200] =	vst v3;
	v2 =	vld [tilespmem:s20+$0xFFFFFF90]  }
0x1e9: {  	s23 =	sor.u32 $0x410, s2;
	v3 =	vld [tilespmem:s20+$0x10];
	[tilespmem:s21+$0x8200] =	vst v0  }
0x1ea: {  	s11 =	simm.s32 $0x2;
	[tilespmem:s23+$0x8200] =	vst v1;
	v0 =	vld [tilespmem:s20+$0xA0]  }
0x1eb: {  	p0 =	por !p0, !p0;
	s5 =	sand.u32 $0x3, s11;
	s7 =	simm.s32 $0x500;
	v1 =	vld [tilespmem:s20+$0xFFFFFF20]  }
0x1ec: {  	s24 =	sor.u32 $0x410, s0;
	s6 =	simm.s32 $0x1;
	v5 =	vld [tilespmem:s7+$0xFFFFFF00];
	s17 =	simm.s32 $0x4  }
0x1ed: {  	s6 =	simm.s32 @!p0 $0x0;
	s8 =	sor.u32 $0x410, s29;
	v4 =	vld [tilespmem:s7+$0x80];
	s26 =	sand.u32 $0x7, s17;
	[tilespmem:s24+$0x8200] =	vst v2  }
0x1ee: {  	s31 =	sor.u32 $0x420, s4;
	s6 =	sshll.u32 s6, $0x9;
	s1 =	sshll.u32 s26, $0x7;
	[tilespmem:s8+$0x8200] =	vst v3;
	v3 =	vld [tilespmem:s7+$0x0]  }
0x1ef: {  	s9 =	sor.u32 $0x420, s2;
	s13 =	sadd.s32 $0x400, s6;
	s1 =	sadd.s32 $0x400, s1;
	v2 =	vld [tilespmem:s20+$0xFFFFFFA0];
	[tilespmem:s31+$0x8200] =	vst v0  }
0x1f0: {  	s5 =	sshll.u32 s5, $0x8;
	s21 =	sor.u32 $0x400, s13;
	[tilespmem:s9+$0x8200] =	vst v1;
	v1 =	vld [tilespmem:s7+$0xFFFFFF80];
	s9 =	sadd.s32 $0x180, s1  }
0x1f1: {  	[tilespmem:s21+$0x8200] =	vst v5;
	s21 =	sadd.s32 $0x500, s5;
	v0 =	vld [tilespmem:s20+$0xB0];
	s15 =	sor.u32 $0x400, s9  }
0x1f2: {  	v6 =	vld [tilespmem:s7+$0xFFFFFF10];
	s24 =	sor.u32 $0x400, s21;
	[tilespmem:s15+$0x8200] =	vst v4  }
0x1f3: {  	s10 =	sor.u32 $0x420, s0;
	s11 =	sadd.s32 $0x80, s1;
	[tilespmem:s24+$0x8200] =	vst v3;
	v5 =	vld [tilespmem:s7+$0x90]  }
0x1f4: {  	s4 =	sor.u32 $0x430, s4;
	s22 =	sor.u32 $0x400, s11;
	[tilespmem:s10+$0x8200] =	vst v2;
	v4 =	vld [tilespmem:s20+$0x20]  }
0x1f5: {  	s0 =	sor.u32 $0x430, s0;
	s28 =	simm.s32 $0x4;
	s26 =	sor.u32 $0x420, s29;
	v3 =	vld [tilespmem:s7+$0x10];
	[tilespmem:s22+$0x8200] =	vst v1  }
0x1f6: {  	s6 =	sor.u32 $0x420, s11;
	s23 =	simm.s32 $0x500;
	s31 =	sor.u32 $0x410, s13;
	[tilespmem:s4+$0x8200] =	vst v0;
	v0 =	vld [tilespmem:s20+$0xFFFFFF30]  }
0x1f7: {  	s8 =	sor.u32 $0x410, s11;
	s11 =	sor.u32 $0x430, s11;
	[tilespmem:s31+$0x8200] =	vst v6;
	s15 =	sor.u32 $0x410, s9;
	v2 =	vld [tilespmem:s7+$0xFFFFFF90]  }
0x1f8: {  	s5 =	simm.s32 $0x400;
	s24 =	simm.s32 $0x500;
	s1 =	sor.u32 $0x430, s2;
	v1 =	vld [tilespmem:s20+$0xFFFFFFB0];
	[tilespmem:s15+$0x8200] =	vst v5  }
0x1f9: {  	s22 =	sor.u32 $0x430, s13;
	s4 =	simm.s32 $0x4;
	[tilespmem:s26+$0x8200] =	vst v4;
	s26 =	sor.u32 $0x420, s13;
	v4 =	vld [tilespmem:s7+$0xA0]  }
.LBB2_10:
0x1fa: {  	s2 =	sand.u32 $0x3, s28;
	s23 =	sadd.s32 $0x400, s23  }
0x1fb: {  	v5 =	vld [tilespmem:s7+$0xFFFFFF20];
	p0 =	por !p0, !p0;
	[tilespmem:s1+$0x8200] =	vst v0;
	s1 =	sshll.u32 s2, $0x8;
	s2 =	simm.s32 $0x1  }
0x1fc: {  	[tilespmem:s8+$0x8200] =	vst v2;
	s8 =	sor.u32 $0x410, s21;
	v0 =	vld [tilespmem:s20+$0x30];
	s2 =	simm.s32 @!p0 $0x0  }
0x1fd: {  	s17 =	sadd.s32 $0x4, s17;
	s7 =	sadd.s32 $0x200, s7;
	s2 =	sshll.u32 s2, $0x9;
	v2 =	vld [tilespmem:s24+$0xFFFFFFA0];
	[tilespmem:s8+$0x8200] =	vst v3  }
0x1fe: {  	s4 =	sadd.s32 $0x4, s4;
	s10 =	sor.u32 $0x420, s9;
	s8 =	sand.u32 $0x7, s17;
	v3 =	vld [tilespmem:s7+$0x80];
	[tilespmem:s0+$0x8200] =	vst v1  }
0x1ff: {  	s5 =	sadd.s32 $0x400, s5;
	p1 =	slt.u32 s4, $0x3C;
	s0 =	sshll.u32 s8, $0x7;
	v1 =	vld [tilespmem:s7+$0xFFFFFF00];
	[tilespmem:s10+$0x8200] =	vst v4  }
0x200: {  	s2 =	sadd.s32 s2, s5;
	s8 =	sor.u32 $0x430, s29;
	s0 =	sadd.s32 s0, s5;
	[tilespmem:s26+$0x8200] =	vst v5;
	v4 =	vld [tilespmem:s24+$0xB0]  }
0x201: {  	s10 =	sor.u32 $0x400, s2;
	s13 =	sadd.s32 $0x80, s0;
	s0 =	sadd.s32 $0x180, s0;
	v5 =	vld [tilespmem:s7+$0xFFFFFF80];
	[tilespmem:s8+$0x8200] =	vst v0  }
0x202: {  	s15 =	sor.u32 $0x400, s13;
	s8 =	sor.u32 $0x410, s13;
	s20 =	sor.u32 $0x400, s0;
	v6 =	vld [tilespmem:s7+$0x0];
	[tilespmem:s6+$0x8200] =	vst v2  }
0x203: {  	s31 =	sor.u32 $0x410, s2;
	s26 =	sor.u32 $0x420, s2;
	s6 =	sor.u32 $0x420, s13;
	[tilespmem:s20+$0x8200] =	vst v3;
	v7 =	vld [tilespmem:s24+$0x20]  }
0x204: {  	s9 =	sor.u32 $0x430, s9;
	s2 =	sor.u32 $0x430, s2;
	[tilespmem:s10+$0x8200] =	vst v1;
	s10 =	sor.u32 $0x430, s13;
	v1 =	vld [tilespmem:s7+$0x90]  }
0x205: {  	s20 =	smov.u32 s24;
	s24 =	smov.u32 s7;
	s13 =	sadd.s32 s1, s23;
	v8 =	vld [tilespmem:s7+$0xFFFFFF10];
	[tilespmem:s9+$0x8200] =	vst v4  }
.Ltmp4:
0x206: {  	s1 =	sor.u32 $0x400, s13;
	s9 =	smov.u32 s0;
	[tilespmem:s15+$0x8200] =	vst v5;
	v0 =	vld [tilespmem:s20+$0xFFFFFF30];
	(pc) =	sbr.rel @p1 .LBB2_10-.Ltmp4, $4  }
0x207: {  	s0 =	sor.u32 $0x420, s21;
	v2 =	vld [tilespmem:s7+$0xFFFFFF90];
	[tilespmem:s1+$0x8200] =	vst v6;
	s1 =	smov.u32 s22;
	s22 =	smov.u32 s2  }
0x208: {  	s2 =	sor.u32 $0x410, s9;
	v3 =	vld [tilespmem:s7+$0x10];
	[tilespmem:s0+$0x8200] =	vst v7;
	s0 =	smov.u32 s11;
	s11 =	smov.u32 s10  }
0x209: {  	s29 =	smov.u32 s21;
	s21 =	smov.u32 s13;
	[tilespmem:s2+$0x8200] =	vst v1;
	v1 =	vld [tilespmem:s20+$0xFFFFFFB0]  }
0x20a: {  	s28 =	sadd.s32 $0x2, s28;
	[tilespmem:s31+$0x8200] =	vst v8;
	v4 =	vld [tilespmem:s7+$0xA0]  }
0x20b: {  	_ = 	snop  }
0x20c: {  	v5 =	vld [tilespmem:s7+$0xFFFFFF20];
	s2 =	sor.u32 $0x410, s21;
	[tilespmem:s8+$0x8200] =	vst v2  }
0x20d: {  	v2 =	vld [tilespmem:s24+$0xFFFFFFA0];
	[tilespmem:s2+$0x8200] =	vst v3  }
0x20e: {  	v3 =	vld [tilespmem:s24+$0x20]  }
0x20f: {  	[tilespmem:s1+$0x8200] =	vst v0;
	s5 =	sor.u32 $0x420, s9  }
0x210: {  	v0 =	vld [tilespmem:s20+$0x30];
	[tilespmem:s5+$0x8200] =	vst v4  }
0x211: {  	[tilespmem:s26+$0x8200] =	vst v5;
	v4 =	vld [tilespmem:s24+$0xB0]  }
0x212: {  	s7 =	sor.u32 $0x420, s21;
	[tilespmem:s6+$0x8200] =	vst v2;
	v2 =	vld [tilespmem:s24+$0xFFFFFF30]  }
0x213: {  	[tilespmem:s7+$0x8200] =	vst v3;
	v3 =	vld [tilespmem:s24+$0xFFFFFFB0]  }
0x214: {  	s8 =	sor.u32 $0x430, s29;
	[tilespmem:s0+$0x8200] =	vst v1;
	v1 =	vld [tilespmem:s24+$0x30]  }
0x215: {  	s10 =	sor.u32 $0x430, s9;
	[tilespmem:s8+$0x8200] =	vst v0  }
0x216: {  	[tilespmem:s10+$0x8200] =	vst v4  }
0x217: {  	[tilespmem:s22+$0x8200] =	vst v2  }
0x218: {  	[tilespmem:s11+$0x8200] =	vst v3;
	s11 =	sor.u32 $0x430, s21  }
0x219: {  	[tilespmem:s11+$0x8200] =	vst v1  }
0x21a: {  	s1 =	simm.s32 $0x0;
	s10 =	simm.s32 $0x8200;
	s0 =	rddreg [dreg:$0xe]  }
0x21b: {  	[hbm4b:s0+s1] =	stream.linear.scatter [tilespmem:s10], [sflag:$0x3], $0x4000, $0x38;
	[tilespmem:$0x1C200] =	vst v63  }
0x21c: {  	_ =	swait.ge [sflag:s25], $0x4000  }
0x21d: {  	[sflag:s25] =	ssyncset.done $0x0  }
0x21e: {  	s31 =	simm.s32 $0x14200;
	[sflag:s25] =	ssyncadd.s32 $0xFFFFC000  }
0x21f: {  	[tilespmem:s31], [sflag:$0x1] =	stream.linear.gather [hbm4b:s18+s1], $0x400, $0x38;
	[tilespmem:$0x1C200] =	vst v63  }
0x220: {  	s13 =	sadd.s32 $0x100, s18;
	s15 =	simm.s32 $0x14A00  }
0x221: {  	[tilespmem:s15], [sflag:$0x1] =	stream.linear.gather [hbm4b:s13+s1], $0x400, $0x38;
	[tilespmem:$0x1C200] =	vst v63  }
0x222: {  	s17 =	sadd.s32 $0x200, s18;
	s20 =	simm.s32 $0x15200  }
0x223: {  	[tilespmem:s20], [sflag:$0x1] =	stream.linear.gather [hbm4b:s17+s1], $0x400, $0x38;
	[tilespmem:$0x1C200] =	vst v63  }
0x224: {  	s22 =	simm.s32 $0x15A00;
	s21 =	sadd.s32 $0x300, s18  }
0x225: {  	[tilespmem:s22], [sflag:$0x1] =	stream.linear.gather [hbm4b:s21+s1], $0x400, $0x38;
	[tilespmem:$0x1C200] =	vst v63  }
0x226: {  	s23 =	sadd.s32 $0x400, s18;
	s24 =	simm.s32 $0x16200  }
0x227: {  	[tilespmem:s24], [sflag:$0x1] =	stream.linear.gather [hbm4b:s23+s1], $0x400, $0x38;
	[tilespmem:$0x1C200] =	vst v63  }
0x228: {  	s28 =	simm.s32 $0x16A00;
	s26 =	sadd.s32 $0x500, s18  }
0x229: {  	[tilespmem:s28], [sflag:$0x1] =	stream.linear.gather [hbm4b:s26+s1], $0x400, $0x38;
	[tilespmem:$0x1C200] =	vst v63  }
0x22a: {  	s4 =	sadd.s32 $0x600, s18;
	s5 =	simm.s32 $0x17200  }
0x22b: {  	[tilespmem:s5], [sflag:$0x1] =	stream.linear.gather [hbm4b:s4+s1], $0x400, $0x38;
	[tilespmem:$0x1C200] =	vst v63  }
0x22c: {  	s9 =	simm.s32 $0x1C0;
	s6 =	sadd.s32 $0x700, s18;
	s7 =	simm.s32 $0x17A00  }
0x22d: {  	[tilespmem:s7], [sflag:$0x1] =	stream.linear.gather [hbm4b:s6+s1], $0x400, $0x38;
	[tilespmem:$0x1C200] =	vst v63  }
0x22e: {  	s29 =	simm.s32 $0x40;
	s8 =	simm.s32 $0x6200;
	s15 =	rddreg [dreg:$0x2]  }
0x22f: {  	[tilespmem:s8], [sflag:$0x2] =	stream.indirect.gather [spmem:s15], $0x80, s9, s29, $0xb8;
	[tilespmem:$0x1C200] =	vst v63  }
0x230: {  	_ =	swait.ge [sflag:s30], $0x2000  }
0x231: {  	[sflag:s30] =	ssyncset.done $0x0  }
0x232: {  	[sflag:s30] =	ssyncadd.s32 $0xFFFFE000  }
0x233: {  	_ =	swait.ge [sflag:s19], $0x2000  }
0x234: {  	[sflag:s19] =	ssyncset.done $0x0  }
0x235: {  	s23 =	simm.s32 $0x23B0;
	[sflag:s19] =	ssyncadd.s32 $0xFFFFE000  }
0x236: {  	p0 =	por $0x0, $0x0;
	s2 =	simm.s32 $0x1;
	s11 =	sand.u32 $0x7, s1;
	v1 =	vld [tilespmem:s23+$0xFFFFFE50]  }
0x237: {  	s2 =	simm.s32 @!p0 $0x0;
	s0 =	sshll.u32 s11, $0x7  }
0x238: {  	s2 =	sshll.u32 s2, $0x9;
	s4 =	sadd.s32 $0x0, s0;
	v0 =	vld [tilespmem:s23+$0xFFFFFFD0]  }
0x239: {  	s20 =	sadd.s32 $0x0, s2;
	s0 =	sadd.s32 $0x180, s4;
	v2 =	vld [tilespmem:s23+$0xFFFFFED0]  }
0x23a: {  	s13 =	sor.u32 $0x4400, s0;
	s0 =	sor.u32 $0x4400, s20  }
0x23b: {  	[tilespmem:s0+$0x8200] =	vst v1  }
0x23c: {  	s21 =	sadd.s32 $0x80, s4;
	v1 =	vld [tilespmem:s23+$0xFFFFFE60]  }
0x23d: {  	s7 =	sor.u32 $0x4400, s21;
	v3 =	vld [tilespmem:s23+$0xFFFFFF50];
	[tilespmem:s13+$0x8200] =	vst v0  }
0x23e: {  	s1 =	sand.u32 $0x3, s1;
	[tilespmem:s7+$0x8200] =	vst v2;
	v0 =	vld [tilespmem:s23+$0xFFFFFFE0]  }
0x23f: {  	s17 =	simm.s32 $0x25B0;
	s20 =	simm.s32 $0x4;
	s1 =	sshll.u32 s1, $0x8;
	v2 =	vld [tilespmem:s23+$0xFFFFFEE0]  }
0x240: {  	p0 =	por !p0, !p0;
	s22 =	sand.u32 $0x7, s20;
	s1 =	sadd.s32 $0x100, s1;
	v4 =	vld [tilespmem:s17+$0xFFFFFFD0]  }
0x241: {  	s2 =	simm.s32 $0x1;
	s9 =	sor.u32 $0x4400, s1;
	s1 =	sshll.u32 s22, $0x7;
	v5 =	vld [tilespmem:s17+$0xFFFFFE50];
	[tilespmem:s0+$0x8210] =	vst v1  }
0x242: {  	s2 =	simm.s32 @!p0 $0x0;
	s1 =	sadd.s32 $0x400, s1;
	[tilespmem:s9+$0x8200] =	vst v3;
	v1 =	vld [tilespmem:s23+$0xFFFFFE70]  }
0x243: {  	s2 =	sshll.u32 s2, $0x9;
	s24 =	sadd.s32 $0x180, s1;
	v3 =	vld [tilespmem:s23+$0xFFFFFF60];
	[tilespmem:s13+$0x8210] =	vst v0  }
0x244: {  	s2 =	sadd.s32 $0x400, s2;
	s21 =	sor.u32 $0x4400, s24;
	[tilespmem:s7+$0x8210] =	vst v2;
	v0 =	vld [tilespmem:s23+$0xFFFFFFF0]  }
0x245: {  	s22 =	sor.u32 $0x4400, s2;
	[tilespmem:s21+$0x8200] =	vst v4;
	v2 =	vld [tilespmem:s23+$0xFFFFFEF0]  }
0x246: {  	[tilespmem:s22+$0x8200] =	vst v5;
	v5 =	vld [tilespmem:s17+$0xFFFFFFE0]  }
0x247: {  	[tilespmem:s0+$0x8220] =	vst v1;
	v1 =	vld [tilespmem:s17+$0xFFFFFED0]  }
0x248: {  	v6 =	vld [tilespmem:s17+$0xFFFFFE60];
	[tilespmem:s9+$0x8210] =	vst v3  }
0x249: {  	s4 =	simm.s32 $0x2;
	v3 =	vld [tilespmem:s17+$0xFFFFFF50];
	[tilespmem:s13+$0x8220] =	vst v0  }
0x24a: {  	s26 =	sand.u32 $0x3, s4;
	s1 =	sadd.s32 $0x80, s1;
	[tilespmem:s7+$0x8220] =	vst v2;
	v2 =	vld [tilespmem:s23+$0xFFFFFF70]  }
0x24b: {  	s2 =	sshll.u32 s26, $0x8;
	s5 =	sor.u32 $0x4400, s1;
	[tilespmem:s21+$0x8210] =	vst v5;
	v0 =	vld [tilespmem:s23+$0x0]  }
0x24c: {  	s28 =	sadd.s32 $0x500, s2;
	[tilespmem:s5+$0x8200] =	vst v1;
	v1 =	vld [tilespmem:s23+$0xFFFFFE80]  }
0x24d: {  	s6 =	sor.u32 $0x4400, s28;
	[tilespmem:s22+$0x8210] =	vst v6;
	v7 =	vld [tilespmem:s17+$0xFFFFFEE0]  }
0x24e: {  	[tilespmem:s6+$0x8200] =	vst v3;
	v3 =	vld [tilespmem:s17+$0xFFFFFFF0]  }
0x24f: {  	v4 =	vld [tilespmem:s17+$0xFFFFFF60];
	[tilespmem:s9+$0x8220] =	vst v2  }
0x250: {  	[tilespmem:s13+$0x8230] =	vst v0;
	v0 =	vld [tilespmem:s23+$0xFFFFFF00]  }
0x251: {  	s11 =	simm.s32 $0x4;
	p0 =	por !p0, !p0;
	v2 =	vld [tilespmem:s17+$0xFFFFFE70];
	[tilespmem:s0+$0x8230] =	vst v1  }
0x252: {  	s26 =	simm.s32 $0x500;
	s24 =	simm.s32 $0x400;
	v1 =	vld [tilespmem:s23+$0xFFFFFF80];
	s0 =	simm.s32 $0x25B0;
	[tilespmem:s5+$0x8210] =	vst v7  }
.LBB2_12:
0x253: {  	s1 =	simm.s32 $0x1  }
0x254: {  	v5 =	vld [tilespmem:s17+$0xFFFFFEF0];
	[tilespmem:s6+$0x8210] =	vst v4;
	s20 =	sadd.s32 $0x4, s20;
	s0 =	sadd.s32 $0x200, s0;
	s1 =	simm.s32 @!p0 $0x0  }
0x255: {  	s11 =	sadd.s32 $0x4, s11;
	s2 =	sand.u32 $0x7, s20;
	s1 =	sshll.u32 s1, $0x9;
	v4 =	vld [tilespmem:s0+$0xFFFFFFD0];
	[tilespmem:s7+$0x8230] =	vst v0  }
0x256: {  	s24 =	sadd.s32 $0x400, s24;
	p1 =	slt.u32 s11, $0x3C;
	s2 =	sshll.u32 s2, $0x7;
	v0 =	vld [tilespmem:s0+$0xFFFFFE50];
	[tilespmem:s21+$0x8220] =	vst v3  }
0x257: {  	s7 =	smov.u32 s5;
	s2 =	sadd.s32 s2, s24;
	s1 =	sadd.s32 s1, s24;
	[tilespmem:s22+$0x8220] =	vst v2;
	v2 =	vld [tilespmem:s17+$0x0]  }
0x258: {  	s1 =	sor.u32 $0x4400, s1;
	s5 =	sadd.s32 $0x80, s2;
	s2 =	sadd.s32 $0x180, s2;
	v3 =	vld [tilespmem:s0+$0xFFFFFED0];
	[tilespmem:s9+$0x8230] =	vst v1  }
0x259: {  	s4 =	sadd.s32 $0x2, s4;
	s5 =	sor.u32 $0x4400, s5;
	s2 =	sor.u32 $0x4400, s2;
	v1 =	vld [tilespmem:s0+$0xFFFFFF50];
	[tilespmem:s7+$0x8220] =	vst v5  }
0x25a: {  	s8 =	sand.u32 $0x3, s4;
	s9 =	smov.u32 s6;
	[tilespmem:s2+$0x8200] =	vst v4;
	v5 =	vld [tilespmem:s17+$0xFFFFFF70]  }
0x25b: {  	s26 =	sadd.s32 $0x400, s26;
	s6 =	sshll.u32 s8, $0x8;
	[tilespmem:s1+$0x8200] =	vst v0;
	v0 =	vld [tilespmem:s0+$0xFFFFFFE0]  }
0x25c: {  	s6 =	sadd.s32 s6, s26;
	v6 =	vld [tilespmem:s0+$0xFFFFFE60];
	[tilespmem:s21+$0x8230] =	vst v2;
	s21 =	smov.u32 s2  }
0x25d: {  	s6 =	sor.u32 $0x4400, s6;
	[tilespmem:s5+$0x8200] =	vst v3;
	v7 =	vld [tilespmem:s17+$0xFFFFFE80]  }
0x25e: {  	v8 =	vld [tilespmem:s0+$0xFFFFFEE0];
	[tilespmem:s6+$0x8200] =	vst v1  }
.Ltmp5:
0x25f: {  	v4 =	vld [tilespmem:s0+$0xFFFFFF60];
	[tilespmem:s9+$0x8220] =	vst v5;
	(pc) =	sbr.rel @p1 .LBB2_12-.Ltmp5, $4  }
0x260: {  	[tilespmem:s21+$0x8210] =	vst v0;
	v0 =	vld [tilespmem:s17+$0xFFFFFF00]  }
0x261: {  	[tilespmem:s1+$0x8210] =	vst v6;
	v3 =	vld [tilespmem:s0+$0xFFFFFFF0]  }
0x262: {  	v2 =	vld [tilespmem:s0+$0xFFFFFE70];
	[tilespmem:s22+$0x8230] =	vst v7;
	s22 =	smov.u32 s1  }
0x263: {  	p0 =	por !p0, !p0;
	[tilespmem:s5+$0x8210] =	vst v8;
	v1 =	vld [tilespmem:s17+$0xFFFFFF80];
	s17 =	smov.u32 s0  }
0x264: {  	v5 =	vld [tilespmem:s17+$0xFFFFFEF0];
	[tilespmem:s6+$0x8210] =	vst v4  }
0x265: {  	v4 =	vld [tilespmem:s17+$0xFFFFFF70];
	_ =	sdelay $0x1  }
0x266: {  	[tilespmem:s21+$0x8220] =	vst v3  }
0x267: {  	[tilespmem:s22+$0x8220] =	vst v2;
	v2 =	vld [tilespmem:s17+$0x0]  }
0x268: {  	v3 =	vld [tilespmem:s17+$0xFFFFFE80];
	[tilespmem:s5+$0x8220] =	vst v5  }
0x269: {  	[tilespmem:s6+$0x8220] =	vst v4;
	v4 =	vld [tilespmem:s17+$0xFFFFFF00]  }
0x26a: {  	[tilespmem:s7+$0x8230] =	vst v0;
	v0 =	vld [tilespmem:s17+$0xFFFFFF80]  }
0x26b: {  	[tilespmem:s9+$0x8230] =	vst v1  }
0x26c: {  	[tilespmem:s21+$0x8230] =	vst v2  }
0x26d: {  	[tilespmem:s22+$0x8230] =	vst v3  }
0x26e: {  	[tilespmem:s5+$0x8230] =	vst v4  }
0x26f: {  	[tilespmem:s6+$0x8230] =	vst v0  }
0x270: {  	s1 =	simm.s32 $0x0;
	s13 =	simm.s32 $0xC200;
	s0 =	rddreg [dreg:$0xf]  }
0x271: {  	[hbm4b:s0+s1] =	stream.linear.scatter [tilespmem:s13], [sflag:$0x3], $0x4000, $0x38;
	[tilespmem:$0x1C200] =	vst v63  }
0x272: {  	_ =	swait.ge [sflag:s30], $0x2000  }
0x273: {  	[sflag:s30] =	ssyncset.done $0x0  }
0x274: {  	[sflag:s30] =	ssyncadd.s32 $0xFFFFE000  }
0x275: {  	_ =	swait.ge [sflag:s19], $0x2000  }
0x276: {  	[sflag:s19] =	ssyncset.done $0x0  }
0x277: {  	s23 =	simm.s32 $0x43B0;
	[sflag:s19] =	ssyncadd.s32 $0xFFFFE000  }
0x278: {  	p0 =	por $0x0, $0x0;
	s2 =	simm.s32 $0x1;
	s9 =	sand.u32 $0x7, s1;
	v1 =	vld [tilespmem:s23+$0xFFFFFE50]  }
0x279: {  	s2 =	simm.s32 @!p0 $0x0;
	s0 =	sshll.u32 s9, $0x7  }
0x27a: {  	s2 =	sshll.u32 s2, $0x9;
	s4 =	sadd.s32 $0x0, s0;
	v0 =	vld [tilespmem:s23+$0xFFFFFFD0]  }
0x27b: {  	s17 =	sadd.s32 $0x0, s2;
	s0 =	sadd.s32 $0x180, s4;
	v2 =	vld [tilespmem:s23+$0xFFFFFED0]  }
0x27c: {  	s11 =	sor.u32 $0x8400, s0;
	s0 =	sor.u32 $0x8400, s17  }
0x27d: {  	[tilespmem:s0+$0x8200] =	vst v1  }
0x27e: {  	s20 =	sadd.s32 $0x80, s4;
	v1 =	vld [tilespmem:s23+$0xFFFFFE60]  }
0x27f: {  	s7 =	sor.u32 $0x8400, s20;
	v3 =	vld [tilespmem:s23+$0xFFFFFF50];
	[tilespmem:s11+$0x8200] =	vst v0  }
0x280: {  	s1 =	sand.u32 $0x3, s1;
	[tilespmem:s7+$0x8200] =	vst v2;
	v0 =	vld [tilespmem:s23+$0xFFFFFFE0]  }
0x281: {  	s1 =	sshll.u32 s1, $0x8;
	s20 =	simm.s32 $0x4;
	s17 =	simm.s32 $0x45B0;
	v2 =	vld [tilespmem:s23+$0xFFFFFEE0]  }
0x282: {  	p0 =	por !p0, !p0;
	s1 =	sadd.s32 $0x100, s1;
	s21 =	sand.u32 $0x7, s20;
	v4 =	vld [tilespmem:s17+$0xFFFFFFD0]  }
0x283: {  	s2 =	simm.s32 $0x1;
	s9 =	sor.u32 $0x8400, s1;
	s1 =	sshll.u32 s21, $0x7;
	v5 =	vld [tilespmem:s17+$0xFFFFFE50];
	[tilespmem:s0+$0x8210] =	vst v1  }
0x284: {  	s2 =	simm.s32 @!p0 $0x0;
	s1 =	sadd.s32 $0x400, s1;
	[tilespmem:s9+$0x8200] =	vst v3;
	v1 =	vld [tilespmem:s23+$0xFFFFFE70]  }
0x285: {  	s2 =	sshll.u32 s2, $0x9;
	s22 =	sadd.s32 $0x180, s1;
	v3 =	vld [tilespmem:s23+$0xFFFFFF60];
	[tilespmem:s11+$0x8210] =	vst v0  }
0x286: {  	s2 =	sadd.s32 $0x400, s2;
	s21 =	sor.u32 $0x8400, s22;
	[tilespmem:s7+$0x8210] =	vst v2;
	v0 =	vld [tilespmem:s23+$0xFFFFFFF0]  }
0x287: {  	s22 =	sor.u32 $0x8400, s2;
	[tilespmem:s21+$0x8200] =	vst v4;
	v2 =	vld [tilespmem:s23+$0xFFFFFEF0]  }
0x288: {  	[tilespmem:s22+$0x8200] =	vst v5;
	v5 =	vld [tilespmem:s17+$0xFFFFFFE0]  }
0x289: {  	[tilespmem:s0+$0x8220] =	vst v1;
	v1 =	vld [tilespmem:s17+$0xFFFFFED0]  }
0x28a: {  	v6 =	vld [tilespmem:s17+$0xFFFFFE60];
	[tilespmem:s9+$0x8210] =	vst v3  }
0x28b: {  	s4 =	simm.s32 $0x2;
	v3 =	vld [tilespmem:s17+$0xFFFFFF50];
	[tilespmem:s11+$0x8220] =	vst v0  }
0x28c: {  	s24 =	sand.u32 $0x3, s4;
	s1 =	sadd.s32 $0x80, s1;
	[tilespmem:s7+$0x8220] =	vst v2;
	v2 =	vld [tilespmem:s23+$0xFFFFFF70]  }
0x28d: {  	s2 =	sshll.u32 s24, $0x8;
	s5 =	sor.u32 $0x8400, s1;
	[tilespmem:s21+$0x8210] =	vst v5;
	v0 =	vld [tilespmem:s23+$0x0]  }
0x28e: {  	s26 =	sadd.s32 $0x500, s2;
	[tilespmem:s5+$0x8200] =	vst v1;
	v1 =	vld [tilespmem:s23+$0xFFFFFE80]  }
0x28f: {  	s6 =	sor.u32 $0x8400, s26;
	[tilespmem:s22+$0x8210] =	vst v6;
	v7 =	vld [tilespmem:s17+$0xFFFFFEE0]  }
0x290: {  	[tilespmem:s6+$0x8200] =	vst v3;
	v3 =	vld [tilespmem:s17+$0xFFFFFFF0]  }
0x291: {  	v4 =	vld [tilespmem:s17+$0xFFFFFF60];
	[tilespmem:s9+$0x8220] =	vst v2  }
0x292: {  	[tilespmem:s11+$0x8230] =	vst v0;
	v0 =	vld [tilespmem:s23+$0xFFFFFF00]  }
0x293: {  	s28 =	simm.s32 $0x10200;
	p0 =	por !p0, !p0;
	s24 =	simm.s32 $0x400;
	v2 =	vld [tilespmem:s17+$0xFFFFFE70];
	[tilespmem:s0+$0x8230] =	vst v1  }
0x294: {  	s26 =	simm.s32 $0x500;
	s11 =	simm.s32 $0x4;
	v1 =	vld [tilespmem:s23+$0xFFFFFF80];
	s0 =	simm.s32 $0x45B0;
	[tilespmem:s5+$0x8210] =	vst v7  }
.LBB2_14:
0x295: {  	s1 =	simm.s32 $0x1  }
0x296: {  	v5 =	vld [tilespmem:s17+$0xFFFFFEF0];
	[tilespmem:s6+$0x8210] =	vst v4;
	s20 =	sadd.s32 $0x4, s20;
	s0 =	sadd.s32 $0x200, s0;
	s1 =	simm.s32 @!p0 $0x0  }
0x297: {  	s11 =	sadd.s32 $0x4, s11;
	s2 =	sand.u32 $0x7, s20;
	s1 =	sshll.u32 s1, $0x9;
	v4 =	vld [tilespmem:s0+$0xFFFFFFD0];
	[tilespmem:s7+$0x8230] =	vst v0  }
0x298: {  	s24 =	sadd.s32 $0x400, s24;
	p1 =	slt.u32 s11, $0x3C;
	s2 =	sshll.u32 s2, $0x7;
	v0 =	vld [tilespmem:s0+$0xFFFFFE50];
	[tilespmem:s21+$0x8220] =	vst v3  }
0x299: {  	s7 =	smov.u32 s5;
	s2 =	sadd.s32 s2, s24;
	s1 =	sadd.s32 s1, s24;
	[tilespmem:s22+$0x8220] =	vst v2;
	v2 =	vld [tilespmem:s17+$0x0]  }
0x29a: {  	s1 =	sor.u32 $0x8400, s1;
	s5 =	sadd.s32 $0x80, s2;
	s2 =	sadd.s32 $0x180, s2;
	v3 =	vld [tilespmem:s0+$0xFFFFFED0];
	[tilespmem:s9+$0x8230] =	vst v1  }
0x29b: {  	s4 =	sadd.s32 $0x2, s4;
	s5 =	sor.u32 $0x8400, s5;
	s2 =	sor.u32 $0x8400, s2;
	v1 =	vld [tilespmem:s0+$0xFFFFFF50];
	[tilespmem:s7+$0x8220] =	vst v5  }
0x29c: {  	s8 =	sand.u32 $0x3, s4;
	s9 =	smov.u32 s6;
	[tilespmem:s2+$0x8200] =	vst v4;
	v5 =	vld [tilespmem:s17+$0xFFFFFF70]  }
0x29d: {  	s26 =	sadd.s32 $0x400, s26;
	s6 =	sshll.u32 s8, $0x8;
	[tilespmem:s1+$0x8200] =	vst v0;
	v0 =	vld [tilespmem:s0+$0xFFFFFFE0]  }
0x29e: {  	s6 =	sadd.s32 s6, s26;
	v6 =	vld [tilespmem:s0+$0xFFFFFE60];
	[tilespmem:s21+$0x8230] =	vst v2;
	s21 =	smov.u32 s2  }
0x29f: {  	s6 =	sor.u32 $0x8400, s6;
	[tilespmem:s5+$0x8200] =	vst v3;
	v7 =	vld [tilespmem:s17+$0xFFFFFE80]  }
0x2a0: {  	v8 =	vld [tilespmem:s0+$0xFFFFFEE0];
	[tilespmem:s6+$0x8200] =	vst v1  }
.Ltmp6:
0x2a1: {  	v4 =	vld [tilespmem:s0+$0xFFFFFF60];
	[tilespmem:s9+$0x8220] =	vst v5;
	(pc) =	sbr.rel @p1 .LBB2_14-.Ltmp6, $4  }
0x2a2: {  	[tilespmem:s21+$0x8210] =	vst v0;
	v0 =	vld [tilespmem:s17+$0xFFFFFF00]  }
0x2a3: {  	[tilespmem:s1+$0x8210] =	vst v6;
	v3 =	vld [tilespmem:s0+$0xFFFFFFF0]  }
0x2a4: {  	v2 =	vld [tilespmem:s0+$0xFFFFFE70];
	[tilespmem:s22+$0x8230] =	vst v7;
	s22 =	smov.u32 s1  }
0x2a5: {  	p0 =	por !p0, !p0;
	[tilespmem:s5+$0x8210] =	vst v8;
	v1 =	vld [tilespmem:s17+$0xFFFFFF80];
	s17 =	smov.u32 s0  }
0x2a6: {  	v5 =	vld [tilespmem:s17+$0xFFFFFEF0];
	[tilespmem:s6+$0x8210] =	vst v4  }
0x2a7: {  	v4 =	vld [tilespmem:s17+$0xFFFFFF70];
	_ =	sdelay $0x1  }
0x2a8: {  	[tilespmem:s21+$0x8220] =	vst v3  }
0x2a9: {  	[tilespmem:s22+$0x8220] =	vst v2;
	v2 =	vld [tilespmem:s17+$0x0]  }
0x2aa: {  	v3 =	vld [tilespmem:s17+$0xFFFFFE80];
	[tilespmem:s5+$0x8220] =	vst v5  }
0x2ab: {  	[tilespmem:s6+$0x8220] =	vst v4;
	v4 =	vld [tilespmem:s17+$0xFFFFFF00]  }
0x2ac: {  	[tilespmem:s7+$0x8230] =	vst v0;
	v0 =	vld [tilespmem:s17+$0xFFFFFF80]  }
0x2ad: {  	[tilespmem:s9+$0x8230] =	vst v1  }
0x2ae: {  	[tilespmem:s21+$0x8230] =	vst v2  }
0x2af: {  	[tilespmem:s22+$0x8230] =	vst v3  }
0x2b0: {  	[tilespmem:s5+$0x8230] =	vst v4  }
0x2b1: {  	[tilespmem:s6+$0x8230] =	vst v0  }
0x2b2: {  	s1 =	simm.s32 $0x0;
	s0 =	rddreg [dreg:$0x10]  }
0x2b3: {  	[hbm4b:s0+s1] =	stream.linear.scatter [tilespmem:s28], [sflag:$0x3], $0x4000, $0x38;
	[tilespmem:$0x1C200] =	vst v63  }
0x2b4: {  	_ =	swait.ge [sflag:s30], $0x2000  }
0x2b5: {  	[sflag:s30] =	ssyncset.done $0x0  }
0x2b6: {  	[sflag:s30] =	ssyncadd.s32 $0xFFFFE000  }
0x2b7: {  	_ =	swait.ge [sflag:s19], $0x2000  }
0x2b8: {  	[sflag:s19] =	ssyncset.done $0x0  }
0x2b9: {  	s23 =	simm.s32 $0x63B0;
	[sflag:s19] =	ssyncadd.s32 $0xFFFFE000  }
0x2ba: {  	p0 =	por $0x0, $0x0;
	s2 =	simm.s32 $0x1;
	s9 =	sand.u32 $0x7, s1;
	v1 =	vld [tilespmem:s23+$0xFFFFFE50]  }
0x2bb: {  	s2 =	simm.s32 @!p0 $0x0;
	s0 =	sshll.u32 s9, $0x7  }
0x2bc: {  	s2 =	sshll.u32 s2, $0x9;
	s4 =	sadd.s32 $0x0, s0;
	v0 =	vld [tilespmem:s23+$0xFFFFFFD0]  }
0x2bd: {  	s17 =	sadd.s32 $0x0, s2;
	s0 =	sadd.s32 $0x180, s4;
	v2 =	vld [tilespmem:s23+$0xFFFFFED0]  }
0x2be: {  	s11 =	sor.u32 $0xC400, s0;
	s0 =	sor.u32 $0xC400, s17  }
0x2bf: {  	[tilespmem:s0+$0x8200] =	vst v1  }
0x2c0: {  	s20 =	sadd.s32 $0x80, s4;
	v1 =	vld [tilespmem:s23+$0xFFFFFE60]  }
0x2c1: {  	s7 =	sor.u32 $0xC400, s20;
	v3 =	vld [tilespmem:s23+$0xFFFFFF50];
	[tilespmem:s11+$0x8200] =	vst v0  }
0x2c2: {  	s1 =	sand.u32 $0x3, s1;
	[tilespmem:s7+$0x8200] =	vst v2;
	v0 =	vld [tilespmem:s23+$0xFFFFFFE0]  }
0x2c3: {  	s1 =	sshll.u32 s1, $0x8;
	s20 =	simm.s32 $0x4;
	s17 =	simm.s32 $0x65B0;
	v2 =	vld [tilespmem:s23+$0xFFFFFEE0]  }
0x2c4: {  	p0 =	por !p0, !p0;
	s1 =	sadd.s32 $0x100, s1;
	s21 =	sand.u32 $0x7, s20;
	v4 =	vld [tilespmem:s17+$0xFFFFFFD0]  }
0x2c5: {  	s2 =	simm.s32 $0x1;
	s9 =	sor.u32 $0xC400, s1;
	s1 =	sshll.u32 s21, $0x7;
	v5 =	vld [tilespmem:s17+$0xFFFFFE50];
	[tilespmem:s0+$0x8210] =	vst v1  }
0x2c6: {  	s2 =	simm.s32 @!p0 $0x0;
	s1 =	sadd.s32 $0x400, s1;
	[tilespmem:s9+$0x8200] =	vst v3;
	v1 =	vld [tilespmem:s23+$0xFFFFFE70]  }
0x2c7: {  	s2 =	sshll.u32 s2, $0x9;
	s22 =	sadd.s32 $0x180, s1;
	v3 =	vld [tilespmem:s23+$0xFFFFFF60];
	[tilespmem:s11+$0x8210] =	vst v0  }
0x2c8: {  	s2 =	sadd.s32 $0x400, s2;
	s21 =	sor.u32 $0xC400, s22;
	[tilespmem:s7+$0x8210] =	vst v2;
	v0 =	vld [tilespmem:s23+$0xFFFFFFF0]  }
0x2c9: {  	s22 =	sor.u32 $0xC400, s2;
	[tilespmem:s21+$0x8200] =	vst v4;
	v2 =	vld [tilespmem:s23+$0xFFFFFEF0]  }
0x2ca: {  	[tilespmem:s22+$0x8200] =	vst v5;
	v5 =	vld [tilespmem:s17+$0xFFFFFFE0]  }
0x2cb: {  	[tilespmem:s0+$0x8220] =	vst v1;
	v1 =	vld [tilespmem:s17+$0xFFFFFED0]  }
0x2cc: {  	v6 =	vld [tilespmem:s17+$0xFFFFFE60];
	[tilespmem:s9+$0x8210] =	vst v3  }
0x2cd: {  	s4 =	simm.s32 $0x2;
	v3 =	vld [tilespmem:s17+$0xFFFFFF50];
	[tilespmem:s11+$0x8220] =	vst v0  }
0x2ce: {  	s24 =	sand.u32 $0x3, s4;
	s1 =	sadd.s32 $0x80, s1;
	[tilespmem:s7+$0x8220] =	vst v2;
	v2 =	vld [tilespmem:s23+$0xFFFFFF70]  }
0x2cf: {  	s2 =	sshll.u32 s24, $0x8;
	s5 =	sor.u32 $0xC400, s1;
	[tilespmem:s21+$0x8210] =	vst v5;
	v0 =	vld [tilespmem:s23+$0x0]  }
0x2d0: {  	s26 =	sadd.s32 $0x500, s2;
	[tilespmem:s5+$0x8200] =	vst v1;
	v1 =	vld [tilespmem:s23+$0xFFFFFE80]  }
0x2d1: {  	s6 =	sor.u32 $0xC400, s26;
	[tilespmem:s22+$0x8210] =	vst v6;
	v7 =	vld [tilespmem:s17+$0xFFFFFEE0]  }
0x2d2: {  	[tilespmem:s6+$0x8200] =	vst v3;
	v3 =	vld [tilespmem:s17+$0xFFFFFFF0]  }
0x2d3: {  	v4 =	vld [tilespmem:s17+$0xFFFFFF60];
	[tilespmem:s9+$0x8220] =	vst v2  }
0x2d4: {  	[tilespmem:s11+$0x8230] =	vst v0;
	v0 =	vld [tilespmem:s23+$0xFFFFFF00]  }
0x2d5: {  	p0 =	por !p0, !p0;
	s24 =	simm.s32 $0x400;
	v2 =	vld [tilespmem:s17+$0xFFFFFE70];
	[tilespmem:s0+$0x8230] =	vst v1  }
0x2d6: {  	s26 =	simm.s32 $0x500;
	s11 =	simm.s32 $0x4;
	v1 =	vld [tilespmem:s23+$0xFFFFFF80];
	s0 =	simm.s32 $0x65B0;
	[tilespmem:s5+$0x8210] =	vst v7  }
.LBB2_16:
0x2d7: {  	s1 =	simm.s32 $0x1  }
0x2d8: {  	v5 =	vld [tilespmem:s17+$0xFFFFFEF0];
	[tilespmem:s6+$0x8210] =	vst v4;
	s20 =	sadd.s32 $0x4, s20;
	s0 =	sadd.s32 $0x200, s0;
	s1 =	simm.s32 @!p0 $0x0  }
0x2d9: {  	s11 =	sadd.s32 $0x4, s11;
	s2 =	sand.u32 $0x7, s20;
	s1 =	sshll.u32 s1, $0x9;
	v4 =	vld [tilespmem:s0+$0xFFFFFFD0];
	[tilespmem:s7+$0x8230] =	vst v0  }
0x2da: {  	s24 =	sadd.s32 $0x400, s24;
	p1 =	slt.u32 s11, $0x3C;
	s2 =	sshll.u32 s2, $0x7;
	v0 =	vld [tilespmem:s0+$0xFFFFFE50];
	[tilespmem:s21+$0x8220] =	vst v3  }
0x2db: {  	s7 =	smov.u32 s5;
	s2 =	sadd.s32 s2, s24;
	s1 =	sadd.s32 s1, s24;
	[tilespmem:s22+$0x8220] =	vst v2;
	v2 =	vld [tilespmem:s17+$0x0]  }
0x2dc: {  	s1 =	sor.u32 $0xC400, s1;
	s5 =	sadd.s32 $0x80, s2;
	s2 =	sadd.s32 $0x180, s2;
	v3 =	vld [tilespmem:s0+$0xFFFFFED0];
	[tilespmem:s9+$0x8230] =	vst v1  }
0x2dd: {  	s4 =	sadd.s32 $0x2, s4;
	s5 =	sor.u32 $0xC400, s5;
	s2 =	sor.u32 $0xC400, s2;
	v1 =	vld [tilespmem:s0+$0xFFFFFF50];
	[tilespmem:s7+$0x8220] =	vst v5  }
0x2de: {  	s8 =	sand.u32 $0x3, s4;
	s9 =	smov.u32 s6;
	[tilespmem:s2+$0x8200] =	vst v4;
	v5 =	vld [tilespmem:s17+$0xFFFFFF70]  }
0x2df: {  	s26 =	sadd.s32 $0x400, s26;
	s6 =	sshll.u32 s8, $0x8;
	[tilespmem:s1+$0x8200] =	vst v0;
	v0 =	vld [tilespmem:s0+$0xFFFFFFE0]  }
0x2e0: {  	s6 =	sadd.s32 s6, s26;
	v6 =	vld [tilespmem:s0+$0xFFFFFE60];
	[tilespmem:s21+$0x8230] =	vst v2;
	s21 =	smov.u32 s2  }
0x2e1: {  	s6 =	sor.u32 $0xC400, s6;
	[tilespmem:s5+$0x8200] =	vst v3;
	v7 =	vld [tilespmem:s17+$0xFFFFFE80]  }
0x2e2: {  	v8 =	vld [tilespmem:s0+$0xFFFFFEE0];
	[tilespmem:s6+$0x8200] =	vst v1  }
.Ltmp7:
0x2e3: {  	v4 =	vld [tilespmem:s0+$0xFFFFFF60];
	[tilespmem:s9+$0x8220] =	vst v5;
	(pc) =	sbr.rel @p1 .LBB2_16-.Ltmp7, $4  }
0x2e4: {  	[tilespmem:s21+$0x8210] =	vst v0;
	v0 =	vld [tilespmem:s17+$0xFFFFFF00]  }
0x2e5: {  	[tilespmem:s1+$0x8210] =	vst v6;
	v3 =	vld [tilespmem:s0+$0xFFFFFFF0]  }
0x2e6: {  	v2 =	vld [tilespmem:s0+$0xFFFFFE70];
	[tilespmem:s22+$0x8230] =	vst v7;
	s22 =	smov.u32 s1  }
0x2e7: {  	p0 =	por !p0, !p0;
	[tilespmem:s5+$0x8210] =	vst v8;
	v1 =	vld [tilespmem:s17+$0xFFFFFF80];
	s17 =	smov.u32 s0  }
0x2e8: {  	v5 =	vld [tilespmem:s17+$0xFFFFFEF0];
	[tilespmem:s6+$0x8210] =	vst v4  }
0x2e9: {  	v4 =	vld [tilespmem:s17+$0xFFFFFF70];
	_ =	sdelay $0x1  }
0x2ea: {  	[tilespmem:s21+$0x8220] =	vst v3  }
0x2eb: {  	[tilespmem:s22+$0x8220] =	vst v2;
	v60 =	vld [tilespmem:s17+$0x0]  }
0x2ec: {  	v61 =	vld [tilespmem:s17+$0xFFFFFE80];
	[tilespmem:s5+$0x8220] =	vst v5  }
0x2ed: {  	[tilespmem:s6+$0x8220] =	vst v4;
	v62 =	vld [tilespmem:s17+$0xFFFFFF00]  }
0x2ee: {  	[tilespmem:s7+$0x8230] =	vst v0;
	v63 =	vld [tilespmem:s17+$0xFFFFFF80]  }
0x2ef: {  	[tilespmem:s9+$0x8230] =	vst v1  }
0x2f0: {  	[tilespmem:s21+$0x8230] =	vst v60  }
0x2f1: {  	[tilespmem:s22+$0x8230] =	vst v61  }
0x2f2: {  	[tilespmem:s5+$0x8230] =	vst v62  }
0x2f3: {  	[tilespmem:s6+$0x8230] =	vst v63  }
0x2f4: {  	s0 =	rddreg [dreg:$0x11]  }
0x2f5: {  	[hbm4b:s0+s3] =	stream.linear.scatter [tilespmem:s31], [sflag:$0x3], $0x4000, $0x38;
	[tilespmem:$0x1C200] =	vst v63  }
0x2f6: {  	_ =	swait.ge [sflag:s25], $0x4000  }
0x2f7: {  	[sflag:s25] =	ssyncset.done $0x0  }
0x2f8: {  	[sflag:s25] =	ssyncadd.s32 $0xFFFFC000  }
0x2f9: {  	_ =	swait.ge [sflag:s25], $0x4000  }
0x2fa: {  	[sflag:s25] =	ssyncset.done $0x0  }
0x2fb: {  	[sflag:s25] =	ssyncadd.s32 $0xFFFFC000  }
0x2fc: {  	_ =	swait.ge [sflag:s25], $0x4000  }
0x2fd: {  	[sflag:s25] =	ssyncset.done $0x0  }
0x2fe: {  	[sflag:s25] =	ssyncadd.s32 $0xFFFFC000  }
0x2ff: {  	_ =	swait.ge [sflag:s25], $0x4000  }
0x300: {  	s1 =	sld [smem:$0x7F2];
	_ =	sdelay $0x2  }
0x301: {  	s31 =	rddreg [dreg:$0x15];
	s1 =	sadd.s32 $0x1, s1  }
0x302: {  	p0 =	sne.s32 s1, s31  }
.Ltmp8:
0x303: {  	_ = 	snop;
	(pc) =	sbr.rel @p0 .LBB2_1-.Ltmp8, $3  }
0x304: {  	_ =	sdelay $0x1  }
0x305: {  	[sflag:s25] =	ssyncset.done $0x0  }
0x306: {  	[sflag:s25] =	ssyncadd.s32 $0xFFFFC000  }
0x307: {  	_ =	sfence.sel $0x180000  }
0x308: {  	[bflag:$0x0] =	sbarrier.arrive $0xFFFF  }
0x309: {  	_ =	strace $0x90000047  }
0x30a: {  	s0 =	stileid.u32;
	[bflag:$0x2] =	sbarrier.arrive $0xFFFF  }
0x30b: {  	p0 =	sne.s32 s0, $0x0;
	s0 =	rddreg [dreg:$0x3]  }
0x30c: {  	s0 =	sadd.s32 @!p0 $0x100000, s0  }
0x30d: {  	[sflag:s0] =	ssyncadd.tile.s32 @!p0 $0x1;
	_ =	shalt  }
.Lfunc_end2:
_tile_overlayer_lowered:
.L_overlay_start_2:
0x30e: {  	(tag) =	ssettag $0x2  }
0x30f: {  	s0 =	rddreg [dreg:$0x0];
	s2 =	stileid.u32  }
0x310: {  	s1 =	rddreg [dreg:$0x1];
	p0 =	sne.s32 s2, $0x0  }
0x311: {  	s3 =	rddreg [dreg:$0x2];
	[bflag:$0x3] =	sbarrier.arrive $0xFFFF;
	s2 =	simm.s32 @!p0 $0x1C06  }
0x312: {  	[timem:s3], [sflag:s2] =	dma.local @!p0 [hbm:s0], s1  }
0x313: {  	s0 =	simm.s32 @!p0 $0x6  }
0x314: {  	_ =	swait.ge @!p0 [sflag:s0], s1  }
0x315: {  	s1 =	ssub.s32 @!p0 $0x0, s1;
	[sflag:s0] =	ssyncset.done @!p0 $0x0  }
0x316: {  	[sflag:s0] =	ssyncadd.s32 @!p0 s1  }
0x317: {  	[bflag:$0x3] =	sbarrier.arrive $0xFFFF  }
0x318: {  	_ =	shalt  }

</sc_bundles>
